<compile_context>
chip_gen: v7x
topology: tpu7x:2x2x1
jax: 0.10.2.dev20260603
libtpu: 0.0.44.dev20260713+nightly
codegen_flags: <defaults>
</compile_context>

<pallas_src>
import jax
import jax.numpy as jnp
from jax import lax
from jax.experimental import pallas as pl
from jax.experimental.pallas import tpu as pltpu
from jax.experimental.pallas import tpu_sc as plsc

N = 10000
E = 160000
NC = 2
NS = 16
LANES = 128

EPT = E // NS
CH = 40
NCHUNK = EPT // CH
NBUF = 5
NP = 10112
RPT = NP // NS

NW = NC * NS
EPW = E // NW
CW = 128
CCH = 40
NCC = EPW // CCH

_MESH = plsc.VectorSubcoreMesh(core_axis_name="c", subcore_axis_name="s")



def _cnt_body(dst2w_hbm, zcnt, ones_hbm, cnt_hbm, cntacc, dstlall, onesbuf,
              sz, so, sd):
  c = lax.axis_index("c")
  s = lax.axis_index("s")
  w = s * NC + c

  a = pltpu.async_copy(zcnt, cntacc.at[pl.ds(s * RPT, RPT)], sz)
  b = pltpu.async_copy(ones_hbm, onesbuf, so)
  e = pltpu.async_copy(dst2w_hbm.at[w], dstlall, sd)
  a.wait()
  b.wait()
  e.wait()
  plsc.subcore_barrier()

  def group(g, _):
    descs = []
    for t in range(5):
      k = g * 5 + t
      descs.append(pltpu.async_copy(
          onesbuf, cntacc.at[dstlall.at[pl.ds(k * CCH, CCH)]], sz, add=True))
    for dsc in descs:
      dsc.wait()
    return 0
  lax.fori_loop(0, NCC // 5, group, 0)

  plsc.subcore_barrier()
  pltpu.sync_copy(cntacc.at[pl.ds(s * RPT, RPT)],
                  cnt_hbm.at[c, pl.ds(s * RPT, RPT)])


_sc_cnt = pl.kernel(
    _cnt_body,
    out_type=jax.ShapeDtypeStruct((NC, NP, CW), jnp.float32),
    mesh=_MESH,
    scratch_types=[
        pltpu.VMEM_SHARED((NP, CW), jnp.float32),
        pltpu.VMEM((EPW,), jnp.int32),
        pltpu.VMEM((CCH, CW), jnp.float32),
        pltpu.SemaphoreType.DMA,
        pltpu.SemaphoreType.DMA,
        pltpu.SemaphoreType.DMA,
    ],
)



def _agg_body(u3_hbm, src2_hbm, dst2_hbm, zrow, agg_hbm, acc, srcall, dstall,
              *bs):
  c = lax.axis_index("c")
  s = lax.axis_index("s")
  bufs = bs[:NBUF]
  sems = bs[NBUF + 3:]

  z = pltpu.async_copy(zrow, acc.at[pl.ds(s * RPT, RPT)], bs[NBUF])
  a = pltpu.async_copy(src2_hbm.at[s], srcall, bs[NBUF + 1])
  b = pltpu.async_copy(dst2_hbm.at[s], dstall, bs[NBUF + 2])
  z.wait()
  a.wait()
  b.wait()
  plsc.subcore_barrier()

  uc = u3_hbm.at[c]

  def fire(k, b):
    pltpu.async_copy(uc.at[srcall.at[pl.ds(k * CH, CH)]], bufs[b], sems[b])

  def finish(k, b):
    pltpu.make_async_copy(uc.at[srcall.at[pl.ds(0, CH)]],
                          bufs[b], sems[b]).wait()
    pltpu.sync_copy(bufs[b], acc.at[dstall.at[pl.ds(k * CH, CH)]],
                    add=True)

  for b in range(NBUF):
    fire(b, b)

  def outer(j, _):
    for b in range(NBUF):
      k = j * NBUF + b
      finish(k, b)
      fire(k + NBUF, b)
    return 0
  lax.fori_loop(0, NCHUNK // NBUF - 2, outer, 0)

  for b in range(NBUF):
    k = NCHUNK - 2 * NBUF + b
    finish(k, b)
    fire(k + NBUF, b)
  for b in range(NBUF):
    finish(NCHUNK - NBUF + b, b)

  plsc.subcore_barrier()
  pltpu.sync_copy(acc.at[pl.ds(s * RPT, RPT)],
                  agg_hbm.at[c, pl.ds(s * RPT, RPT)])


_sc_agg = pl.kernel(
    _agg_body,
    out_type=jax.ShapeDtypeStruct((NC, NP, LANES), jnp.float32),
    mesh=_MESH,
    scratch_types=[
        pltpu.VMEM_SHARED((NP, LANES), jnp.float32),
        pltpu.VMEM((EPT,), jnp.int32),
        pltpu.VMEM((EPT,), jnp.int32),
    ] + [pltpu.VMEM((CH, LANES), jnp.float32) for _ in range(NBUF)]
      + [pltpu.SemaphoreType.DMA for _ in range(NBUF + 3)],
)



BM = 1000


def _prep_body(x_ref, c0_ref, c1_ref, u_ref, d_ref):
  d = lax.rsqrt(c0_ref[0, :, :1] + c1_ref[0, :, :1] + 1.0)
  ux = d * x_ref[...]
  u_ref[0] = ux[:, :LANES]
  u_ref[1] = ux[:, LANES:]
  d_ref[...] = d


def _tc_prep(x, c0, c1):
  return pl.pallas_call(
      _prep_body,
      grid=(N // BM,),
      in_specs=[
          pl.BlockSpec((BM, 256), lambda i: (i, 0)),
          pl.BlockSpec((1, BM, LANES), lambda i: (0, i, 0)),
          pl.BlockSpec((1, BM, LANES), lambda i: (1, i, 0)),
      ],
      out_specs=[
          pl.BlockSpec((2, BM, LANES), lambda i: (0, i, 0)),
          pl.BlockSpec((BM, 1), lambda i: (i, 0)),
      ],
      out_shape=[
          jax.ShapeDtypeStruct((2, N, LANES), jnp.float32),
          jax.ShapeDtypeStruct((N, 1), jnp.float32),
      ],
  )(x, c0, c1)


def _mid_body(a_ref, u_ref, d_ref, w1_ref, b1_ref, w2_ref, u2_ref):
  agg = jnp.concatenate([a_ref[0], a_ref[1]], axis=1)
  uu = jnp.concatenate([u_ref[0], u_ref[1]], axis=1)
  p = d_ref[...] * (agg + uu)
  h = jnp.dot(p, w1_ref[...], preferred_element_type=jnp.float32) + b1_ref[...]
  h = jnp.maximum(h, 0.0)
  t = d_ref[...] * jnp.dot(h, w2_ref[...], preferred_element_type=jnp.float32)
  u2_ref[0] = t[:, :LANES]
  u2_ref[1] = t[:, LANES:]


def _tc_mid(aggp, u, dcol, W1, b1, W2):
  return pl.pallas_call(
      _mid_body,
      grid=(N // BM,),
      in_specs=[
          pl.BlockSpec((2, BM, LANES), lambda i: (0, i, 0)),
          pl.BlockSpec((2, BM, LANES), lambda i: (0, i, 0)),
          pl.BlockSpec((BM, 1), lambda i: (i, 0)),
          pl.BlockSpec((256, 512), lambda i: (0, 0)),
          pl.BlockSpec((1, 512), lambda i: (0, 0)),
          pl.BlockSpec((512, 256), lambda i: (0, 0)),
      ],
      out_specs=pl.BlockSpec((2, BM, LANES), lambda i: (0, i, 0)),
      out_shape=jax.ShapeDtypeStruct((2, N, LANES), jnp.float32),
  )(aggp, u, dcol, W1, b1, W2)


def _final_body(a_ref, u2_ref, d_ref, b_ref, z_ref):
  d = d_ref[...]
  agg = jnp.concatenate([a_ref[0], a_ref[1]], axis=1)
  uu = jnp.concatenate([u2_ref[0], u2_ref[1]], axis=1)
  z_ref[...] = d * (agg + uu) + b_ref[...]


def _tc_final(aggp, u2, dcol, b2):
  return pl.pallas_call(
      _final_body,
      grid=(N // BM,),
      in_specs=[
          pl.BlockSpec((2, BM, LANES), lambda i: (0, i, 0)),
          pl.BlockSpec((2, BM, LANES), lambda i: (0, i, 0)),
          pl.BlockSpec((BM, 1), lambda i: (i, 0)),
          pl.BlockSpec((1, 256), lambda i: (0, 0)),
      ],
      out_specs=pl.BlockSpec((BM, 256), lambda i: (i, 0)),
      out_shape=jax.ShapeDtypeStruct((N, 256), jnp.float32),
  )(aggp, u2, dcol, b2)


@jax.jit
def kernel(x, edge_index, W1, b1, W2, b2):
  src = edge_index[0].astype(jnp.int32)
  dst = edge_index[1].astype(jnp.int32)
  src2 = src.reshape(NS, EPT)
  dst2 = dst.reshape(NS, EPT)
  dst2w = dst.reshape(NW, EPW)

  zrow = jnp.zeros((RPT, LANES), jnp.float32)
  zcnt = jnp.zeros((RPT, CW), jnp.float32)
  ones = jnp.ones((CCH, CW), jnp.float32)

  cnt = _sc_cnt(dst2w, zcnt, ones)
  u, dcol = _tc_prep(x, cnt, cnt)
  agg1 = _sc_agg(u, src2, dst2, zrow)
  u2 = _tc_mid(agg1, u, dcol, W1, b1.reshape(1, 512), W2)
  agg2 = _sc_agg(u2, src2, dst2, zrow)
  z = _tc_final(agg2, u2, dcol, b2.reshape(1, 256))
  return z

# --- scband reference (transcript-rebuilt; emitter-appended) ---
"""Pipeline reference for scband-outcome-gae-4750233829580 (READ-ONLY COPY).

The authoritative reference and input builder live on the scoring server;
editing this copy changes nothing except your own understanding.
"""

import jax, jax.numpy as jnp
import numpy as np

N_NODES = 10000


def gcn_conv(x, edge_index, W, b):
    n = x.shape[0]
    src = edge_index[0]
    dst = edge_index[1]
    loop = jnp.arange(n, dtype=edge_index.dtype)
    src = jnp.concatenate([src, loop])
    dst = jnp.concatenate([dst, loop])
    h = x @ W
    deg = jnp.zeros((n,), dtype=x.dtype).at[dst].add(1.0)
    deg_inv_sqrt = jnp.where(deg > 0, 1.0 / jnp.sqrt(deg), 0.0)
    norm = deg_inv_sqrt[src] * deg_inv_sqrt[dst]
    msg = h[src] * norm[:, None]
    out = jnp.zeros((n, W.shape[1]), dtype=x.dtype).at[dst].add(msg)
    return out + b


def setup_inputs(seed: int = 0) -> dict:
    key = jax.random.key(seed)
    k1, k2, k3, k4, k5, k6 = jax.random.split(key, 6)
    in_ch, hid_ch, out_ch = 256, 512, 256
    x = jax.random.normal(k1, (N_NODES, in_ch), dtype=jnp.float32)
    edge_index = jax.random.randint(k2, (2, 160000), 0, N_NODES, dtype=jnp.int64)
    W1 = jax.random.normal(k3, (in_ch, hid_ch), dtype=jnp.float32) * (1.0 / np.sqrt(in_ch))
    b1 = jnp.zeros((hid_ch,), dtype=jnp.float32)
    W2 = jax.random.normal(k4, (hid_ch, out_ch), dtype=jnp.float32) * (1.0 / np.sqrt(hid_ch))
    b2 = jnp.zeros((out_ch,), dtype=jnp.float32)
    return {"x": x, "edge_index": edge_index, "W1": W1, "b1": b1, "W2": W2, "b2": b2}


def reference(x, edge_index, W1, b1, W2, b2):
    # GCNEncoder: conv1 -> ReLU -> (dropout is identity at eval) -> conv2
    h = gcn_conv(x, edge_index, W1, b1)
    h = jax.nn.relu(h)
    z = gcn_conv(h, edge_index, W2, b2)
    return z

if __name__ == "__main__":
    import jax
    _d = setup_inputs()
    print(jax.jit(kernel)(*tuple(_d.values())))

</pallas_src>

<mosaic_0001>
#map = affine_map<(d0, d1) -> (0, 0, 0)>
#map1 = affine_map<(d0, d1) -> (0, 0)>
module attributes {stable_mosaic.version = 14 : i64} {
  func.func @_agg_body(%arg0: i32, %arg1: i32, %arg2: memref<2x10000x128xf32, #tpu.memory_space<hbm>>, %arg3: memref<16x10000xi32, #tpu.memory_space<hbm>>, %arg4: memref<16x10000xi32, #tpu.memory_space<hbm>>, %arg5: memref<632x128xf32, #tpu.memory_space<hbm>>, %arg6: memref<2x10112x128xf32, #tpu.memory_space<hbm>>, %arg7: memref<10112x128xf32, #tpu.memory_space<vmem_shared>>, %arg8: memref<10000xi32, #tpu.memory_space<vmem>>, %arg9: memref<10000xi32, #tpu.memory_space<vmem>>, %arg10: memref<40x128xf32, #tpu.memory_space<vmem>>, %arg11: memref<40x128xf32, #tpu.memory_space<vmem>>, %arg12: memref<40x128xf32, #tpu.memory_space<vmem>>, %arg13: memref<40x128xf32, #tpu.memory_space<vmem>>, %arg14: memref<40x128xf32, #tpu.memory_space<vmem>>, %arg15: memref<!tpu.dma_semaphore, #tpu.memory_space<semaphore_mem>>, %arg16: memref<!tpu.dma_semaphore, #tpu.memory_space<semaphore_mem>>, %arg17: memref<!tpu.dma_semaphore, #tpu.memory_space<semaphore_mem>>, %arg18: memref<!tpu.dma_semaphore, #tpu.memory_space<semaphore_mem>>, %arg19: memref<!tpu.dma_semaphore, #tpu.memory_space<semaphore_mem>>, %arg20: memref<!tpu.dma_semaphore, #tpu.memory_space<semaphore_mem>>, %arg21: memref<!tpu.dma_semaphore, #tpu.memory_space<semaphore_mem>>, %arg22: memref<!tpu.dma_semaphore, #tpu.memory_space<semaphore_mem>>) attributes {dimension_semantics = [#tpu.dimension_semantics<core_parallel>, #tpu.dimension_semantics<subcore_parallel>], iteration_bounds = array<i64: 2, 16>, scalar_prefetch = 0 : i64, scratch_operands = 16 : i64, tpu.core_type = #tpu.core_type<sc_vector_subcore>, window_params = [{transform_indices = #map}, {transform_indices = #map1}, {transform_indices = #map1}, {transform_indices = #map1}, {transform_indices = #map}]} {
    %mul3A = arith.constant 632 : i32
    %mul3A_0 = arith.muli %arg1, %mul3A : i32
    %dma_start3A = arith.constant 0 : i32
    %dma_start3A_1 = tpu.memref_slice %arg7[%mul3A_0, %dma_start3A] : memref<10112x128xf32, #tpu.memory_space<vmem_shared>> -> memref<632x128xf32, #tpu.memory_space<vmem_shared>>
    tpu.enqueue_dma source(%arg5 : memref<632x128xf32, #tpu.memory_space<hbm>>) target(%dma_start3A_1 : memref<632x128xf32, #tpu.memory_space<vmem_shared>>) target_semaphore(%arg15 : memref<!tpu.dma_semaphore, #tpu.memory_space<semaphore_mem>>)
    %dma_start3A_2 = arith.constant 0 : i32
    %dma_start3A_3 = tpu.memref_slice %arg3[%arg1, %dma_start3A_2] : memref<16x10000xi32, #tpu.memory_space<hbm>> -> memref<1x10000xi32, #tpu.memory_space<hbm>>
    %dma_start3A_4 = tpu.memref_squeeze %dma_start3A_3 : memref<1x10000xi32, #tpu.memory_space<hbm>> -> memref<10000xi32, #tpu.memory_space<hbm>>
    %dma_start3A_5 = arith.constant 0 : i32
    %dma_start3A_6 = tpu.memref_slice %arg3[%arg1, %dma_start3A_5] : memref<16x10000xi32, #tpu.memory_space<hbm>> -> memref<1x10000xi32, #tpu.memory_space<hbm>>
    %dma_start3A_7 = tpu.memref_squeeze %dma_start3A_6 : memref<1x10000xi32, #tpu.memory_space<hbm>> -> memref<10000xi32, #tpu.memory_space<hbm>>
    tpu.enqueue_dma source(%dma_start3A_7 : memref<10000xi32, #tpu.memory_space<hbm>>) target(%arg8 : memref<10000xi32, #tpu.memory_space<vmem>>) target_semaphore(%arg16 : memref<!tpu.dma_semaphore, #tpu.memory_space<semaphore_mem>>)
    %dma_start3A_8 = arith.constant 0 : i32
    %dma_start3A_9 = tpu.memref_slice %arg4[%arg1, %dma_start3A_8] : memref<16x10000xi32, #tpu.memory_space<hbm>> -> memref<1x10000xi32, #tpu.memory_space<hbm>>
    %dma_start3A_10 = tpu.memref_squeeze %dma_start3A_9 : memref<1x10000xi32, #tpu.memory_space<hbm>> -> memref<10000xi32, #tpu.memory_space<hbm>>
    %dma_start3A_11 = arith.constant 0 : i32
    %dma_start3A_12 = tpu.memref_slice %arg4[%arg1, %dma_start3A_11] : memref<16x10000xi32, #tpu.memory_space<hbm>> -> memref<1x10000xi32, #tpu.memory_space<hbm>>
    %dma_start3A_13 = tpu.memref_squeeze %dma_start3A_12 : memref<1x10000xi32, #tpu.memory_space<hbm>> -> memref<10000xi32, #tpu.memory_space<hbm>>
    tpu.enqueue_dma source(%dma_start3A_13 : memref<10000xi32, #tpu.memory_space<hbm>>) target(%arg9 : memref<10000xi32, #tpu.memory_space<vmem>>) target_semaphore(%arg17 : memref<!tpu.dma_semaphore, #tpu.memory_space<semaphore_mem>>)
    %dma_wait3A = arith.constant 0 : i32
    %dma_wait3A_14 = tpu.memref_slice %arg7[%mul3A_0, %dma_wait3A] : memref<10112x128xf32, #tpu.memory_space<vmem_shared>> -> memref<632x128xf32, #tpu.memory_space<vmem_shared>>
    tpu.wait_dma2 semaphore(%arg15 : memref<!tpu.dma_semaphore, #tpu.memory_space<semaphore_mem>>) src(%arg5 : memref<632x128xf32, #tpu.memory_space<hbm>>) dst(%dma_wait3A_14 : memref<632x128xf32, #tpu.memory_space<vmem_shared>>)
    %dma_wait3A_15 = arith.constant 0 : i32
    %dma_wait3A_16 = tpu.memref_slice %arg3[%arg1, %dma_wait3A_15] : memref<16x10000xi32, #tpu.memory_space<hbm>> -> memref<1x10000xi32, #tpu.memory_space<hbm>>
    %dma_wait3A_17 = tpu.memref_squeeze %dma_wait3A_16 : memref<1x10000xi32, #tpu.memory_space<hbm>> -> memref<10000xi32, #tpu.memory_space<hbm>>
    %dma_wait3A_18 = arith.constant 0 : i32
    %dma_wait3A_19 = tpu.memref_slice %arg3[%arg1, %dma_wait3A_18] : memref<16x10000xi32, #tpu.memory_space<hbm>> -> memref<1x10000xi32, #tpu.memory_space<hbm>>
    %dma_wait3A_20 = tpu.memref_squeeze %dma_wait3A_19 : memref<1x10000xi32, #tpu.memory_space<hbm>> -> memref<10000xi32, #tpu.memory_space<hbm>>
    tpu.wait_dma2 semaphore(%arg16 : memref<!tpu.dma_semaphore, #tpu.memory_space<semaphore_mem>>) src(%dma_wait3A_20 : memref<10000xi32, #tpu.memory_space<hbm>>) dst(%arg8 : memref<10000xi32, #tpu.memory_space<vmem>>)
    %dma_wait3A_21 = arith.constant 0 : i32
    %dma_wait3A_22 = tpu.memref_slice %arg4[%arg1, %dma_wait3A_21] : memref<16x10000xi32, #tpu.memory_space<hbm>> -> memref<1x10000xi32, #tpu.memory_space<hbm>>
    %dma_wait3A_23 = tpu.memref_squeeze %dma_wait3A_22 : memref<1x10000xi32, #tpu.memory_space<hbm>> -> memref<10000xi32, #tpu.memory_space<hbm>>
    %dma_wait3A_24 = arith.constant 0 : i32
    %dma_wait3A_25 = tpu.memref_slice %arg4[%arg1, %dma_wait3A_24] : memref<16x10000xi32, #tpu.memory_space<hbm>> -> memref<1x10000xi32, #tpu.memory_space<hbm>>
    %dma_wait3A_26 = tpu.memref_squeeze %dma_wait3A_25 : memref<1x10000xi32, #tpu.memory_space<hbm>> -> memref<10000xi32, #tpu.memory_space<hbm>>
    tpu.wait_dma2 semaphore(%arg17 : memref<!tpu.dma_semaphore, #tpu.memory_space<semaphore_mem>>) src(%dma_wait3A_26 : memref<10000xi32, #tpu.memory_space<hbm>>) dst(%arg9 : memref<10000xi32, #tpu.memory_space<vmem>>)
    %barrier3A = arith.constant 0 : index
    tpu.barrier barrier_id(%barrier3A)
    %dma_start3A_27 = arith.constant 0 : i32
    %dma_start3A_28 = tpu.memref_slice %arg8[%dma_start3A_27] : memref<10000xi32, #tpu.memory_space<vmem>> -> memref<40xi32, #tpu.memory_space<vmem>>
    %dma_start3A_29 = arith.constant 0 : i32
    %dma_start3A_30 = arith.constant 0 : i32
    %dma_start3A_31 = tpu.memref_slice %arg2[%arg0, %dma_start3A_29, %dma_start3A_30] : memref<2x10000x128xf32, #tpu.memory_space<hbm>> -> memref<1x10000x128xf32, #tpu.memory_space<hbm>>
    %dma_start3A_32 = tpu.memref_squeeze %dma_start3A_31 : memref<1x10000x128xf32, #tpu.memory_space<hbm>> -> memref<10000x128xf32, #tpu.memory_space<hbm>>
    %dma_start3A_33 = arith.constant 0 : i32
    %dma_start3A_34 = arith.constant 0 : i32
    %dma_start3A_35 = tpu.memref_slice %dma_start3A_32[%dma_start3A_33, %dma_start3A_34] : memref<10000x128xf32, #tpu.memory_space<hbm>> -> memref<10000x128xf32, #tpu.memory_space<hbm>>
    tpu.enqueue_indirect_dma source(%dma_start3A_35 : memref<10000x128xf32, #tpu.memory_space<hbm>>) target(%arg10 : memref<40x128xf32, #tpu.memory_space<vmem>>) offsets(%dma_start3A_28 : memref<40xi32, #tpu.memory_space<vmem>>) semaphore(%arg18 : memref<!tpu.dma_semaphore, #tpu.memory_space<semaphore_mem>>)
    %dma_start3A_36 = arith.constant 40 : i32
    %dma_start3A_37 = tpu.memref_slice %arg8[%dma_start3A_36] : memref<10000xi32, #tpu.memory_space<vmem>> -> memref<40xi32, #tpu.memory_space<vmem>>
    %dma_start3A_38 = arith.constant 0 : i32
    %dma_start3A_39 = arith.constant 0 : i32
    %dma_start3A_40 = tpu.memref_slice %arg2[%arg0, %dma_start3A_38, %dma_start3A_39] : memref<2x10000x128xf32, #tpu.memory_space<hbm>> -> memref<1x10000x128xf32, #tpu.memory_space<hbm>>
    %dma_start3A_41 = tpu.memref_squeeze %dma_start3A_40 : memref<1x10000x128xf32, #tpu.memory_space<hbm>> -> memref<10000x128xf32, #tpu.memory_space<hbm>>
    %dma_start3A_42 = arith.constant 0 : i32
    %dma_start3A_43 = arith.constant 0 : i32
    %dma_start3A_44 = tpu.memref_slice %dma_start3A_41[%dma_start3A_42, %dma_start3A_43] : memref<10000x128xf32, #tpu.memory_space<hbm>> -> memref<10000x128xf32, #tpu.memory_space<hbm>>
    tpu.enqueue_indirect_dma source(%dma_start3A_44 : memref<10000x128xf32, #tpu.memory_space<hbm>>) target(%arg11 : memref<40x128xf32, #tpu.memory_space<vmem>>) offsets(%dma_start3A_37 : memref<40xi32, #tpu.memory_space<vmem>>) semaphore(%arg19 : memref<!tpu.dma_semaphore, #tpu.memory_space<semaphore_mem>>)
    %dma_start3A_45 = arith.constant 80 : i32
    %dma_start3A_46 = tpu.memref_slice %arg8[%dma_start3A_45] : memref<10000xi32, #tpu.memory_space<vmem>> -> memref<40xi32, #tpu.memory_space<vmem>>
    %dma_start3A_47 = arith.constant 0 : i32
    %dma_start3A_48 = arith.constant 0 : i32
    %dma_start3A_49 = tpu.memref_slice %arg2[%arg0, %dma_start3A_47, %dma_start3A_48] : memref<2x10000x128xf32, #tpu.memory_space<hbm>> -> memref<1x10000x128xf32, #tpu.memory_space<hbm>>
    %dma_start3A_50 = tpu.memref_squeeze %dma_start3A_49 : memref<1x10000x128xf32, #tpu.memory_space<hbm>> -> memref<10000x128xf32, #tpu.memory_space<hbm>>
    %dma_start3A_51 = arith.constant 0 : i32
    %dma_start3A_52 = arith.constant 0 : i32
    %dma_start3A_53 = tpu.memref_slice %dma_start3A_50[%dma_start3A_51, %dma_start3A_52] : memref<10000x128xf32, #tpu.memory_space<hbm>> -> memref<10000x128xf32, #tpu.memory_space<hbm>>
    tpu.enqueue_indirect_dma source(%dma_start3A_53 : memref<10000x128xf32, #tpu.memory_space<hbm>>) target(%arg12 : memref<40x128xf32, #tpu.memory_space<vmem>>) offsets(%dma_start3A_46 : memref<40xi32, #tpu.memory_space<vmem>>) semaphore(%arg20 : memref<!tpu.dma_semaphore, #tpu.memory_space<semaphore_mem>>)
    %dma_start3A_54 = arith.constant 120 : i32
    %dma_start3A_55 = tpu.memref_slice %arg8[%dma_start3A_54] : memref<10000xi32, #tpu.memory_space<vmem>> -> memref<40xi32, #tpu.memory_space<vmem>>
    %dma_start3A_56 = arith.constant 0 : i32
    %dma_start3A_57 = arith.constant 0 : i32
    %dma_start3A_58 = tpu.memref_slice %arg2[%arg0, %dma_start3A_56, %dma_start3A_57] : memref<2x10000x128xf32, #tpu.memory_space<hbm>> -> memref<1x10000x128xf32, #tpu.memory_space<hbm>>
    %dma_start3A_59 = tpu.memref_squeeze %dma_start3A_58 : memref<1x10000x128xf32, #tpu.memory_space<hbm>> -> memref<10000x128xf32, #tpu.memory_space<hbm>>
    %dma_start3A_60 = arith.constant 0 : i32
    %dma_start3A_61 = arith.constant 0 : i32
    %dma_start3A_62 = tpu.memref_slice %dma_start3A_59[%dma_start3A_60, %dma_start3A_61] : memref<10000x128xf32, #tpu.memory_space<hbm>> -> memref<10000x128xf32, #tpu.memory_space<hbm>>
    tpu.enqueue_indirect_dma source(%dma_start3A_62 : memref<10000x128xf32, #tpu.memory_space<hbm>>) target(%arg13 : memref<40x128xf32, #tpu.memory_space<vmem>>) offsets(%dma_start3A_55 : memref<40xi32, #tpu.memory_space<vmem>>) semaphore(%arg21 : memref<!tpu.dma_semaphore, #tpu.memory_space<semaphore_mem>>)
    %dma_start3A_63 = arith.constant 160 : i32
    %dma_start3A_64 = tpu.memref_slice %arg8[%dma_start3A_63] : memref<10000xi32, #tpu.memory_space<vmem>> -> memref<40xi32, #tpu.memory_space<vmem>>
    %dma_start3A_65 = arith.constant 0 : i32
    %dma_start3A_66 = arith.constant 0 : i32
    %dma_start3A_67 = tpu.memref_slice %arg2[%arg0, %dma_start3A_65, %dma_start3A_66] : memref<2x10000x128xf32, #tpu.memory_space<hbm>> -> memref<1x10000x128xf32, #tpu.memory_space<hbm>>
    %dma_start3A_68 = tpu.memref_squeeze %dma_start3A_67 : memref<1x10000x128xf32, #tpu.memory_space<hbm>> -> memref<10000x128xf32, #tpu.memory_space<hbm>>
    %dma_start3A_69 = arith.constant 0 : i32
    %dma_start3A_70 = arith.constant 0 : i32
    %dma_start3A_71 = tpu.memref_slice %dma_start3A_68[%dma_start3A_69, %dma_start3A_70] : memref<10000x128xf32, #tpu.memory_space<hbm>> -> memref<10000x128xf32, #tpu.memory_space<hbm>>
    tpu.enqueue_indirect_dma source(%dma_start3A_71 : memref<10000x128xf32, #tpu.memory_space<hbm>>) target(%arg14 : memref<40x128xf32, #tpu.memory_space<vmem>>) offsets(%dma_start3A_64 : memref<40xi32, #tpu.memory_space<vmem>>) semaphore(%arg22 : memref<!tpu.dma_semaphore, #tpu.memory_space<semaphore_mem>>)
    %scan3A = arith.constant 0 : i32
    %scan3A_72 = arith.constant 0 : i32
    %scan3A_73 = arith.constant 48 : i32
    %scan3A_74 = arith.addi %scan3A_72, %scan3A_73 : i32
    %scan3A_75 = arith.constant 1 : i32
    %scan3A_76 = scf.for %scan3A_218 = %scan3A_72 to %scan3A_74 step %scan3A_75 iter_args(%scan3A_219 = %scan3A) -> (i32)  : i32 {
      %mul3A_220 = arith.constant 5 : i32
      %mul3A_221 = arith.muli %scan3A_218, %mul3A_220 : i32
      %add3A = arith.constant 0 : i32
      %add3A_222 = arith.addi %mul3A_221, %add3A : i32
      %dma_wait3A_223 = arith.constant 0 : i32
      %dma_wait3A_224 = tpu.memref_slice %arg8[%dma_wait3A_223] : memref<10000xi32, #tpu.memory_space<vmem>> -> memref<40xi32, #tpu.memory_space<vmem>>
      %dma_wait3A_225 = arith.constant 0 : i32
      %dma_wait3A_226 = arith.constant 0 : i32
      %dma_wait3A_227 = tpu.memref_slice %arg2[%arg0, %dma_wait3A_225, %dma_wait3A_226] : memref<2x10000x128xf32, #tpu.memory_space<hbm>> -> memref<1x10000x128xf32, #tpu.memory_space<hbm>>
      %dma_wait3A_228 = tpu.memref_squeeze %dma_wait3A_227 : memref<1x10000x128xf32, #tpu.memory_space<hbm>> -> memref<10000x128xf32, #tpu.memory_space<hbm>>
      %dma_wait3A_229 = arith.constant 0 : i32
      %dma_wait3A_230 = arith.constant 0 : i32
      %dma_wait3A_231 = tpu.memref_slice %dma_wait3A_228[%dma_wait3A_229, %dma_wait3A_230] : memref<10000x128xf32, #tpu.memory_space<hbm>> -> memref<10000x128xf32, #tpu.memory_space<hbm>>
      tpu.wait_indirect_dma semaphore(%arg18 : memref<!tpu.dma_semaphore, #tpu.memory_space<semaphore_mem>>) src(%dma_wait3A_231 : memref<10000x128xf32, #tpu.memory_space<hbm>>) dst(%arg10 : memref<40x128xf32, #tpu.memory_space<vmem>>)
      %mul3A_232 = arith.constant 40 : i32
      %mul3A_233 = arith.muli %add3A_222, %mul3A_232 : i32
      "tpu.region"() ({
        %run_scoped3A = tpu.sem_alloc : memref<!tpu.dma_semaphore, #tpu.memory_space<semaphore_mem>>
        %dma_start3A_355 = tpu.memref_slice %arg9[%mul3A_233] : memref<10000xi32, #tpu.memory_space<vmem>> -> memref<40xi32, #tpu.memory_space<vmem>>
        %dma_start3A_356 = arith.constant 0 : i32
        %dma_start3A_357 = arith.constant 0 : i32
        %dma_start3A_358 = tpu.memref_slice %arg7[%dma_start3A_356, %dma_start3A_357] : memref<10112x128xf32, #tpu.memory_space<vmem_shared>> -> memref<10112x128xf32, #tpu.memory_space<vmem_shared>>
        tpu.enqueue_indirect_dma source(%arg10 : memref<40x128xf32, #tpu.memory_space<vmem>>) target(%dma_start3A_358 : memref<10112x128xf32, #tpu.memory_space<vmem_shared>>) offsets(%dma_start3A_355 : memref<40xi32, #tpu.memory_space<vmem>>) semaphore(%run_scoped3A : memref<!tpu.dma_semaphore, #tpu.memory_space<semaphore_mem>>) {add = true}
        %dma_wait3A_359 = tpu.memref_slice %arg9[%mul3A_233] : memref<10000xi32, #tpu.memory_space<vmem>> -> memref<40xi32, #tpu.memory_space<vmem>>
        %dma_wait3A_360 = arith.constant 0 : i32
        %dma_wait3A_361 = arith.constant 0 : i32
        %dma_wait3A_362 = tpu.memref_slice %arg7[%dma_wait3A_360, %dma_wait3A_361] : memref<10112x128xf32, #tpu.memory_space<vmem_shared>> -> memref<10112x128xf32, #tpu.memory_space<vmem_shared>>
        tpu.wait_indirect_dma semaphore(%run_scoped3A : memref<!tpu.dma_semaphore, #tpu.memory_space<semaphore_mem>>) src(%arg10 : memref<40x128xf32, #tpu.memory_space<vmem>>) dst(%dma_wait3A_362 : memref<10112x128xf32, #tpu.memory_space<vmem_shared>>)
        tpu.yield
      }) : () -> ()
      %add3A_234 = arith.constant 5 : i32
      %add3A_235 = arith.addi %add3A_222, %add3A_234 : i32
      %mul3A_236 = arith.constant 40 : i32
      %mul3A_237 = arith.muli %add3A_235, %mul3A_236 : i32
      %dma_start3A_238 = tpu.memref_slice %arg8[%mul3A_237] : memref<10000xi32, #tpu.memory_space<vmem>> -> memref<40xi32, #tpu.memory_space<vmem>>
      %dma_start3A_239 = arith.constant 0 : i32
      %dma_start3A_240 = arith.constant 0 : i32
      %dma_start3A_241 = tpu.memref_slice %arg2[%arg0, %dma_start3A_239, %dma_start3A_240] : memref<2x10000x128xf32, #tpu.memory_space<hbm>> -> memref<1x10000x128xf32, #tpu.memory_space<hbm>>
      %dma_start3A_242 = tpu.memref_squeeze %dma_start3A_241 : memref<1x10000x128xf32, #tpu.memory_space<hbm>> -> memref<10000x128xf32, #tpu.memory_space<hbm>>
      %dma_start3A_243 = arith.constant 0 : i32
      %dma_start3A_244 = arith.constant 0 : i32
      %dma_start3A_245 = tpu.memref_slice %dma_start3A_242[%dma_start3A_243, %dma_start3A_244] : memref<10000x128xf32, #tpu.memory_space<hbm>> -> memref<10000x128xf32, #tpu.memory_space<hbm>>
      tpu.enqueue_indirect_dma source(%dma_start3A_245 : memref<10000x128xf32, #tpu.memory_space<hbm>>) target(%arg10 : memref<40x128xf32, #tpu.memory_space<vmem>>) offsets(%dma_start3A_238 : memref<40xi32, #tpu.memory_space<vmem>>) semaphore(%arg18 : memref<!tpu.dma_semaphore, #tpu.memory_space<semaphore_mem>>)
      %mul3A_246 = arith.constant 5 : i32
      %mul3A_247 = arith.muli %scan3A_218, %mul3A_246 : i32
      %add3A_248 = arith.constant 1 : i32
      %add3A_249 = arith.addi %mul3A_247, %add3A_248 : i32
      %dma_wait3A_250 = arith.constant 0 : i32
      %dma_wait3A_251 = tpu.memref_slice %arg8[%dma_wait3A_250] : memref<10000xi32, #tpu.memory_space<vmem>> -> memref<40xi32, #tpu.memory_space<vmem>>
      %dma_wait3A_252 = arith.constant 0 : i32
      %dma_wait3A_253 = arith.constant 0 : i32
      %dma_wait3A_254 = tpu.memref_slice %arg2[%arg0, %dma_wait3A_252, %dma_wait3A_253] : memref<2x10000x128xf32, #tpu.memory_space<hbm>> -> memref<1x10000x128xf32, #tpu.memory_space<hbm>>
      %dma_wait3A_255 = tpu.memref_squeeze %dma_wait3A_254 : memref<1x10000x128xf32, #tpu.memory_space<hbm>> -> memref<10000x128xf32, #tpu.memory_space<hbm>>
      %dma_wait3A_256 = arith.constant 0 : i32
      %dma_wait3A_257 = arith.constant 0 : i32
      %dma_wait3A_258 = tpu.memref_slice %dma_wait3A_255[%dma_wait3A_256, %dma_wait3A_257] : memref<10000x128xf32, #tpu.memory_space<hbm>> -> memref<10000x128xf32, #tpu.memory_space<hbm>>
      tpu.wait_indirect_dma semaphore(%arg19 : memref<!tpu.dma_semaphore, #tpu.memory_space<semaphore_mem>>) src(%dma_wait3A_258 : memref<10000x128xf32, #tpu.memory_space<hbm>>) dst(%arg11 : memref<40x128xf32, #tpu.memory_space<vmem>>)
      %mul3A_259 = arith.constant 40 : i32
      %mul3A_260 = arith.muli %add3A_249, %mul3A_259 : i32
      "tpu.region"() ({
        %run_scoped3A = tpu.sem_alloc : memref<!tpu.dma_semaphore, #tpu.memory_space<semaphore_mem>>
        %dma_start3A_355 = tpu.memref_slice %arg9[%mul3A_260] : memref<10000xi32, #tpu.memory_space<vmem>> -> memref<40xi32, #tpu.memory_space<vmem>>
        %dma_start3A_356 = arith.constant 0 : i32
        %dma_start3A_357 = arith.constant 0 : i32
        %dma_start3A_358 = tpu.memref_slice %arg7[%dma_start3A_356, %dma_start3A_357] : memref<10112x128xf32, #tpu.memory_space<vmem_shared>> -> memref<10112x128xf32, #tpu.memory_space<vmem_shared>>
        tpu.enqueue_indirect_dma source(%arg11 : memref<40x128xf32, #tpu.memory_space<vmem>>) target(%dma_start3A_358 : memref<10112x128xf32, #tpu.memory_space<vmem_shared>>) offsets(%dma_start3A_355 : memref<40xi32, #tpu.memory_space<vmem>>) semaphore(%run_scoped3A : memref<!tpu.dma_semaphore, #tpu.memory_space<semaphore_mem>>) {add = true}
        %dma_wait3A_359 = tpu.memref_slice %arg9[%mul3A_260] : memref<10000xi32, #tpu.memory_space<vmem>> -> memref<40xi32, #tpu.memory_space<vmem>>
        %dma_wait3A_360 = arith.constant 0 : i32
        %dma_wait3A_361 = arith.constant 0 : i32
        %dma_wait3A_362 = tpu.memref_slice %arg7[%dma_wait3A_360, %dma_wait3A_361] : memref<10112x128xf32, #tpu.memory_space<vmem_shared>> -> memref<10112x128xf32, #tpu.memory_space<vmem_shared>>
        tpu.wait_indirect_dma semaphore(%run_scoped3A : memref<!tpu.dma_semaphore, #tpu.memory_space<semaphore_mem>>) src(%arg11 : memref<40x128xf32, #tpu.memory_space<vmem>>) dst(%dma_wait3A_362 : memref<10112x128xf32, #tpu.memory_space<vmem_shared>>)
        tpu.yield
      }) : () -> ()
      %add3A_261 = arith.constant 5 : i32
      %add3A_262 = arith.addi %add3A_249, %add3A_261 : i32
      %mul3A_263 = arith.constant 40 : i32
      %mul3A_264 = arith.muli %add3A_262, %mul3A_263 : i32
      %dma_start3A_265 = tpu.memref_slice %arg8[%mul3A_264] : memref<10000xi32, #tpu.memory_space<vmem>> -> memref<40xi32, #tpu.memory_space<vmem>>
      %dma_start3A_266 = arith.constant 0 : i32
      %dma_start3A_267 = arith.constant 0 : i32
      %dma_start3A_268 = tpu.memref_slice %arg2[%arg0, %dma_start3A_266, %dma_start3A_267] : memref<2x10000x128xf32, #tpu.memory_space<hbm>> -> memref<1x10000x128xf32, #tpu.memory_space<hbm>>
      %dma_start3A_269 = tpu.memref_squeeze %dma_start3A_268 : memref<1x10000x128xf32, #tpu.memory_space<hbm>> -> memref<10000x128xf32, #tpu.memory_space<hbm>>
      %dma_start3A_270 = arith.constant 0 : i32
      %dma_start3A_271 = arith.constant 0 : i32
      %dma_start3A_272 = tpu.memref_slice %dma_start3A_269[%dma_start3A_270, %dma_start3A_271] : memref<10000x128xf32, #tpu.memory_space<hbm>> -> memref<10000x128xf32, #tpu.memory_space<hbm>>
      tpu.enqueue_indirect_dma source(%dma_start3A_272 : memref<10000x128xf32, #tpu.memory_space<hbm>>) target(%arg11 : memref<40x128xf32, #tpu.memory_space<vmem>>) offsets(%dma_start3A_265 : memref<40xi32, #tpu.memory_space<vmem>>) semaphore(%arg19 : memref<!tpu.dma_semaphore, #tpu.memory_space<semaphore_mem>>)
      %mul3A_273 = arith.constant 5 : i32
      %mul3A_274 = arith.muli %scan3A_218, %mul3A_273 : i32
      %add3A_275 = arith.constant 2 : i32
      %add3A_276 = arith.addi %mul3A_274, %add3A_275 : i32
      %dma_wait3A_277 = arith.constant 0 : i32
      %dma_wait3A_278 = tpu.memref_slice %arg8[%dma_wait3A_277] : memref<10000xi32, #tpu.memory_space<vmem>> -> memref<40xi32, #tpu.memory_space<vmem>>
      %dma_wait3A_279 = arith.constant 0 : i32
      %dma_wait3A_280 = arith.constant 0 : i32
      %dma_wait3A_281 = tpu.memref_slice %arg2[%arg0, %dma_wait3A_279, %dma_wait3A_280] : memref<2x10000x128xf32, #tpu.memory_space<hbm>> -> memref<1x10000x128xf32, #tpu.memory_space<hbm>>
      %dma_wait3A_282 = tpu.memref_squeeze %dma_wait3A_281 : memref<1x10000x128xf32, #tpu.memory_space<hbm>> -> memref<10000x128xf32, #tpu.memory_space<hbm>>
      %dma_wait3A_283 = arith.constant 0 : i32
      %dma_wait3A_284 = arith.constant 0 : i32
      %dma_wait3A_285 = tpu.memref_slice %dma_wait3A_282[%dma_wait3A_283, %dma_wait3A_284] : memref<10000x128xf32, #tpu.memory_space<hbm>> -> memref<10000x128xf32, #tpu.memory_space<hbm>>
      tpu.wait_indirect_dma semaphore(%arg20 : memref<!tpu.dma_semaphore, #tpu.memory_space<semaphore_mem>>) src(%dma_wait3A_285 : memref<10000x128xf32, #tpu.memory_space<hbm>>) dst(%arg12 : memref<40x128xf32, #tpu.memory_space<vmem>>)
      %mul3A_286 = arith.constant 40 : i32
      %mul3A_287 = arith.muli %add3A_276, %mul3A_286 : i32
      "tpu.region"() ({
        %run_scoped3A = tpu.sem_alloc : memref<!tpu.dma_semaphore, #tpu.memory_space<semaphore_mem>>
        %dma_start3A_355 = tpu.memref_slice %arg9[%mul3A_287] : memref<10000xi32, #tpu.memory_space<vmem>> -> memref<40xi32, #tpu.memory_space<vmem>>
        %dma_start3A_356 = arith.constant 0 : i32
        %dma_start3A_357 = arith.constant 0 : i32
        %dma_start3A_358 = tpu.memref_slice %arg7[%dma_start3A_356, %dma_start3A_357] : memref<10112x128xf32, #tpu.memory_space<vmem_shared>> -> memref<10112x128xf32, #tpu.memory_space<vmem_shared>>
        tpu.enqueue_indirect_dma source(%arg12 : memref<40x128xf32, #tpu.memory_space<vmem>>) target(%dma_start3A_358 : memref<10112x128xf32, #tpu.memory_space<vmem_shared>>) offsets(%dma_start3A_355 : memref<40xi32, #tpu.memory_space<vmem>>) semaphore(%run_scoped3A : memref<!tpu.dma_semaphore, #tpu.memory_space<semaphore_mem>>) {add = true}
        %dma_wait3A_359 = tpu.memref_slice %arg9[%mul3A_287] : memref<10000xi32, #tpu.memory_space<vmem>> -> memref<40xi32, #tpu.memory_space<vmem>>
        %dma_wait3A_360 = arith.constant 0 : i32
        %dma_wait3A_361 = arith.constant 0 : i32
        %dma_wait3A_362 = tpu.memref_slice %arg7[%dma_wait3A_360, %dma_wait3A_361] : memref<10112x128xf32, #tpu.memory_space<vmem_shared>> -> memref<10112x128xf32, #tpu.memory_space<vmem_shared>>
        tpu.wait_indirect_dma semaphore(%run_scoped3A : memref<!tpu.dma_semaphore, #tpu.memory_space<semaphore_mem>>) src(%arg12 : memref<40x128xf32, #tpu.memory_space<vmem>>) dst(%dma_wait3A_362 : memref<10112x128xf32, #tpu.memory_space<vmem_shared>>)
        tpu.yield
      }) : () -> ()
      %add3A_288 = arith.constant 5 : i32
      %add3A_289 = arith.addi %add3A_276, %add3A_288 : i32
      %mul3A_290 = arith.constant 40 : i32
      %mul3A_291 = arith.muli %add3A_289, %mul3A_290 : i32
      %dma_start3A_292 = tpu.memref_slice %arg8[%mul3A_291] : memref<10000xi32, #tpu.memory_space<vmem>> -> memref<40xi32, #tpu.memory_space<vmem>>
      %dma_start3A_293 = arith.constant 0 : i32
      %dma_start3A_294 = arith.constant 0 : i32
      %dma_start3A_295 = tpu.memref_slice %arg2[%arg0, %dma_start3A_293, %dma_start3A_294] : memref<2x10000x128xf32, #tpu.memory_space<hbm>> -> memref<1x10000x128xf32, #tpu.memory_space<hbm>>
      %dma_start3A_296 = tpu.memref_squeeze %dma_start3A_295 : memref<1x10000x128xf32, #tpu.memory_space<hbm>> -> memref<10000x128xf32, #tpu.memory_space<hbm>>
      %dma_start3A_297 = arith.constant 0 : i32
      %dma_start3A_298 = arith.constant 0 : i32
      %dma_start3A_299 = tpu.memref_slice %dma_start3A_296[%dma_start3A_297, %dma_start3A_298] : memref<10000x128xf32, #tpu.memory_space<hbm>> -> memref<10000x128xf32, #tpu.memory_space<hbm>>
      tpu.enqueue_indirect_dma source(%dma_start3A_299 : memref<10000x128xf32, #tpu.memory_space<hbm>>) target(%arg12 : memref<40x128xf32, #tpu.memory_space<vmem>>) offsets(%dma_start3A_292 : memref<40xi32, #tpu.memory_space<vmem>>) semaphore(%arg20 : memref<!tpu.dma_semaphore, #tpu.memory_space<semaphore_mem>>)
      %mul3A_300 = arith.constant 5 : i32
      %mul3A_301 = arith.muli %scan3A_218, %mul3A_300 : i32
      %add3A_302 = arith.constant 3 : i32
      %add3A_303 = arith.addi %mul3A_301, %add3A_302 : i32
      %dma_wait3A_304 = arith.constant 0 : i32
      %dma_wait3A_305 = tpu.memref_slice %arg8[%dma_wait3A_304] : memref<10000xi32, #tpu.memory_space<vmem>> -> memref<40xi32, #tpu.memory_space<vmem>>
      %dma_wait3A_306 = arith.constant 0 : i32
      %dma_wait3A_307 = arith.constant 0 : i32
      %dma_wait3A_308 = tpu.memref_slice %arg2[%arg0, %dma_wait3A_306, %dma_wait3A_307] : memref<2x10000x128xf32, #tpu.memory_space<hbm>> -> memref<1x10000x128xf32, #tpu.memory_space<hbm>>
      %dma_wait3A_309 = tpu.memref_squeeze %dma_wait3A_308 : memref<1x10000x128xf32, #tpu.memory_space<hbm>> -> memref<10000x128xf32, #tpu.memory_space<hbm>>
      %dma_wait3A_310 = arith.constant 0 : i32
      %dma_wait3A_311 = arith.constant 0 : i32
      %dma_wait3A_312 = tpu.memref_slice %dma_wait3A_309[%dma_wait3A_310, %dma_wait3A_311] : memref<10000x128xf32, #tpu.memory_space<hbm>> -> memref<10000x128xf32, #tpu.memory_space<hbm>>
      tpu.wait_indirect_dma semaphore(%arg21 : memref<!tpu.dma_semaphore, #tpu.memory_space<semaphore_mem>>) src(%dma_wait3A_312 : memref<10000x128xf32, #tpu.memory_space<hbm>>) dst(%arg13 : memref<40x128xf32, #tpu.memory_space<vmem>>)
      %mul3A_313 = arith.constant 40 : i32
      %mul3A_314 = arith.muli %add3A_303, %mul3A_313 : i32
      "tpu.region"() ({
        %run_scoped3A = tpu.sem_alloc : memref<!tpu.dma_semaphore, #tpu.memory_space<semaphore_mem>>
        %dma_start3A_355 = tpu.memref_slice %arg9[%mul3A_314] : memref<10000xi32, #tpu.memory_space<vmem>> -> memref<40xi32, #tpu.memory_space<vmem>>
        %dma_start3A_356 = arith.constant 0 : i32
        %dma_start3A_357 = arith.constant 0 : i32
        %dma_start3A_358 = tpu.memref_slice %arg7[%dma_start3A_356, %dma_start3A_357] : memref<10112x128xf32, #tpu.memory_space<vmem_shared>> -> memref<10112x128xf32, #tpu.memory_space<vmem_shared>>
        tpu.enqueue_indirect_dma source(%arg13 : memref<40x128xf32, #tpu.memory_space<vmem>>) target(%dma_start3A_358 : memref<10112x128xf32, #tpu.memory_space<vmem_shared>>) offsets(%dma_start3A_355 : memref<40xi32, #tpu.memory_space<vmem>>) semaphore(%run_scoped3A : memref<!tpu.dma_semaphore, #tpu.memory_space<semaphore_mem>>) {add = true}
        %dma_wait3A_359 = tpu.memref_slice %arg9[%mul3A_314] : memref<10000xi32, #tpu.memory_space<vmem>> -> memref<40xi32, #tpu.memory_space<vmem>>
        %dma_wait3A_360 = arith.constant 0 : i32
        %dma_wait3A_361 = arith.constant 0 : i32
        %dma_wait3A_362 = tpu.memref_slice %arg7[%dma_wait3A_360, %dma_wait3A_361] : memref<10112x128xf32, #tpu.memory_space<vmem_shared>> -> memref<10112x128xf32, #tpu.memory_space<vmem_shared>>
        tpu.wait_indirect_dma semaphore(%run_scoped3A : memref<!tpu.dma_semaphore, #tpu.memory_space<semaphore_mem>>) src(%arg13 : memref<40x128xf32, #tpu.memory_space<vmem>>) dst(%dma_wait3A_362 : memref<10112x128xf32, #tpu.memory_space<vmem_shared>>)
        tpu.yield
      }) : () -> ()
      %add3A_315 = arith.constant 5 : i32
      %add3A_316 = arith.addi %add3A_303, %add3A_315 : i32
      %mul3A_317 = arith.constant 40 : i32
      %mul3A_318 = arith.muli %add3A_316, %mul3A_317 : i32
      %dma_start3A_319 = tpu.memref_slice %arg8[%mul3A_318] : memref<10000xi32, #tpu.memory_space<vmem>> -> memref<40xi32, #tpu.memory_space<vmem>>
      %dma_start3A_320 = arith.constant 0 : i32
      %dma_start3A_321 = arith.constant 0 : i32
      %dma_start3A_322 = tpu.memref_slice %arg2[%arg0, %dma_start3A_320, %dma_start3A_321] : memref<2x10000x128xf32, #tpu.memory_space<hbm>> -> memref<1x10000x128xf32, #tpu.memory_space<hbm>>
      %dma_start3A_323 = tpu.memref_squeeze %dma_start3A_322 : memref<1x10000x128xf32, #tpu.memory_space<hbm>> -> memref<10000x128xf32, #tpu.memory_space<hbm>>
      %dma_start3A_324 = arith.constant 0 : i32
      %dma_start3A_325 = arith.constant 0 : i32
      %dma_start3A_326 = tpu.memref_slice %dma_start3A_323[%dma_start3A_324, %dma_start3A_325] : memref<10000x128xf32, #tpu.memory_space<hbm>> -> memref<10000x128xf32, #tpu.memory_space<hbm>>
      tpu.enqueue_indirect_dma source(%dma_start3A_326 : memref<10000x128xf32, #tpu.memory_space<hbm>>) target(%arg13 : memref<40x128xf32, #tpu.memory_space<vmem>>) offsets(%dma_start3A_319 : memref<40xi32, #tpu.memory_space<vmem>>) semaphore(%arg21 : memref<!tpu.dma_semaphore, #tpu.memory_space<semaphore_mem>>)
      %mul3A_327 = arith.constant 5 : i32
      %mul3A_328 = arith.muli %scan3A_218, %mul3A_327 : i32
      %add3A_329 = arith.constant 4 : i32
      %add3A_330 = arith.addi %mul3A_328, %add3A_329 : i32
      %dma_wait3A_331 = arith.constant 0 : i32
      %dma_wait3A_332 = tpu.memref_slice %arg8[%dma_wait3A_331] : memref<10000xi32, #tpu.memory_space<vmem>> -> memref<40xi32, #tpu.memory_space<vmem>>
      %dma_wait3A_333 = arith.constant 0 : i32
      %dma_wait3A_334 = arith.constant 0 : i32
      %dma_wait3A_335 = tpu.memref_slice %arg2[%arg0, %dma_wait3A_333, %dma_wait3A_334] : memref<2x10000x128xf32, #tpu.memory_space<hbm>> -> memref<1x10000x128xf32, #tpu.memory_space<hbm>>
      %dma_wait3A_336 = tpu.memref_squeeze %dma_wait3A_335 : memref<1x10000x128xf32, #tpu.memory_space<hbm>> -> memref<10000x128xf32, #tpu.memory_space<hbm>>
      %dma_wait3A_337 = arith.constant 0 : i32
      %dma_wait3A_338 = arith.constant 0 : i32
      %dma_wait3A_339 = tpu.memref_slice %dma_wait3A_336[%dma_wait3A_337, %dma_wait3A_338] : memref<10000x128xf32, #tpu.memory_space<hbm>> -> memref<10000x128xf32, #tpu.memory_space<hbm>>
      tpu.wait_indirect_dma semaphore(%arg22 : memref<!tpu.dma_semaphore, #tpu.memory_space<semaphore_mem>>) src(%dma_wait3A_339 : memref<10000x128xf32, #tpu.memory_space<hbm>>) dst(%arg14 : memref<40x128xf32, #tpu.memory_space<vmem>>)
      %mul3A_340 = arith.constant 40 : i32
      %mul3A_341 = arith.muli %add3A_330, %mul3A_340 : i32
      "tpu.region"() ({
        %run_scoped3A = tpu.sem_alloc : memref<!tpu.dma_semaphore, #tpu.memory_space<semaphore_mem>>
        %dma_start3A_355 = tpu.memref_slice %arg9[%mul3A_341] : memref<10000xi32, #tpu.memory_space<vmem>> -> memref<40xi32, #tpu.memory_space<vmem>>
        %dma_start3A_356 = arith.constant 0 : i32
        %dma_start3A_357 = arith.constant 0 : i32
        %dma_start3A_358 = tpu.memref_slice %arg7[%dma_start3A_356, %dma_start3A_357] : memref<10112x128xf32, #tpu.memory_space<vmem_shared>> -> memref<10112x128xf32, #tpu.memory_space<vmem_shared>>
        tpu.enqueue_indirect_dma source(%arg14 : memref<40x128xf32, #tpu.memory_space<vmem>>) target(%dma_start3A_358 : memref<10112x128xf32, #tpu.memory_space<vmem_shared>>) offsets(%dma_start3A_355 : memref<40xi32, #tpu.memory_space<vmem>>) semaphore(%run_scoped3A : memref<!tpu.dma_semaphore, #tpu.memory_space<semaphore_mem>>) {add = true}
        %dma_wait3A_359 = tpu.memref_slice %arg9[%mul3A_341] : memref<10000xi32, #tpu.memory_space<vmem>> -> memref<40xi32, #tpu.memory_space<vmem>>
        %dma_wait3A_360 = arith.constant 0 : i32
        %dma_wait3A_361 = arith.constant 0 : i32
        %dma_wait3A_362 = tpu.memref_slice %arg7[%dma_wait3A_360, %dma_wait3A_361] : memref<10112x128xf32, #tpu.memory_space<vmem_shared>> -> memref<10112x128xf32, #tpu.memory_space<vmem_shared>>
        tpu.wait_indirect_dma semaphore(%run_scoped3A : memref<!tpu.dma_semaphore, #tpu.memory_space<semaphore_mem>>) src(%arg14 : memref<40x128xf32, #tpu.memory_space<vmem>>) dst(%dma_wait3A_362 : memref<10112x128xf32, #tpu.memory_space<vmem_shared>>)
        tpu.yield
      }) : () -> ()
      %add3A_342 = arith.constant 5 : i32
      %add3A_343 = arith.addi %add3A_330, %add3A_342 : i32
      %mul3A_344 = arith.constant 40 : i32
      %mul3A_345 = arith.muli %add3A_343, %mul3A_344 : i32
      %dma_start3A_346 = tpu.memref_slice %arg8[%mul3A_345] : memref<10000xi32, #tpu.memory_space<vmem>> -> memref<40xi32, #tpu.memory_space<vmem>>
      %dma_start3A_347 = arith.constant 0 : i32
      %dma_start3A_348 = arith.constant 0 : i32
      %dma_start3A_349 = tpu.memref_slice %arg2[%arg0, %dma_start3A_347, %dma_start3A_348] : memref<2x10000x128xf32, #tpu.memory_space<hbm>> -> memref<1x10000x128xf32, #tpu.memory_space<hbm>>
      %dma_start3A_350 = tpu.memref_squeeze %dma_start3A_349 : memref<1x10000x128xf32, #tpu.memory_space<hbm>> -> memref<10000x128xf32, #tpu.memory_space<hbm>>
      %dma_start3A_351 = arith.constant 0 : i32
      %dma_start3A_352 = arith.constant 0 : i32
      %dma_start3A_353 = tpu.memref_slice %dma_start3A_350[%dma_start3A_351, %dma_start3A_352] : memref<10000x128xf32, #tpu.memory_space<hbm>> -> memref<10000x128xf32, #tpu.memory_space<hbm>>
      tpu.enqueue_indirect_dma source(%dma_start3A_353 : memref<10000x128xf32, #tpu.memory_space<hbm>>) target(%arg14 : memref<40x128xf32, #tpu.memory_space<vmem>>) offsets(%dma_start3A_346 : memref<40xi32, #tpu.memory_space<vmem>>) semaphore(%arg22 : memref<!tpu.dma_semaphore, #tpu.memory_space<semaphore_mem>>)
      %scan3A_354 = arith.constant 0 : i32
      scf.yield %scan3A_354 : i32
    }
    %scan3A_77 = arith.constant 48 : i32
    %dma_wait3A_78 = arith.constant 0 : i32
    %dma_wait3A_79 = tpu.memref_slice %arg8[%dma_wait3A_78] : memref<10000xi32, #tpu.memory_space<vmem>> -> memref<40xi32, #tpu.memory_space<vmem>>
    %dma_wait3A_80 = arith.constant 0 : i32
    %dma_wait3A_81 = arith.constant 0 : i32
    %dma_wait3A_82 = tpu.memref_slice %arg2[%arg0, %dma_wait3A_80, %dma_wait3A_81] : memref<2x10000x128xf32, #tpu.memory_space<hbm>> -> memref<1x10000x128xf32, #tpu.memory_space<hbm>>
    %dma_wait3A_83 = tpu.memref_squeeze %dma_wait3A_82 : memref<1x10000x128xf32, #tpu.memory_space<hbm>> -> memref<10000x128xf32, #tpu.memory_space<hbm>>
    %dma_wait3A_84 = arith.constant 0 : i32
    %dma_wait3A_85 = arith.constant 0 : i32
    %dma_wait3A_86 = tpu.memref_slice %dma_wait3A_83[%dma_wait3A_84, %dma_wait3A_85] : memref<10000x128xf32, #tpu.memory_space<hbm>> -> memref<10000x128xf32, #tpu.memory_space<hbm>>
    tpu.wait_indirect_dma semaphore(%arg18 : memref<!tpu.dma_semaphore, #tpu.memory_space<semaphore_mem>>) src(%dma_wait3A_86 : memref<10000x128xf32, #tpu.memory_space<hbm>>) dst(%arg10 : memref<40x128xf32, #tpu.memory_space<vmem>>)
    "tpu.region"() ({
      %run_scoped3A = tpu.sem_alloc : memref<!tpu.dma_semaphore, #tpu.memory_space<semaphore_mem>>
      %dma_start3A_218 = arith.constant 9600 : i32
      %dma_start3A_219 = tpu.memref_slice %arg9[%dma_start3A_218] : memref<10000xi32, #tpu.memory_space<vmem>> -> memref<40xi32, #tpu.memory_space<vmem>>
      %dma_start3A_220 = arith.constant 0 : i32
      %dma_start3A_221 = arith.constant 0 : i32
      %dma_start3A_222 = tpu.memref_slice %arg7[%dma_start3A_220, %dma_start3A_221] : memref<10112x128xf32, #tpu.memory_space<vmem_shared>> -> memref<10112x128xf32, #tpu.memory_space<vmem_shared>>
      tpu.enqueue_indirect_dma source(%arg10 : memref<40x128xf32, #tpu.memory_space<vmem>>) target(%dma_start3A_222 : memref<10112x128xf32, #tpu.memory_space<vmem_shared>>) offsets(%dma_start3A_219 : memref<40xi32, #tpu.memory_space<vmem>>) semaphore(%run_scoped3A : memref<!tpu.dma_semaphore, #tpu.memory_space<semaphore_mem>>) {add = true}
      %dma_wait3A_223 = arith.constant 9600 : i32
      %dma_wait3A_224 = tpu.memref_slice %arg9[%dma_wait3A_223] : memref<10000xi32, #tpu.memory_space<vmem>> -> memref<40xi32, #tpu.memory_space<vmem>>
      %dma_wait3A_225 = arith.constant 0 : i32
      %dma_wait3A_226 = arith.constant 0 : i32
      %dma_wait3A_227 = tpu.memref_slice %arg7[%dma_wait3A_225, %dma_wait3A_226] : memref<10112x128xf32, #tpu.memory_space<vmem_shared>> -> memref<10112x128xf32, #tpu.memory_space<vmem_shared>>
      tpu.wait_indirect_dma semaphore(%run_scoped3A : memref<!tpu.dma_semaphore, #tpu.memory_space<semaphore_mem>>) src(%arg10 : memref<40x128xf32, #tpu.memory_space<vmem>>) dst(%dma_wait3A_227 : memref<10112x128xf32, #tpu.memory_space<vmem_shared>>)
      tpu.yield
    }) : () -> ()
    %dma_start3A_87 = arith.constant 9800 : i32
    %dma_start3A_88 = tpu.memref_slice %arg8[%dma_start3A_87] : memref<10000xi32, #tpu.memory_space<vmem>> -> memref<40xi32, #tpu.memory_space<vmem>>
    %dma_start3A_89 = arith.constant 0 : i32
    %dma_start3A_90 = arith.constant 0 : i32
    %dma_start3A_91 = tpu.memref_slice %arg2[%arg0, %dma_start3A_89, %dma_start3A_90] : memref<2x10000x128xf32, #tpu.memory_space<hbm>> -> memref<1x10000x128xf32, #tpu.memory_space<hbm>>
    %dma_start3A_92 = tpu.memref_squeeze %dma_start3A_91 : memref<1x10000x128xf32, #tpu.memory_space<hbm>> -> memref<10000x128xf32, #tpu.memory_space<hbm>>
    %dma_start3A_93 = arith.constant 0 : i32
    %dma_start3A_94 = arith.constant 0 : i32
    %dma_start3A_95 = tpu.memref_slice %dma_start3A_92[%dma_start3A_93, %dma_start3A_94] : memref<10000x128xf32, #tpu.memory_space<hbm>> -> memref<10000x128xf32, #tpu.memory_space<hbm>>
    tpu.enqueue_indirect_dma source(%dma_start3A_95 : memref<10000x128xf32, #tpu.memory_space<hbm>>) target(%arg10 : memref<40x128xf32, #tpu.memory_space<vmem>>) offsets(%dma_start3A_88 : memref<40xi32, #tpu.memory_space<vmem>>) semaphore(%arg18 : memref<!tpu.dma_semaphore, #tpu.memory_space<semaphore_mem>>)
    %dma_wait3A_96 = arith.constant 0 : i32
    %dma_wait3A_97 = tpu.memref_slice %arg8[%dma_wait3A_96] : memref<10000xi32, #tpu.memory_space<vmem>> -> memref<40xi32, #tpu.memory_space<vmem>>
    %dma_wait3A_98 = arith.constant 0 : i32
    %dma_wait3A_99 = arith.constant 0 : i32
    %dma_wait3A_100 = tpu.memref_slice %arg2[%arg0, %dma_wait3A_98, %dma_wait3A_99] : memref<2x10000x128xf32, #tpu.memory_space<hbm>> -> memref<1x10000x128xf32, #tpu.memory_space<hbm>>
    %dma_wait3A_101 = tpu.memref_squeeze %dma_wait3A_100 : memref<1x10000x128xf32, #tpu.memory_space<hbm>> -> memref<10000x128xf32, #tpu.memory_space<hbm>>
    %dma_wait3A_102 = arith.constant 0 : i32
    %dma_wait3A_103 = arith.constant 0 : i32
    %dma_wait3A_104 = tpu.memref_slice %dma_wait3A_101[%dma_wait3A_102, %dma_wait3A_103] : memref<10000x128xf32, #tpu.memory_space<hbm>> -> memref<10000x128xf32, #tpu.memory_space<hbm>>
    tpu.wait_indirect_dma semaphore(%arg19 : memref<!tpu.dma_semaphore, #tpu.memory_space<semaphore_mem>>) src(%dma_wait3A_104 : memref<10000x128xf32, #tpu.memory_space<hbm>>) dst(%arg11 : memref<40x128xf32, #tpu.memory_space<vmem>>)
    "tpu.region"() ({
      %run_scoped3A = tpu.sem_alloc : memref<!tpu.dma_semaphore, #tpu.memory_space<semaphore_mem>>
      %dma_start3A_218 = arith.constant 9640 : i32
      %dma_start3A_219 = tpu.memref_slice %arg9[%dma_start3A_218] : memref<10000xi32, #tpu.memory_space<vmem>> -> memref<40xi32, #tpu.memory_space<vmem>>
      %dma_start3A_220 = arith.constant 0 : i32
      %dma_start3A_221 = arith.constant 0 : i32
      %dma_start3A_222 = tpu.memref_slice %arg7[%dma_start3A_220, %dma_start3A_221] : memref<10112x128xf32, #tpu.memory_space<vmem_shared>> -> memref<10112x128xf32, #tpu.memory_space<vmem_shared>>
      tpu.enqueue_indirect_dma source(%arg11 : memref<40x128xf32, #tpu.memory_space<vmem>>) target(%dma_start3A_222 : memref<10112x128xf32, #tpu.memory_space<vmem_shared>>) offsets(%dma_start3A_219 : memref<40xi32, #tpu.memory_space<vmem>>) semaphore(%run_scoped3A : memref<!tpu.dma_semaphore, #tpu.memory_space<semaphore_mem>>) {add = true}
      %dma_wait3A_223 = arith.constant 9640 : i32
      %dma_wait3A_224 = tpu.memref_slice %arg9[%dma_wait3A_223] : memref<10000xi32, #tpu.memory_space<vmem>> -> memref<40xi32, #tpu.memory_space<vmem>>
      %dma_wait3A_225 = arith.constant 0 : i32
      %dma_wait3A_226 = arith.constant 0 : i32
      %dma_wait3A_227 = tpu.memref_slice %arg7[%dma_wait3A_225, %dma_wait3A_226] : memref<10112x128xf32, #tpu.memory_space<vmem_shared>> -> memref<10112x128xf32, #tpu.memory_space<vmem_shared>>
      tpu.wait_indirect_dma semaphore(%run_scoped3A : memref<!tpu.dma_semaphore, #tpu.memory_space<semaphore_mem>>) src(%arg11 : memref<40x128xf32, #tpu.memory_space<vmem>>) dst(%dma_wait3A_227 : memref<10112x128xf32, #tpu.memory_space<vmem_shared>>)
      tpu.yield
    }) : () -> ()
    %dma_start3A_105 = arith.constant 9840 : i32
    %dma_start3A_106 = tpu.memref_slice %arg8[%dma_start3A_105] : memref<10000xi32, #tpu.memory_space<vmem>> -> memref<40xi32, #tpu.memory_space<vmem>>
    %dma_start3A_107 = arith.constant 0 : i32
    %dma_start3A_108 = arith.constant 0 : i32
    %dma_start3A_109 = tpu.memref_slice %arg2[%arg0, %dma_start3A_107, %dma_start3A_108] : memref<2x10000x128xf32, #tpu.memory_space<hbm>> -> memref<1x10000x128xf32, #tpu.memory_space<hbm>>
    %dma_start3A_110 = tpu.memref_squeeze %dma_start3A_109 : memref<1x10000x128xf32, #tpu.memory_space<hbm>> -> memref<10000x128xf32, #tpu.memory_space<hbm>>
    %dma_start3A_111 = arith.constant 0 : i32
    %dma_start3A_112 = arith.constant 0 : i32
    %dma_start3A_113 = tpu.memref_slice %dma_start3A_110[%dma_start3A_111, %dma_start3A_112] : memref<10000x128xf32, #tpu.memory_space<hbm>> -> memref<10000x128xf32, #tpu.memory_space<hbm>>
    tpu.enqueue_indirect_dma source(%dma_start3A_113 : memref<10000x128xf32, #tpu.memory_space<hbm>>) target(%arg11 : memref<40x128xf32, #tpu.memory_space<vmem>>) offsets(%dma_start3A_106 : memref<40xi32, #tpu.memory_space<vmem>>) semaphore(%arg19 : memref<!tpu.dma_semaphore, #tpu.memory_space<semaphore_mem>>)
    %dma_wait3A_114 = arith.constant 0 : i32
    %dma_wait3A_115 = tpu.memref_slice %arg8[%dma_wait3A_114] : memref<10000xi32, #tpu.memory_space<vmem>> -> memref<40xi32, #tpu.memory_space<vmem>>
    %dma_wait3A_116 = arith.constant 0 : i32
    %dma_wait3A_117 = arith.constant 0 : i32
    %dma_wait3A_118 = tpu.memref_slice %arg2[%arg0, %dma_wait3A_116, %dma_wait3A_117] : memref<2x10000x128xf32, #tpu.memory_space<hbm>> -> memref<1x10000x128xf32, #tpu.memory_space<hbm>>
    %dma_wait3A_119 = tpu.memref_squeeze %dma_wait3A_118 : memref<1x10000x128xf32, #tpu.memory_space<hbm>> -> memref<10000x128xf32, #tpu.memory_space<hbm>>
    %dma_wait3A_120 = arith.constant 0 : i32
    %dma_wait3A_121 = arith.constant 0 : i32
    %dma_wait3A_122 = tpu.memref_slice %dma_wait3A_119[%dma_wait3A_120, %dma_wait3A_121] : memref<10000x128xf32, #tpu.memory_space<hbm>> -> memref<10000x128xf32, #tpu.memory_space<hbm>>
    tpu.wait_indirect_dma semaphore(%arg20 : memref<!tpu.dma_semaphore, #tpu.memory_space<semaphore_mem>>) src(%dma_wait3A_122 : memref<10000x128xf32, #tpu.memory_space<hbm>>) dst(%arg12 : memref<40x128xf32, #tpu.memory_space<vmem>>)
    "tpu.region"() ({
      %run_scoped3A = tpu.sem_alloc : memref<!tpu.dma_semaphore, #tpu.memory_space<semaphore_mem>>
      %dma_start3A_218 = arith.constant 9680 : i32
      %dma_start3A_219 = tpu.memref_slice %arg9[%dma_start3A_218] : memref<10000xi32, #tpu.memory_space<vmem>> -> memref<40xi32, #tpu.memory_space<vmem>>
      %dma_start3A_220 = arith.constant 0 : i32
      %dma_start3A_221 = arith.constant 0 : i32
      %dma_start3A_222 = tpu.memref_slice %arg7[%dma_start3A_220, %dma_start3A_221] : memref<10112x128xf32, #tpu.memory_space<vmem_shared>> -> memref<10112x128xf32, #tpu.memory_space<vmem_shared>>
      tpu.enqueue_indirect_dma source(%arg12 : memref<40x128xf32, #tpu.memory_space<vmem>>) target(%dma_start3A_222 : memref<10112x128xf32, #tpu.memory_space<vmem_shared>>) offsets(%dma_start3A_219 : memref<40xi32, #tpu.memory_space<vmem>>) semaphore(%run_scoped3A : memref<!tpu.dma_semaphore, #tpu.memory_space<semaphore_mem>>) {add = true}
      %dma_wait3A_223 = arith.constant 9680 : i32
      %dma_wait3A_224 = tpu.memref_slice %arg9[%dma_wait3A_223] : memref<10000xi32, #tpu.memory_space<vmem>> -> memref<40xi32, #tpu.memory_space<vmem>>
      %dma_wait3A_225 = arith.constant 0 : i32
      %dma_wait3A_226 = arith.constant 0 : i32
      %dma_wait3A_227 = tpu.memref_slice %arg7[%dma_wait3A_225, %dma_wait3A_226] : memref<10112x128xf32, #tpu.memory_space<vmem_shared>> -> memref<10112x128xf32, #tpu.memory_space<vmem_shared>>
      tpu.wait_indirect_dma semaphore(%run_scoped3A : memref<!tpu.dma_semaphore, #tpu.memory_space<semaphore_mem>>) src(%arg12 : memref<40x128xf32, #tpu.memory_space<vmem>>) dst(%dma_wait3A_227 : memref<10112x128xf32, #tpu.memory_space<vmem_shared>>)
      tpu.yield
    }) : () -> ()
    %dma_start3A_123 = arith.constant 9880 : i32
    %dma_start3A_124 = tpu.memref_slice %arg8[%dma_start3A_123] : memref<10000xi32, #tpu.memory_space<vmem>> -> memref<40xi32, #tpu.memory_space<vmem>>
    %dma_start3A_125 = arith.constant 0 : i32
    %dma_start3A_126 = arith.constant 0 : i32
    %dma_start3A_127 = tpu.memref_slice %arg2[%arg0, %dma_start3A_125, %dma_start3A_126] : memref<2x10000x128xf32, #tpu.memory_space<hbm>> -> memref<1x10000x128xf32, #tpu.memory_space<hbm>>
    %dma_start3A_128 = tpu.memref_squeeze %dma_start3A_127 : memref<1x10000x128xf32, #tpu.memory_space<hbm>> -> memref<10000x128xf32, #tpu.memory_space<hbm>>
    %dma_start3A_129 = arith.constant 0 : i32
    %dma_start3A_130 = arith.constant 0 : i32
    %dma_start3A_131 = tpu.memref_slice %dma_start3A_128[%dma_start3A_129, %dma_start3A_130] : memref<10000x128xf32, #tpu.memory_space<hbm>> -> memref<10000x128xf32, #tpu.memory_space<hbm>>
    tpu.enqueue_indirect_dma source(%dma_start3A_131 : memref<10000x128xf32, #tpu.memory_space<hbm>>) target(%arg12 : memref<40x128xf32, #tpu.memory_space<vmem>>) offsets(%dma_start3A_124 : memref<40xi32, #tpu.memory_space<vmem>>) semaphore(%arg20 : memref<!tpu.dma_semaphore, #tpu.memory_space<semaphore_mem>>)
    %dma_wait3A_132 = arith.constant 0 : i32
    %dma_wait3A_133 = tpu.memref_slice %arg8[%dma_wait3A_132] : memref<10000xi32, #tpu.memory_space<vmem>> -> memref<40xi32, #tpu.memory_space<vmem>>
    %dma_wait3A_134 = arith.constant 0 : i32
    %dma_wait3A_135 = arith.constant 0 : i32
    %dma_wait3A_136 = tpu.memref_slice %arg2[%arg0, %dma_wait3A_134, %dma_wait3A_135] : memref<2x10000x128xf32, #tpu.memory_space<hbm>> -> memref<1x10000x128xf32, #tpu.memory_space<hbm>>
    %dma_wait3A_137 = tpu.memref_squeeze %dma_wait3A_136 : memref<1x10000x128xf32, #tpu.memory_space<hbm>> -> memref<10000x128xf32, #tpu.memory_space<hbm>>
    %dma_wait3A_138 = arith.constant 0 : i32
    %dma_wait3A_139 = arith.constant 0 : i32
    %dma_wait3A_140 = tpu.memref_slice %dma_wait3A_137[%dma_wait3A_138, %dma_wait3A_139] : memref<10000x128xf32, #tpu.memory_space<hbm>> -> memref<10000x128xf32, #tpu.memory_space<hbm>>
    tpu.wait_indirect_dma semaphore(%arg21 : memref<!tpu.dma_semaphore, #tpu.memory_space<semaphore_mem>>) src(%dma_wait3A_140 : memref<10000x128xf32, #tpu.memory_space<hbm>>) dst(%arg13 : memref<40x128xf32, #tpu.memory_space<vmem>>)
    "tpu.region"() ({
      %run_scoped3A = tpu.sem_alloc : memref<!tpu.dma_semaphore, #tpu.memory_space<semaphore_mem>>
      %dma_start3A_218 = arith.constant 9720 : i32
      %dma_start3A_219 = tpu.memref_slice %arg9[%dma_start3A_218] : memref<10000xi32, #tpu.memory_space<vmem>> -> memref<40xi32, #tpu.memory_space<vmem>>
      %dma_start3A_220 = arith.constant 0 : i32
      %dma_start3A_221 = arith.constant 0 : i32
      %dma_start3A_222 = tpu.memref_slice %arg7[%dma_start3A_220, %dma_start3A_221] : memref<10112x128xf32, #tpu.memory_space<vmem_shared>> -> memref<10112x128xf32, #tpu.memory_space<vmem_shared>>
      tpu.enqueue_indirect_dma source(%arg13 : memref<40x128xf32, #tpu.memory_space<vmem>>) target(%dma_start3A_222 : memref<10112x128xf32, #tpu.memory_space<vmem_shared>>) offsets(%dma_start3A_219 : memref<40xi32, #tpu.memory_space<vmem>>) semaphore(%run_scoped3A : memref<!tpu.dma_semaphore, #tpu.memory_space<semaphore_mem>>) {add = true}
      %dma_wait3A_223 = arith.constant 9720 : i32
      %dma_wait3A_224 = tpu.memref_slice %arg9[%dma_wait3A_223] : memref<10000xi32, #tpu.memory_space<vmem>> -> memref<40xi32, #tpu.memory_space<vmem>>
      %dma_wait3A_225 = arith.constant 0 : i32
      %dma_wait3A_226 = arith.constant 0 : i32
      %dma_wait3A_227 = tpu.memref_slice %arg7[%dma_wait3A_225, %dma_wait3A_226] : memref<10112x128xf32, #tpu.memory_space<vmem_shared>> -> memref<10112x128xf32, #tpu.memory_space<vmem_shared>>
      tpu.wait_indirect_dma semaphore(%run_scoped3A : memref<!tpu.dma_semaphore, #tpu.memory_space<semaphore_mem>>) src(%arg13 : memref<40x128xf32, #tpu.memory_space<vmem>>) dst(%dma_wait3A_227 : memref<10112x128xf32, #tpu.memory_space<vmem_shared>>)
      tpu.yield
    }) : () -> ()
    %dma_start3A_141 = arith.constant 9920 : i32
    %dma_start3A_142 = tpu.memref_slice %arg8[%dma_start3A_141] : memref<10000xi32, #tpu.memory_space<vmem>> -> memref<40xi32, #tpu.memory_space<vmem>>
    %dma_start3A_143 = arith.constant 0 : i32
    %dma_start3A_144 = arith.constant 0 : i32
    %dma_start3A_145 = tpu.memref_slice %arg2[%arg0, %dma_start3A_143, %dma_start3A_144] : memref<2x10000x128xf32, #tpu.memory_space<hbm>> -> memref<1x10000x128xf32, #tpu.memory_space<hbm>>
    %dma_start3A_146 = tpu.memref_squeeze %dma_start3A_145 : memref<1x10000x128xf32, #tpu.memory_space<hbm>> -> memref<10000x128xf32, #tpu.memory_space<hbm>>
    %dma_start3A_147 = arith.constant 0 : i32
    %dma_start3A_148 = arith.constant 0 : i32
    %dma_start3A_149 = tpu.memref_slice %dma_start3A_146[%dma_start3A_147, %dma_start3A_148] : memref<10000x128xf32, #tpu.memory_space<hbm>> -> memref<10000x128xf32, #tpu.memory_space<hbm>>
    tpu.enqueue_indirect_dma source(%dma_start3A_149 : memref<10000x128xf32, #tpu.memory_space<hbm>>) target(%arg13 : memref<40x128xf32, #tpu.memory_space<vmem>>) offsets(%dma_start3A_142 : memref<40xi32, #tpu.memory_space<vmem>>) semaphore(%arg21 : memref<!tpu.dma_semaphore, #tpu.memory_space<semaphore_mem>>)
    %dma_wait3A_150 = arith.constant 0 : i32
    %dma_wait3A_151 = tpu.memref_slice %arg8[%dma_wait3A_150] : memref<10000xi32, #tpu.memory_space<vmem>> -> memref<40xi32, #tpu.memory_space<vmem>>
    %dma_wait3A_152 = arith.constant 0 : i32
    %dma_wait3A_153 = arith.constant 0 : i32
    %dma_wait3A_154 = tpu.memref_slice %arg2[%arg0, %dma_wait3A_152, %dma_wait3A_153] : memref<2x10000x128xf32, #tpu.memory_space<hbm>> -> memref<1x10000x128xf32, #tpu.memory_space<hbm>>
    %dma_wait3A_155 = tpu.memref_squeeze %dma_wait3A_154 : memref<1x10000x128xf32, #tpu.memory_space<hbm>> -> memref<10000x128xf32, #tpu.memory_space<hbm>>
    %dma_wait3A_156 = arith.constant 0 : i32
    %dma_wait3A_157 = arith.constant 0 : i32
    %dma_wait3A_158 = tpu.memref_slice %dma_wait3A_155[%dma_wait3A_156, %dma_wait3A_157] : memref<10000x128xf32, #tpu.memory_space<hbm>> -> memref<10000x128xf32, #tpu.memory_space<hbm>>
    tpu.wait_indirect_dma semaphore(%arg22 : memref<!tpu.dma_semaphore, #tpu.memory_space<semaphore_mem>>) src(%dma_wait3A_158 : memref<10000x128xf32, #tpu.memory_space<hbm>>) dst(%arg14 : memref<40x128xf32, #tpu.memory_space<vmem>>)
    "tpu.region"() ({
      %run_scoped3A = tpu.sem_alloc : memref<!tpu.dma_semaphore, #tpu.memory_space<semaphore_mem>>
      %dma_start3A_218 = arith.constant 9760 : i32
      %dma_start3A_219 = tpu.memref_slice %arg9[%dma_start3A_218] : memref<10000xi32, #tpu.memory_space<vmem>> -> memref<40xi32, #tpu.memory_space<vmem>>
      %dma_start3A_220 = arith.constant 0 : i32
      %dma_start3A_221 = arith.constant 0 : i32
      %dma_start3A_222 = tpu.memref_slice %arg7[%dma_start3A_220, %dma_start3A_221] : memref<10112x128xf32, #tpu.memory_space<vmem_shared>> -> memref<10112x128xf32, #tpu.memory_space<vmem_shared>>
      tpu.enqueue_indirect_dma source(%arg14 : memref<40x128xf32, #tpu.memory_space<vmem>>) target(%dma_start3A_222 : memref<10112x128xf32, #tpu.memory_space<vmem_shared>>) offsets(%dma_start3A_219 : memref<40xi32, #tpu.memory_space<vmem>>) semaphore(%run_scoped3A : memref<!tpu.dma_semaphore, #tpu.memory_space<semaphore_mem>>) {add = true}
      %dma_wait3A_223 = arith.constant 9760 : i32
      %dma_wait3A_224 = tpu.memref_slice %arg9[%dma_wait3A_223] : memref<10000xi32, #tpu.memory_space<vmem>> -> memref<40xi32, #tpu.memory_space<vmem>>
      %dma_wait3A_225 = arith.constant 0 : i32
      %dma_wait3A_226 = arith.constant 0 : i32
      %dma_wait3A_227 = tpu.memref_slice %arg7[%dma_wait3A_225, %dma_wait3A_226] : memref<10112x128xf32, #tpu.memory_space<vmem_shared>> -> memref<10112x128xf32, #tpu.memory_space<vmem_shared>>
      tpu.wait_indirect_dma semaphore(%run_scoped3A : memref<!tpu.dma_semaphore, #tpu.memory_space<semaphore_mem>>) src(%arg14 : memref<40x128xf32, #tpu.memory_space<vmem>>) dst(%dma_wait3A_227 : memref<10112x128xf32, #tpu.memory_space<vmem_shared>>)
      tpu.yield
    }) : () -> ()
    %dma_start3A_159 = arith.constant 9960 : i32
    %dma_start3A_160 = tpu.memref_slice %arg8[%dma_start3A_159] : memref<10000xi32, #tpu.memory_space<vmem>> -> memref<40xi32, #tpu.memory_space<vmem>>
    %dma_start3A_161 = arith.constant 0 : i32
    %dma_start3A_162 = arith.constant 0 : i32
    %dma_start3A_163 = tpu.memref_slice %arg2[%arg0, %dma_start3A_161, %dma_start3A_162] : memref<2x10000x128xf32, #tpu.memory_space<hbm>> -> memref<1x10000x128xf32, #tpu.memory_space<hbm>>
    %dma_start3A_164 = tpu.memref_squeeze %dma_start3A_163 : memref<1x10000x128xf32, #tpu.memory_space<hbm>> -> memref<10000x128xf32, #tpu.memory_space<hbm>>
    %dma_start3A_165 = arith.constant 0 : i32
    %dma_start3A_166 = arith.constant 0 : i32
    %dma_start3A_167 = tpu.memref_slice %dma_start3A_164[%dma_start3A_165, %dma_start3A_166] : memref<10000x128xf32, #tpu.memory_space<hbm>> -> memref<10000x128xf32, #tpu.memory_space<hbm>>
    tpu.enqueue_indirect_dma source(%dma_start3A_167 : memref<10000x128xf32, #tpu.memory_space<hbm>>) target(%arg14 : memref<40x128xf32, #tpu.memory_space<vmem>>) offsets(%dma_start3A_160 : memref<40xi32, #tpu.memory_space<vmem>>) semaphore(%arg22 : memref<!tpu.dma_semaphore, #tpu.memory_space<semaphore_mem>>)
    %dma_wait3A_168 = arith.constant 0 : i32
    %dma_wait3A_169 = tpu.memref_slice %arg8[%dma_wait3A_168] : memref<10000xi32, #tpu.memory_space<vmem>> -> memref<40xi32, #tpu.memory_space<vmem>>
    %dma_wait3A_170 = arith.constant 0 : i32
    %dma_wait3A_171 = arith.constant 0 : i32
    %dma_wait3A_172 = tpu.memref_slice %arg2[%arg0, %dma_wait3A_170, %dma_wait3A_171] : memref<2x10000x128xf32, #tpu.memory_space<hbm>> -> memref<1x10000x128xf32, #tpu.memory_space<hbm>>
    %dma_wait3A_173 = tpu.memref_squeeze %dma_wait3A_172 : memref<1x10000x128xf32, #tpu.memory_space<hbm>> -> memref<10000x128xf32, #tpu.memory_space<hbm>>
    %dma_wait3A_174 = arith.constant 0 : i32
    %dma_wait3A_175 = arith.constant 0 : i32
    %dma_wait3A_176 = tpu.memref_slice %dma_wait3A_173[%dma_wait3A_174, %dma_wait3A_175] : memref<10000x128xf32, #tpu.memory_space<hbm>> -> memref<10000x128xf32, #tpu.memory_space<hbm>>
    tpu.wait_indirect_dma semaphore(%arg18 : memref<!tpu.dma_semaphore, #tpu.memory_space<semaphore_mem>>) src(%dma_wait3A_176 : memref<10000x128xf32, #tpu.memory_space<hbm>>) dst(%arg10 : memref<40x128xf32, #tpu.memory_space<vmem>>)
    "tpu.region"() ({
      %run_scoped3A = tpu.sem_alloc : memref<!tpu.dma_semaphore, #tpu.memory_space<semaphore_mem>>
      %dma_start3A_218 = arith.constant 9800 : i32
      %dma_start3A_219 = tpu.memref_slice %arg9[%dma_start3A_218] : memref<10000xi32, #tpu.memory_space<vmem>> -> memref<40xi32, #tpu.memory_space<vmem>>
      %dma_start3A_220 = arith.constant 0 : i32
      %dma_start3A_221 = arith.constant 0 : i32
      %dma_start3A_222 = tpu.memref_slice %arg7[%dma_start3A_220, %dma_start3A_221] : memref<10112x128xf32, #tpu.memory_space<vmem_shared>> -> memref<10112x128xf32, #tpu.memory_space<vmem_shared>>
      tpu.enqueue_indirect_dma source(%arg10 : memref<40x128xf32, #tpu.memory_space<vmem>>) target(%dma_start3A_222 : memref<10112x128xf32, #tpu.memory_space<vmem_shared>>) offsets(%dma_start3A_219 : memref<40xi32, #tpu.memory_space<vmem>>) semaphore(%run_scoped3A : memref<!tpu.dma_semaphore, #tpu.memory_space<semaphore_mem>>) {add = true}
      %dma_wait3A_223 = arith.constant 9800 : i32
      %dma_wait3A_224 = tpu.memref_slice %arg9[%dma_wait3A_223] : memref<10000xi32, #tpu.memory_space<vmem>> -> memref<40xi32, #tpu.memory_space<vmem>>
      %dma_wait3A_225 = arith.constant 0 : i32
      %dma_wait3A_226 = arith.constant 0 : i32
      %dma_wait3A_227 = tpu.memref_slice %arg7[%dma_wait3A_225, %dma_wait3A_226] : memref<10112x128xf32, #tpu.memory_space<vmem_shared>> -> memref<10112x128xf32, #tpu.memory_space<vmem_shared>>
      tpu.wait_indirect_dma semaphore(%run_scoped3A : memref<!tpu.dma_semaphore, #tpu.memory_space<semaphore_mem>>) src(%arg10 : memref<40x128xf32, #tpu.memory_space<vmem>>) dst(%dma_wait3A_227 : memref<10112x128xf32, #tpu.memory_space<vmem_shared>>)
      tpu.yield
    }) : () -> ()
    %dma_wait3A_177 = arith.constant 0 : i32
    %dma_wait3A_178 = tpu.memref_slice %arg8[%dma_wait3A_177] : memref<10000xi32, #tpu.memory_space<vmem>> -> memref<40xi32, #tpu.memory_space<vmem>>
    %dma_wait3A_179 = arith.constant 0 : i32
    %dma_wait3A_180 = arith.constant 0 : i32
    %dma_wait3A_181 = tpu.memref_slice %arg2[%arg0, %dma_wait3A_179, %dma_wait3A_180] : memref<2x10000x128xf32, #tpu.memory_space<hbm>> -> memref<1x10000x128xf32, #tpu.memory_space<hbm>>
    %dma_wait3A_182 = tpu.memref_squeeze %dma_wait3A_181 : memref<1x10000x128xf32, #tpu.memory_space<hbm>> -> memref<10000x128xf32, #tpu.memory_space<hbm>>
    %dma_wait3A_183 = arith.constant 0 : i32
    %dma_wait3A_184 = arith.constant 0 : i32
    %dma_wait3A_185 = tpu.memref_slice %dma_wait3A_182[%dma_wait3A_183, %dma_wait3A_184] : memref<10000x128xf32, #tpu.memory_space<hbm>> -> memref<10000x128xf32, #tpu.memory_space<hbm>>
    tpu.wait_indirect_dma semaphore(%arg19 : memref<!tpu.dma_semaphore, #tpu.memory_space<semaphore_mem>>) src(%dma_wait3A_185 : memref<10000x128xf32, #tpu.memory_space<hbm>>) dst(%arg11 : memref<40x128xf32, #tpu.memory_space<vmem>>)
    "tpu.region"() ({
      %run_scoped3A = tpu.sem_alloc : memref<!tpu.dma_semaphore, #tpu.memory_space<semaphore_mem>>
      %dma_start3A_218 = arith.constant 9840 : i32
      %dma_start3A_219 = tpu.memref_slice %arg9[%dma_start3A_218] : memref<10000xi32, #tpu.memory_space<vmem>> -> memref<40xi32, #tpu.memory_space<vmem>>
      %dma_start3A_220 = arith.constant 0 : i32
      %dma_start3A_221 = arith.constant 0 : i32
      %dma_start3A_222 = tpu.memref_slice %arg7[%dma_start3A_220, %dma_start3A_221] : memref<10112x128xf32, #tpu.memory_space<vmem_shared>> -> memref<10112x128xf32, #tpu.memory_space<vmem_shared>>
      tpu.enqueue_indirect_dma source(%arg11 : memref<40x128xf32, #tpu.memory_space<vmem>>) target(%dma_start3A_222 : memref<10112x128xf32, #tpu.memory_space<vmem_shared>>) offsets(%dma_start3A_219 : memref<40xi32, #tpu.memory_space<vmem>>) semaphore(%run_scoped3A : memref<!tpu.dma_semaphore, #tpu.memory_space<semaphore_mem>>) {add = true}
      %dma_wait3A_223 = arith.constant 9840 : i32
      %dma_wait3A_224 = tpu.memref_slice %arg9[%dma_wait3A_223] : memref<10000xi32, #tpu.memory_space<vmem>> -> memref<40xi32, #tpu.memory_space<vmem>>
      %dma_wait3A_225 = arith.constant 0 : i32
      %dma_wait3A_226 = arith.constant 0 : i32
      %dma_wait3A_227 = tpu.memref_slice %arg7[%dma_wait3A_225, %dma_wait3A_226] : memref<10112x128xf32, #tpu.memory_space<vmem_shared>> -> memref<10112x128xf32, #tpu.memory_space<vmem_shared>>
      tpu.wait_indirect_dma semaphore(%run_scoped3A : memref<!tpu.dma_semaphore, #tpu.memory_space<semaphore_mem>>) src(%arg11 : memref<40x128xf32, #tpu.memory_space<vmem>>) dst(%dma_wait3A_227 : memref<10112x128xf32, #tpu.memory_space<vmem_shared>>)
      tpu.yield
    }) : () -> ()
    %dma_wait3A_186 = arith.constant 0 : i32
    %dma_wait3A_187 = tpu.memref_slice %arg8[%dma_wait3A_186] : memref<10000xi32, #tpu.memory_space<vmem>> -> memref<40xi32, #tpu.memory_space<vmem>>
    %dma_wait3A_188 = arith.constant 0 : i32
    %dma_wait3A_189 = arith.constant 0 : i32
    %dma_wait3A_190 = tpu.memref_slice %arg2[%arg0, %dma_wait3A_188, %dma_wait3A_189] : memref<2x10000x128xf32, #tpu.memory_space<hbm>> -> memref<1x10000x128xf32, #tpu.memory_space<hbm>>
    %dma_wait3A_191 = tpu.memref_squeeze %dma_wait3A_190 : memref<1x10000x128xf32, #tpu.memory_space<hbm>> -> memref<10000x128xf32, #tpu.memory_space<hbm>>
    %dma_wait3A_192 = arith.constant 0 : i32
    %dma_wait3A_193 = arith.constant 0 : i32
    %dma_wait3A_194 = tpu.memref_slice %dma_wait3A_191[%dma_wait3A_192, %dma_wait3A_193] : memref<10000x128xf32, #tpu.memory_space<hbm>> -> memref<10000x128xf32, #tpu.memory_space<hbm>>
    tpu.wait_indirect_dma semaphore(%arg20 : memref<!tpu.dma_semaphore, #tpu.memory_space<semaphore_mem>>) src(%dma_wait3A_194 : memref<10000x128xf32, #tpu.memory_space<hbm>>) dst(%arg12 : memref<40x128xf32, #tpu.memory_space<vmem>>)
    "tpu.region"() ({
      %run_scoped3A = tpu.sem_alloc : memref<!tpu.dma_semaphore, #tpu.memory_space<semaphore_mem>>
      %dma_start3A_218 = arith.constant 9880 : i32
      %dma_start3A_219 = tpu.memref_slice %arg9[%dma_start3A_218] : memref<10000xi32, #tpu.memory_space<vmem>> -> memref<40xi32, #tpu.memory_space<vmem>>
      %dma_start3A_220 = arith.constant 0 : i32
      %dma_start3A_221 = arith.constant 0 : i32
      %dma_start3A_222 = tpu.memref_slice %arg7[%dma_start3A_220, %dma_start3A_221] : memref<10112x128xf32, #tpu.memory_space<vmem_shared>> -> memref<10112x128xf32, #tpu.memory_space<vmem_shared>>
      tpu.enqueue_indirect_dma source(%arg12 : memref<40x128xf32, #tpu.memory_space<vmem>>) target(%dma_start3A_222 : memref<10112x128xf32, #tpu.memory_space<vmem_shared>>) offsets(%dma_start3A_219 : memref<40xi32, #tpu.memory_space<vmem>>) semaphore(%run_scoped3A : memref<!tpu.dma_semaphore, #tpu.memory_space<semaphore_mem>>) {add = true}
      %dma_wait3A_223 = arith.constant 9880 : i32
      %dma_wait3A_224 = tpu.memref_slice %arg9[%dma_wait3A_223] : memref<10000xi32, #tpu.memory_space<vmem>> -> memref<40xi32, #tpu.memory_space<vmem>>
      %dma_wait3A_225 = arith.constant 0 : i32
      %dma_wait3A_226 = arith.constant 0 : i32
      %dma_wait3A_227 = tpu.memref_slice %arg7[%dma_wait3A_225, %dma_wait3A_226] : memref<10112x128xf32, #tpu.memory_space<vmem_shared>> -> memref<10112x128xf32, #tpu.memory_space<vmem_shared>>
      tpu.wait_indirect_dma semaphore(%run_scoped3A : memref<!tpu.dma_semaphore, #tpu.memory_space<semaphore_mem>>) src(%arg12 : memref<40x128xf32, #tpu.memory_space<vmem>>) dst(%dma_wait3A_227 : memref<10112x128xf32, #tpu.memory_space<vmem_shared>>)
      tpu.yield
    }) : () -> ()
    %dma_wait3A_195 = arith.constant 0 : i32
    %dma_wait3A_196 = tpu.memref_slice %arg8[%dma_wait3A_195] : memref<10000xi32, #tpu.memory_space<vmem>> -> memref<40xi32, #tpu.memory_space<vmem>>
    %dma_wait3A_197 = arith.constant 0 : i32
    %dma_wait3A_198 = arith.constant 0 : i32
    %dma_wait3A_199 = tpu.memref_slice %arg2[%arg0, %dma_wait3A_197, %dma_wait3A_198] : memref<2x10000x128xf32, #tpu.memory_space<hbm>> -> memref<1x10000x128xf32, #tpu.memory_space<hbm>>
    %dma_wait3A_200 = tpu.memref_squeeze %dma_wait3A_199 : memref<1x10000x128xf32, #tpu.memory_space<hbm>> -> memref<10000x128xf32, #tpu.memory_space<hbm>>
    %dma_wait3A_201 = arith.constant 0 : i32
    %dma_wait3A_202 = arith.constant 0 : i32
    %dma_wait3A_203 = tpu.memref_slice %dma_wait3A_200[%dma_wait3A_201, %dma_wait3A_202] : memref<10000x128xf32, #tpu.memory_space<hbm>> -> memref<10000x128xf32, #tpu.memory_space<hbm>>
    tpu.wait_indirect_dma semaphore(%arg21 : memref<!tpu.dma_semaphore, #tpu.memory_space<semaphore_mem>>) src(%dma_wait3A_203 : memref<10000x128xf32, #tpu.memory_space<hbm>>) dst(%arg13 : memref<40x128xf32, #tpu.memory_space<vmem>>)
    "tpu.region"() ({
      %run_scoped3A = tpu.sem_alloc : memref<!tpu.dma_semaphore, #tpu.memory_space<semaphore_mem>>
      %dma_start3A_218 = arith.constant 9920 : i32
      %dma_start3A_219 = tpu.memref_slice %arg9[%dma_start3A_218] : memref<10000xi32, #tpu.memory_space<vmem>> -> memref<40xi32, #tpu.memory_space<vmem>>
      %dma_start3A_220 = arith.constant 0 : i32
      %dma_start3A_221 = arith.constant 0 : i32
      %dma_start3A_222 = tpu.memref_slice %arg7[%dma_start3A_220, %dma_start3A_221] : memref<10112x128xf32, #tpu.memory_space<vmem_shared>> -> memref<10112x128xf32, #tpu.memory_space<vmem_shared>>
      tpu.enqueue_indirect_dma source(%arg13 : memref<40x128xf32, #tpu.memory_space<vmem>>) target(%dma_start3A_222 : memref<10112x128xf32, #tpu.memory_space<vmem_shared>>) offsets(%dma_start3A_219 : memref<40xi32, #tpu.memory_space<vmem>>) semaphore(%run_scoped3A : memref<!tpu.dma_semaphore, #tpu.memory_space<semaphore_mem>>) {add = true}
      %dma_wait3A_223 = arith.constant 9920 : i32
      %dma_wait3A_224 = tpu.memref_slice %arg9[%dma_wait3A_223] : memref<10000xi32, #tpu.memory_space<vmem>> -> memref<40xi32, #tpu.memory_space<vmem>>
      %dma_wait3A_225 = arith.constant 0 : i32
      %dma_wait3A_226 = arith.constant 0 : i32
      %dma_wait3A_227 = tpu.memref_slice %arg7[%dma_wait3A_225, %dma_wait3A_226] : memref<10112x128xf32, #tpu.memory_space<vmem_shared>> -> memref<10112x128xf32, #tpu.memory_space<vmem_shared>>
      tpu.wait_indirect_dma semaphore(%run_scoped3A : memref<!tpu.dma_semaphore, #tpu.memory_space<semaphore_mem>>) src(%arg13 : memref<40x128xf32, #tpu.memory_space<vmem>>) dst(%dma_wait3A_227 : memref<10112x128xf32, #tpu.memory_space<vmem_shared>>)
      tpu.yield
    }) : () -> ()
    %dma_wait3A_204 = arith.constant 0 : i32
    %dma_wait3A_205 = tpu.memref_slice %arg8[%dma_wait3A_204] : memref<10000xi32, #tpu.memory_space<vmem>> -> memref<40xi32, #tpu.memory_space<vmem>>
    %dma_wait3A_206 = arith.constant 0 : i32
    %dma_wait3A_207 = arith.constant 0 : i32
    %dma_wait3A_208 = tpu.memref_slice %arg2[%arg0, %dma_wait3A_206, %dma_wait3A_207] : memref<2x10000x128xf32, #tpu.memory_space<hbm>> -> memref<1x10000x128xf32, #tpu.memory_space<hbm>>
    %dma_wait3A_209 = tpu.memref_squeeze %dma_wait3A_208 : memref<1x10000x128xf32, #tpu.memory_space<hbm>> -> memref<10000x128xf32, #tpu.memory_space<hbm>>
    %dma_wait3A_210 = arith.constant 0 : i32
    %dma_wait3A_211 = arith.constant 0 : i32
    %dma_wait3A_212 = tpu.memref_slice %dma_wait3A_209[%dma_wait3A_210, %dma_wait3A_211] : memref<10000x128xf32, #tpu.memory_space<hbm>> -> memref<10000x128xf32, #tpu.memory_space<hbm>>
    tpu.wait_indirect_dma semaphore(%arg22 : memref<!tpu.dma_semaphore, #tpu.memory_space<semaphore_mem>>) src(%dma_wait3A_212 : memref<10000x128xf32, #tpu.memory_space<hbm>>) dst(%arg14 : memref<40x128xf32, #tpu.memory_space<vmem>>)
    "tpu.region"() ({
      %run_scoped3A = tpu.sem_alloc : memref<!tpu.dma_semaphore, #tpu.memory_space<semaphore_mem>>
      %dma_start3A_218 = arith.constant 9960 : i32
      %dma_start3A_219 = tpu.memref_slice %arg9[%dma_start3A_218] : memref<10000xi32, #tpu.memory_space<vmem>> -> memref<40xi32, #tpu.memory_space<vmem>>
      %dma_start3A_220 = arith.constant 0 : i32
      %dma_start3A_221 = arith.constant 0 : i32
      %dma_start3A_222 = tpu.memref_slice %arg7[%dma_start3A_220, %dma_start3A_221] : memref<10112x128xf32, #tpu.memory_space<vmem_shared>> -> memref<10112x128xf32, #tpu.memory_space<vmem_shared>>
      tpu.enqueue_indirect_dma source(%arg14 : memref<40x128xf32, #tpu.memory_space<vmem>>) target(%dma_start3A_222 : memref<10112x128xf32, #tpu.memory_space<vmem_shared>>) offsets(%dma_start3A_219 : memref<40xi32, #tpu.memory_space<vmem>>) semaphore(%run_scoped3A : memref<!tpu.dma_semaphore, #tpu.memory_space<semaphore_mem>>) {add = true}
      %dma_wait3A_223 = arith.constant 9960 : i32
      %dma_wait3A_224 = tpu.memref_slice %arg9[%dma_wait3A_223] : memref<10000xi32, #tpu.memory_space<vmem>> -> memref<40xi32, #tpu.memory_space<vmem>>
      %dma_wait3A_225 = arith.constant 0 : i32
      %dma_wait3A_226 = arith.constant 0 : i32
      %dma_wait3A_227 = tpu.memref_slice %arg7[%dma_wait3A_225, %dma_wait3A_226] : memref<10112x128xf32, #tpu.memory_space<vmem_shared>> -> memref<10112x128xf32, #tpu.memory_space<vmem_shared>>
      tpu.wait_indirect_dma semaphore(%run_scoped3A : memref<!tpu.dma_semaphore, #tpu.memory_space<semaphore_mem>>) src(%arg14 : memref<40x128xf32, #tpu.memory_space<vmem>>) dst(%dma_wait3A_227 : memref<10112x128xf32, #tpu.memory_space<vmem_shared>>)
      tpu.yield
    }) : () -> ()
    %barrier3A_213 = arith.constant 0 : index
    tpu.barrier barrier_id(%barrier3A_213)
    %mul3A_214 = arith.constant 632 : i32
    %mul3A_215 = arith.muli %arg1, %mul3A_214 : i32
    %mul3A_216 = arith.constant 632 : i32
    %mul3A_217 = arith.muli %arg1, %mul3A_216 : i32
    "tpu.region"() ({
      %run_scoped3A = tpu.sem_alloc : memref<!tpu.dma_semaphore, #tpu.memory_space<semaphore_mem>>
      %dma_start3A_218 = arith.constant 0 : i32
      %dma_start3A_219 = tpu.memref_slice %arg6[%arg0, %mul3A_217, %dma_start3A_218] : memref<2x10112x128xf32, #tpu.memory_space<hbm>> -> memref<1x632x128xf32, #tpu.memory_space<hbm>>
      %dma_start3A_220 = tpu.memref_squeeze %dma_start3A_219 : memref<1x632x128xf32, #tpu.memory_space<hbm>> -> memref<632x128xf32, #tpu.memory_space<hbm>>
      %dma_start3A_221 = arith.constant 0 : i32
      %dma_start3A_222 = tpu.memref_slice %arg7[%mul3A_215, %dma_start3A_221] : memref<10112x128xf32, #tpu.memory_space<vmem_shared>> -> memref<632x128xf32, #tpu.memory_space<vmem_shared>>
      tpu.enqueue_dma source(%dma_start3A_222 : memref<632x128xf32, #tpu.memory_space<vmem_shared>>) target(%dma_start3A_220 : memref<632x128xf32, #tpu.memory_space<hbm>>) target_semaphore(%run_scoped3A : memref<!tpu.dma_semaphore, #tpu.memory_space<semaphore_mem>>)
      %dma_wait3A_223 = arith.constant 0 : i32
      %dma_wait3A_224 = tpu.memref_slice %arg6[%arg0, %mul3A_217, %dma_wait3A_223] : memref<2x10112x128xf32, #tpu.memory_space<hbm>> -> memref<1x632x128xf32, #tpu.memory_space<hbm>>
      %dma_wait3A_225 = tpu.memref_squeeze %dma_wait3A_224 : memref<1x632x128xf32, #tpu.memory_space<hbm>> -> memref<632x128xf32, #tpu.memory_space<hbm>>
      %dma_wait3A_226 = arith.constant 0 : i32
      %dma_wait3A_227 = tpu.memref_slice %arg7[%mul3A_215, %dma_wait3A_226] : memref<10112x128xf32, #tpu.memory_space<vmem_shared>> -> memref<632x128xf32, #tpu.memory_space<vmem_shared>>
      tpu.wait_dma2 semaphore(%run_scoped3A : memref<!tpu.dma_semaphore, #tpu.memory_space<semaphore_mem>>) src(%dma_wait3A_227 : memref<632x128xf32, #tpu.memory_space<vmem_shared>>) dst(%dma_wait3A_225 : memref<632x128xf32, #tpu.memory_space<hbm>>)
      tpu.yield
    }) : () -> ()
    return
  }
}

#map = affine_map<(d0, d1) -> (0, 0)>
#map1 = affine_map<(d0, d1) -> (0, 0, 0)>
module attributes {stable_mosaic.version = 14 : i64} {
  func.func @_cnt_body(%arg0: i32, %arg1: i32, %arg2: memref<32x5000xi32, #tpu.memory_space<hbm>>, %arg3: memref<632x128xf32, #tpu.memory_space<hbm>>, %arg4: memref<40x128xf32, #tpu.memory_space<hbm>>, %arg5: memref<2x10112x128xf32, #tpu.memory_space<hbm>>, %arg6: memref<10112x128xf32, #tpu.memory_space<vmem_shared>>, %arg7: memref<5000xi32, #tpu.memory_space<vmem>>, %arg8: memref<40x128xf32, #tpu.memory_space<vmem>>, %arg9: memref<!tpu.dma_semaphore, #tpu.memory_space<semaphore_mem>>, %arg10: memref<!tpu.dma_semaphore, #tpu.memory_space<semaphore_mem>>, %arg11: memref<!tpu.dma_semaphore, #tpu.memory_space<semaphore_mem>>) attributes {dimension_semantics = [#tpu.dimension_semantics<core_parallel>, #tpu.dimension_semantics<subcore_parallel>], iteration_bounds = array<i64: 2, 16>, scalar_prefetch = 0 : i64, scratch_operands = 6 : i64, tpu.core_type = #tpu.core_type<sc_vector_subcore>, window_params = [{transform_indices = #map}, {transform_indices = #map}, {transform_indices = #map}, {transform_indices = #map1}]} {
    %mul3A = arith.constant 2 : i32
    %mul3A_0 = arith.muli %arg1, %mul3A : i32
    %add3A = arith.addi %mul3A_0, %arg0 : i32
    %mul3A_1 = arith.constant 632 : i32
    %mul3A_2 = arith.muli %arg1, %mul3A_1 : i32
    %dma_start3A = arith.constant 0 : i32
    %dma_start3A_3 = tpu.memref_slice %arg6[%mul3A_2, %dma_start3A] : memref<10112x128xf32, #tpu.memory_space<vmem_shared>> -> memref<632x128xf32, #tpu.memory_space<vmem_shared>>
    tpu.enqueue_dma source(%arg3 : memref<632x128xf32, #tpu.memory_space<hbm>>) target(%dma_start3A_3 : memref<632x128xf32, #tpu.memory_space<vmem_shared>>) target_semaphore(%arg9 : memref<!tpu.dma_semaphore, #tpu.memory_space<semaphore_mem>>)
    tpu.enqueue_dma source(%arg4 : memref<40x128xf32, #tpu.memory_space<hbm>>) target(%arg8 : memref<40x128xf32, #tpu.memory_space<vmem>>) target_semaphore(%arg10 : memref<!tpu.dma_semaphore, #tpu.memory_space<semaphore_mem>>)
    %dma_start3A_4 = arith.constant 0 : i32
    %dma_start3A_5 = tpu.memref_slice %arg2[%add3A, %dma_start3A_4] : memref<32x5000xi32, #tpu.memory_space<hbm>> -> memref<1x5000xi32, #tpu.memory_space<hbm>>
    %dma_start3A_6 = tpu.memref_squeeze %dma_start3A_5 : memref<1x5000xi32, #tpu.memory_space<hbm>> -> memref<5000xi32, #tpu.memory_space<hbm>>
    %dma_start3A_7 = arith.constant 0 : i32
    %dma_start3A_8 = tpu.memref_slice %arg2[%add3A, %dma_start3A_7] : memref<32x5000xi32, #tpu.memory_space<hbm>> -> memref<1x5000xi32, #tpu.memory_space<hbm>>
    %dma_start3A_9 = tpu.memref_squeeze %dma_start3A_8 : memref<1x5000xi32, #tpu.memory_space<hbm>> -> memref<5000xi32, #tpu.memory_space<hbm>>
    tpu.enqueue_dma source(%dma_start3A_9 : memref<5000xi32, #tpu.memory_space<hbm>>) target(%arg7 : memref<5000xi32, #tpu.memory_space<vmem>>) target_semaphore(%arg11 : memref<!tpu.dma_semaphore, #tpu.memory_space<semaphore_mem>>)
    %dma_wait3A = arith.constant 0 : i32
    %dma_wait3A_10 = tpu.memref_slice %arg6[%mul3A_2, %dma_wait3A] : memref<10112x128xf32, #tpu.memory_space<vmem_shared>> -> memref<632x128xf32, #tpu.memory_space<vmem_shared>>
    tpu.wait_dma2 semaphore(%arg9 : memref<!tpu.dma_semaphore, #tpu.memory_space<semaphore_mem>>) src(%arg3 : memref<632x128xf32, #tpu.memory_space<hbm>>) dst(%dma_wait3A_10 : memref<632x128xf32, #tpu.memory_space<vmem_shared>>)
    tpu.wait_dma2 semaphore(%arg10 : memref<!tpu.dma_semaphore, #tpu.memory_space<semaphore_mem>>) src(%arg4 : memref<40x128xf32, #tpu.memory_space<hbm>>) dst(%arg8 : memref<40x128xf32, #tpu.memory_space<vmem>>)
    %dma_wait3A_11 = arith.constant 0 : i32
    %dma_wait3A_12 = tpu.memref_slice %arg2[%add3A, %dma_wait3A_11] : memref<32x5000xi32, #tpu.memory_space<hbm>> -> memref<1x5000xi32, #tpu.memory_space<hbm>>
    %dma_wait3A_13 = tpu.memref_squeeze %dma_wait3A_12 : memref<1x5000xi32, #tpu.memory_space<hbm>> -> memref<5000xi32, #tpu.memory_space<hbm>>
    %dma_wait3A_14 = arith.constant 0 : i32
    %dma_wait3A_15 = tpu.memref_slice %arg2[%add3A, %dma_wait3A_14] : memref<32x5000xi32, #tpu.memory_space<hbm>> -> memref<1x5000xi32, #tpu.memory_space<hbm>>
    %dma_wait3A_16 = tpu.memref_squeeze %dma_wait3A_15 : memref<1x5000xi32, #tpu.memory_space<hbm>> -> memref<5000xi32, #tpu.memory_space<hbm>>
    tpu.wait_dma2 semaphore(%arg11 : memref<!tpu.dma_semaphore, #tpu.memory_space<semaphore_mem>>) src(%dma_wait3A_16 : memref<5000xi32, #tpu.memory_space<hbm>>) dst(%arg7 : memref<5000xi32, #tpu.memory_space<vmem>>)
    %barrier3A = arith.constant 0 : index
    tpu.barrier barrier_id(%barrier3A)
    %scan3A = arith.constant 0 : i32
    %scan3A_17 = arith.constant 0 : i32
    %scan3A_18 = arith.constant 25 : i32
    %scan3A_19 = arith.addi %scan3A_17, %scan3A_18 : i32
    %scan3A_20 = arith.constant 1 : i32
    %scan3A_21 = scf.for %scan3A_28 = %scan3A_17 to %scan3A_19 step %scan3A_20 iter_args(%scan3A_29 = %scan3A) -> (i32)  : i32 {
      %mul3A_30 = arith.constant 5 : i32
      %mul3A_31 = arith.muli %scan3A_28, %mul3A_30 : i32
      %add3A_32 = arith.constant 0 : i32
      %add3A_33 = arith.addi %mul3A_31, %add3A_32 : i32
      %mul3A_34 = arith.constant 40 : i32
      %mul3A_35 = arith.muli %add3A_33, %mul3A_34 : i32
      %dma_start3A_36 = tpu.memref_slice %arg7[%mul3A_35] : memref<5000xi32, #tpu.memory_space<vmem>> -> memref<40xi32, #tpu.memory_space<vmem>>
      %dma_start3A_37 = arith.constant 0 : i32
      %dma_start3A_38 = arith.constant 0 : i32
      %dma_start3A_39 = tpu.memref_slice %arg6[%dma_start3A_37, %dma_start3A_38] : memref<10112x128xf32, #tpu.memory_space<vmem_shared>> -> memref<10112x128xf32, #tpu.memory_space<vmem_shared>>
      tpu.enqueue_indirect_dma source(%arg8 : memref<40x128xf32, #tpu.memory_space<vmem>>) target(%dma_start3A_39 : memref<10112x128xf32, #tpu.memory_space<vmem_shared>>) offsets(%dma_start3A_36 : memref<40xi32, #tpu.memory_space<vmem>>) semaphore(%arg9 : memref<!tpu.dma_semaphore, #tpu.memory_space<semaphore_mem>>) {add = true}
      %mul3A_40 = arith.constant 5 : i32
      %mul3A_41 = arith.muli %scan3A_28, %mul3A_40 : i32
      %add3A_42 = arith.constant 1 : i32
      %add3A_43 = arith.addi %mul3A_41, %add3A_42 : i32
      %mul3A_44 = arith.constant 40 : i32
      %mul3A_45 = arith.muli %add3A_43, %mul3A_44 : i32
      %dma_start3A_46 = tpu.memref_slice %arg7[%mul3A_45] : memref<5000xi32, #tpu.memory_space<vmem>> -> memref<40xi32, #tpu.memory_space<vmem>>
      %dma_start3A_47 = arith.constant 0 : i32
      %dma_start3A_48 = arith.constant 0 : i32
      %dma_start3A_49 = tpu.memref_slice %arg6[%dma_start3A_47, %dma_start3A_48] : memref<10112x128xf32, #tpu.memory_space<vmem_shared>> -> memref<10112x128xf32, #tpu.memory_space<vmem_shared>>
      tpu.enqueue_indirect_dma source(%arg8 : memref<40x128xf32, #tpu.memory_space<vmem>>) target(%dma_start3A_49 : memref<10112x128xf32, #tpu.memory_space<vmem_shared>>) offsets(%dma_start3A_46 : memref<40xi32, #tpu.memory_space<vmem>>) semaphore(%arg9 : memref<!tpu.dma_semaphore, #tpu.memory_space<semaphore_mem>>) {add = true}
      %mul3A_50 = arith.constant 5 : i32
      %mul3A_51 = arith.muli %scan3A_28, %mul3A_50 : i32
      %add3A_52 = arith.constant 2 : i32
      %add3A_53 = arith.addi %mul3A_51, %add3A_52 : i32
      %mul3A_54 = arith.constant 40 : i32
      %mul3A_55 = arith.muli %add3A_53, %mul3A_54 : i32
      %dma_start3A_56 = tpu.memref_slice %arg7[%mul3A_55] : memref<5000xi32, #tpu.memory_space<vmem>> -> memref<40xi32, #tpu.memory_space<vmem>>
      %dma_start3A_57 = arith.constant 0 : i32
      %dma_start3A_58 = arith.constant 0 : i32
      %dma_start3A_59 = tpu.memref_slice %arg6[%dma_start3A_57, %dma_start3A_58] : memref<10112x128xf32, #tpu.memory_space<vmem_shared>> -> memref<10112x128xf32, #tpu.memory_space<vmem_shared>>
      tpu.enqueue_indirect_dma source(%arg8 : memref<40x128xf32, #tpu.memory_space<vmem>>) target(%dma_start3A_59 : memref<10112x128xf32, #tpu.memory_space<vmem_shared>>) offsets(%dma_start3A_56 : memref<40xi32, #tpu.memory_space<vmem>>) semaphore(%arg9 : memref<!tpu.dma_semaphore, #tpu.memory_space<semaphore_mem>>) {add = true}
      %mul3A_60 = arith.constant 5 : i32
      %mul3A_61 = arith.muli %scan3A_28, %mul3A_60 : i32
      %add3A_62 = arith.constant 3 : i32
      %add3A_63 = arith.addi %mul3A_61, %add3A_62 : i32
      %mul3A_64 = arith.constant 40 : i32
      %mul3A_65 = arith.muli %add3A_63, %mul3A_64 : i32
      %dma_start3A_66 = tpu.memref_slice %arg7[%mul3A_65] : memref<5000xi32, #tpu.memory_space<vmem>> -> memref<40xi32, #tpu.memory_space<vmem>>
      %dma_start3A_67 = arith.constant 0 : i32
      %dma_start3A_68 = arith.constant 0 : i32
      %dma_start3A_69 = tpu.memref_slice %arg6[%dma_start3A_67, %dma_start3A_68] : memref<10112x128xf32, #tpu.memory_space<vmem_shared>> -> memref<10112x128xf32, #tpu.memory_space<vmem_shared>>
      tpu.enqueue_indirect_dma source(%arg8 : memref<40x128xf32, #tpu.memory_space<vmem>>) target(%dma_start3A_69 : memref<10112x128xf32, #tpu.memory_space<vmem_shared>>) offsets(%dma_start3A_66 : memref<40xi32, #tpu.memory_space<vmem>>) semaphore(%arg9 : memref<!tpu.dma_semaphore, #tpu.memory_space<semaphore_mem>>) {add = true}
      %mul3A_70 = arith.constant 5 : i32
      %mul3A_71 = arith.muli %scan3A_28, %mul3A_70 : i32
      %add3A_72 = arith.constant 4 : i32
      %add3A_73 = arith.addi %mul3A_71, %add3A_72 : i32
      %mul3A_74 = arith.constant 40 : i32
      %mul3A_75 = arith.muli %add3A_73, %mul3A_74 : i32
      %dma_start3A_76 = tpu.memref_slice %arg7[%mul3A_75] : memref<5000xi32, #tpu.memory_space<vmem>> -> memref<40xi32, #tpu.memory_space<vmem>>
      %dma_start3A_77 = arith.constant 0 : i32
      %dma_start3A_78 = arith.constant 0 : i32
      %dma_start3A_79 = tpu.memref_slice %arg6[%dma_start3A_77, %dma_start3A_78] : memref<10112x128xf32, #tpu.memory_space<vmem_shared>> -> memref<10112x128xf32, #tpu.memory_space<vmem_shared>>
      tpu.enqueue_indirect_dma source(%arg8 : memref<40x128xf32, #tpu.memory_space<vmem>>) target(%dma_start3A_79 : memref<10112x128xf32, #tpu.memory_space<vmem_shared>>) offsets(%dma_start3A_76 : memref<40xi32, #tpu.memory_space<vmem>>) semaphore(%arg9 : memref<!tpu.dma_semaphore, #tpu.memory_space<semaphore_mem>>) {add = true}
      %dma_wait3A_80 = tpu.memref_slice %arg7[%mul3A_35] : memref<5000xi32, #tpu.memory_space<vmem>> -> memref<40xi32, #tpu.memory_space<vmem>>
      %dma_wait3A_81 = arith.constant 0 : i32
      %dma_wait3A_82 = arith.constant 0 : i32
      %dma_wait3A_83 = tpu.memref_slice %arg6[%dma_wait3A_81, %dma_wait3A_82] : memref<10112x128xf32, #tpu.memory_space<vmem_shared>> -> memref<10112x128xf32, #tpu.memory_space<vmem_shared>>
      tpu.wait_indirect_dma semaphore(%arg9 : memref<!tpu.dma_semaphore, #tpu.memory_space<semaphore_mem>>) src(%arg8 : memref<40x128xf32, #tpu.memory_space<vmem>>) dst(%dma_wait3A_83 : memref<10112x128xf32, #tpu.memory_space<vmem_shared>>)
      %dma_wait3A_84 = tpu.memref_slice %arg7[%mul3A_45] : memref<5000xi32, #tpu.memory_space<vmem>> -> memref<40xi32, #tpu.memory_space<vmem>>
      %dma_wait3A_85 = arith.constant 0 : i32
      %dma_wait3A_86 = arith.constant 0 : i32
      %dma_wait3A_87 = tpu.memref_slice %arg6[%dma_wait3A_85, %dma_wait3A_86] : memref<10112x128xf32, #tpu.memory_space<vmem_shared>> -> memref<10112x128xf32, #tpu.memory_space<vmem_shared>>
      tpu.wait_indirect_dma semaphore(%arg9 : memref<!tpu.dma_semaphore, #tpu.memory_space<semaphore_mem>>) src(%arg8 : memref<40x128xf32, #tpu.memory_space<vmem>>) dst(%dma_wait3A_87 : memref<10112x128xf32, #tpu.memory_space<vmem_shared>>)
      %dma_wait3A_88 = tpu.memref_slice %arg7[%mul3A_55] : memref<5000xi32, #tpu.memory_space<vmem>> -> memref<40xi32, #tpu.memory_space<vmem>>
      %dma_wait3A_89 = arith.constant 0 : i32
      %dma_wait3A_90 = arith.constant 0 : i32
      %dma_wait3A_91 = tpu.memref_slice %arg6[%dma_wait3A_89, %dma_wait3A_90] : memref<10112x128xf32, #tpu.memory_space<vmem_shared>> -> memref<10112x128xf32, #tpu.memory_space<vmem_shared>>
      tpu.wait_indirect_dma semaphore(%arg9 : memref<!tpu.dma_semaphore, #tpu.memory_space<semaphore_mem>>) src(%arg8 : memref<40x128xf32, #tpu.memory_space<vmem>>) dst(%dma_wait3A_91 : memref<10112x128xf32, #tpu.memory_space<vmem_shared>>)
      %dma_wait3A_92 = tpu.memref_slice %arg7[%mul3A_65] : memref<5000xi32, #tpu.memory_space<vmem>> -> memref<40xi32, #tpu.memory_space<vmem>>
      %dma_wait3A_93 = arith.constant 0 : i32
      %dma_wait3A_94 = arith.constant 0 : i32
      %dma_wait3A_95 = tpu.memref_slice %arg6[%dma_wait3A_93, %dma_wait3A_94] : memref<10112x128xf32, #tpu.memory_space<vmem_shared>> -> memref<10112x128xf32, #tpu.memory_space<vmem_shared>>
      tpu.wait_indirect_dma semaphore(%arg9 : memref<!tpu.dma_semaphore, #tpu.memory_space<semaphore_mem>>) src(%arg8 : memref<40x128xf32, #tpu.memory_space<vmem>>) dst(%dma_wait3A_95 : memref<10112x128xf32, #tpu.memory_space<vmem_shared>>)
      %dma_wait3A_96 = tpu.memref_slice %arg7[%mul3A_75] : memref<5000xi32, #tpu.memory_space<vmem>> -> memref<40xi32, #tpu.memory_space<vmem>>
      %dma_wait3A_97 = arith.constant 0 : i32
      %dma_wait3A_98 = arith.constant 0 : i32
      %dma_wait3A_99 = tpu.memref_slice %arg6[%dma_wait3A_97, %dma_wait3A_98] : memref<10112x128xf32, #tpu.memory_space<vmem_shared>> -> memref<10112x128xf32, #tpu.memory_space<vmem_shared>>
      tpu.wait_indirect_dma semaphore(%arg9 : memref<!tpu.dma_semaphore, #tpu.memory_space<semaphore_mem>>) src(%arg8 : memref<40x128xf32, #tpu.memory_space<vmem>>) dst(%dma_wait3A_99 : memref<10112x128xf32, #tpu.memory_space<vmem_shared>>)
      %scan3A_100 = arith.constant 0 : i32
      scf.yield %scan3A_100 : i32
    }
    %scan3A_22 = arith.constant 25 : i32
    %barrier3A_23 = arith.constant 0 : index
    tpu.barrier barrier_id(%barrier3A_23)
    %mul3A_24 = arith.constant 632 : i32
    %mul3A_25 = arith.muli %arg1, %mul3A_24 : i32
    %mul3A_26 = arith.constant 632 : i32
    %mul3A_27 = arith.muli %arg1, %mul3A_26 : i32
    "tpu.region"() ({
      %run_scoped3A = tpu.sem_alloc : memref<!tpu.dma_semaphore, #tpu.memory_space<semaphore_mem>>
      %dma_start3A_28 = arith.constant 0 : i32
      %dma_start3A_29 = tpu.memref_slice %arg5[%arg0, %mul3A_27, %dma_start3A_28] : memref<2x10112x128xf32, #tpu.memory_space<hbm>> -> memref<1x632x128xf32, #tpu.memory_space<hbm>>
      %dma_start3A_30 = tpu.memref_squeeze %dma_start3A_29 : memref<1x632x128xf32, #tpu.memory_space<hbm>> -> memref<632x128xf32, #tpu.memory_space<hbm>>
      %dma_start3A_31 = arith.constant 0 : i32
      %dma_start3A_32 = tpu.memref_slice %arg6[%mul3A_25, %dma_start3A_31] : memref<10112x128xf32, #tpu.memory_space<vmem_shared>> -> memref<632x128xf32, #tpu.memory_space<vmem_shared>>
      tpu.enqueue_dma source(%dma_start3A_32 : memref<632x128xf32, #tpu.memory_space<vmem_shared>>) target(%dma_start3A_30 : memref<632x128xf32, #tpu.memory_space<hbm>>) target_semaphore(%run_scoped3A : memref<!tpu.dma_semaphore, #tpu.memory_space<semaphore_mem>>)
      %dma_wait3A_33 = arith.constant 0 : i32
      %dma_wait3A_34 = tpu.memref_slice %arg5[%arg0, %mul3A_27, %dma_wait3A_33] : memref<2x10112x128xf32, #tpu.memory_space<hbm>> -> memref<1x632x128xf32, #tpu.memory_space<hbm>>
      %dma_wait3A_35 = tpu.memref_squeeze %dma_wait3A_34 : memref<1x632x128xf32, #tpu.memory_space<hbm>> -> memref<632x128xf32, #tpu.memory_space<hbm>>
      %dma_wait3A_36 = arith.constant 0 : i32
      %dma_wait3A_37 = tpu.memref_slice %arg6[%mul3A_25, %dma_wait3A_36] : memref<10112x128xf32, #tpu.memory_space<vmem_shared>> -> memref<632x128xf32, #tpu.memory_space<vmem_shared>>
      tpu.wait_dma2 semaphore(%run_scoped3A : memref<!tpu.dma_semaphore, #tpu.memory_space<semaphore_mem>>) src(%dma_wait3A_37 : memref<632x128xf32, #tpu.memory_space<vmem_shared>>) dst(%dma_wait3A_35 : memref<632x128xf32, #tpu.memory_space<hbm>>)
      tpu.yield
    }) : () -> ()
    return
  }
}

#map = affine_map<(d0, d1) -> (0, 0, 0)>
#map1 = affine_map<(d0, d1) -> (0, 0)>
module attributes {stable_mosaic.version = 14 : i64} {
  func.func @_agg_body(%arg0: i32, %arg1: i32, %arg2: memref<2x10000x128xf32, #tpu.memory_space<hbm>>, %arg3: memref<16x10000xi32, #tpu.memory_space<hbm>>, %arg4: memref<16x10000xi32, #tpu.memory_space<hbm>>, %arg5: memref<632x128xf32, #tpu.memory_space<hbm>>, %arg6: memref<2x10112x128xf32, #tpu.memory_space<hbm>>, %arg7: memref<10112x128xf32, #tpu.memory_space<vmem_shared>>, %arg8: memref<10000xi32, #tpu.memory_space<vmem>>, %arg9: memref<10000xi32, #tpu.memory_space<vmem>>, %arg10: memref<40x128xf32, #tpu.memory_space<vmem>>, %arg11: memref<40x128xf32, #tpu.memory_space<vmem>>, %arg12: memref<40x128xf32, #tpu.memory_space<vmem>>, %arg13: memref<40x128xf32, #tpu.memory_space<vmem>>, %arg14: memref<40x128xf32, #tpu.memory_space<vmem>>, %arg15: memref<!tpu.dma_semaphore, #tpu.memory_space<semaphore_mem>>, %arg16: memref<!tpu.dma_semaphore, #tpu.memory_space<semaphore_mem>>, %arg17: memref<!tpu.dma_semaphore, #tpu.memory_space<semaphore_mem>>, %arg18: memref<!tpu.dma_semaphore, #tpu.memory_space<semaphore_mem>>, %arg19: memref<!tpu.dma_semaphore, #tpu.memory_space<semaphore_mem>>, %arg20: memref<!tpu.dma_semaphore, #tpu.memory_space<semaphore_mem>>, %arg21: memref<!tpu.dma_semaphore, #tpu.memory_space<semaphore_mem>>, %arg22: memref<!tpu.dma_semaphore, #tpu.memory_space<semaphore_mem>>) attributes {dimension_semantics = [#tpu.dimension_semantics<core_parallel>, #tpu.dimension_semantics<subcore_parallel>], iteration_bounds = array<i64: 2, 16>, scalar_prefetch = 0 : i64, scratch_operands = 16 : i64, tpu.core_type = #tpu.core_type<sc_vector_subcore>, window_params = [{transform_indices = #map}, {transform_indices = #map1}, {transform_indices = #map1}, {transform_indices = #map1}, {transform_indices = #map}]} {
    %mul3A = arith.constant 632 : i32
    %mul3A_0 = arith.muli %arg1, %mul3A : i32
    %dma_start3A = arith.constant 0 : i32
    %dma_start3A_1 = tpu.memref_slice %arg7[%mul3A_0, %dma_start3A] : memref<10112x128xf32, #tpu.memory_space<vmem_shared>> -> memref<632x128xf32, #tpu.memory_space<vmem_shared>>
    tpu.enqueue_dma source(%arg5 : memref<632x128xf32, #tpu.memory_space<hbm>>) target(%dma_start3A_1 : memref<632x128xf32, #tpu.memory_space<vmem_shared>>) target_semaphore(%arg15 : memref<!tpu.dma_semaphore, #tpu.memory_space<semaphore_mem>>)
    %dma_start3A_2 = arith.constant 0 : i32
    %dma_start3A_3 = tpu.memref_slice %arg3[%arg1, %dma_start3A_2] : memref<16x10000xi32, #tpu.memory_space<hbm>> -> memref<1x10000xi32, #tpu.memory_space<hbm>>
    %dma_start3A_4 = tpu.memref_squeeze %dma_start3A_3 : memref<1x10000xi32, #tpu.memory_space<hbm>> -> memref<10000xi32, #tpu.memory_space<hbm>>
    %dma_start3A_5 = arith.constant 0 : i32
    %dma_start3A_6 = tpu.memref_slice %arg3[%arg1, %dma_start3A_5] : memref<16x10000xi32, #tpu.memory_space<hbm>> -> memref<1x10000xi32, #tpu.memory_space<hbm>>
    %dma_start3A_7 = tpu.memref_squeeze %dma_start3A_6 : memref<1x10000xi32, #tpu.memory_space<hbm>> -> memref<10000xi32, #tpu.memory_space<hbm>>
    tpu.enqueue_dma source(%dma_start3A_7 : memref<10000xi32, #tpu.memory_space<hbm>>) target(%arg8 : memref<10000xi32, #tpu.memory_space<vmem>>) target_semaphore(%arg16 : memref<!tpu.dma_semaphore, #tpu.memory_space<semaphore_mem>>)
    %dma_start3A_8 = arith.constant 0 : i32
    %dma_start3A_9 = tpu.memref_slice %arg4[%arg1, %dma_start3A_8] : memref<16x10000xi32, #tpu.memory_space<hbm>> -> memref<1x10000xi32, #tpu.memory_space<hbm>>
    %dma_start3A_10 = tpu.memref_squeeze %dma_start3A_9 : memref<1x10000xi32, #tpu.memory_space<hbm>> -> memref<10000xi32, #tpu.memory_space<hbm>>
    %dma_start3A_11 = arith.constant 0 : i32
    %dma_start3A_12 = tpu.memref_slice %arg4[%arg1, %dma_start3A_11] : memref<16x10000xi32, #tpu.memory_space<hbm>> -> memref<1x10000xi32, #tpu.memory_space<hbm>>
    %dma_start3A_13 = tpu.memref_squeeze %dma_start3A_12 : memref<1x10000xi32, #tpu.memory_space<hbm>> -> memref<10000xi32, #tpu.memory_space<hbm>>
    tpu.enqueue_dma source(%dma_start3A_13 : memref<10000xi32, #tpu.memory_space<hbm>>) target(%arg9 : memref<10000xi32, #tpu.memory_space<vmem>>) target_semaphore(%arg17 : memref<!tpu.dma_semaphore, #tpu.memory_space<semaphore_mem>>)
    %dma_wait3A = arith.constant 0 : i32
    %dma_wait3A_14 = tpu.memref_slice %arg7[%mul3A_0, %dma_wait3A] : memref<10112x128xf32, #tpu.memory_space<vmem_shared>> -> memref<632x128xf32, #tpu.memory_space<vmem_shared>>
    tpu.wait_dma2 semaphore(%arg15 : memref<!tpu.dma_semaphore, #tpu.memory_space<semaphore_mem>>) src(%arg5 : memref<632x128xf32, #tpu.memory_space<hbm>>) dst(%dma_wait3A_14 : memref<632x128xf32, #tpu.memory_space<vmem_shared>>)
    %dma_wait3A_15 = arith.constant 0 : i32
    %dma_wait3A_16 = tpu.memref_slice %arg3[%arg1, %dma_wait3A_15] : memref<16x10000xi32, #tpu.memory_space<hbm>> -> memref<1x10000xi32, #tpu.memory_space<hbm>>
    %dma_wait3A_17 = tpu.memref_squeeze %dma_wait3A_16 : memref<1x10000xi32, #tpu.memory_space<hbm>> -> memref<10000xi32, #tpu.memory_space<hbm>>
    %dma_wait3A_18 = arith.constant 0 : i32
    %dma_wait3A_19 = tpu.memref_slice %arg3[%arg1, %dma_wait3A_18] : memref<16x10000xi32, #tpu.memory_space<hbm>> -> memref<1x10000xi32, #tpu.memory_space<hbm>>
    %dma_wait3A_20 = tpu.memref_squeeze %dma_wait3A_19 : memref<1x10000xi32, #tpu.memory_space<hbm>> -> memref<10000xi32, #tpu.memory_space<hbm>>
    tpu.wait_dma2 semaphore(%arg16 : memref<!tpu.dma_semaphore, #tpu.memory_space<semaphore_mem>>) src(%dma_wait3A_20 : memref<10000xi32, #tpu.memory_space<hbm>>) dst(%arg8 : memref<10000xi32, #tpu.memory_space<vmem>>)
    %dma_wait3A_21 = arith.constant 0 : i32
    %dma_wait3A_22 = tpu.memref_slice %arg4[%arg1, %dma_wait3A_21] : memref<16x10000xi32, #tpu.memory_space<hbm>> -> memref<1x10000xi32, #tpu.memory_space<hbm>>
    %dma_wait3A_23 = tpu.memref_squeeze %dma_wait3A_22 : memref<1x10000xi32, #tpu.memory_space<hbm>> -> memref<10000xi32, #tpu.memory_space<hbm>>
    %dma_wait3A_24 = arith.constant 0 : i32
    %dma_wait3A_25 = tpu.memref_slice %arg4[%arg1, %dma_wait3A_24] : memref<16x10000xi32, #tpu.memory_space<hbm>> -> memref<1x10000xi32, #tpu.memory_space<hbm>>
    %dma_wait3A_26 = tpu.memref_squeeze %dma_wait3A_25 : memref<1x10000xi32, #tpu.memory_space<hbm>> -> memref<10000xi32, #tpu.memory_space<hbm>>
    tpu.wait_dma2 semaphore(%arg17 : memref<!tpu.dma_semaphore, #tpu.memory_space<semaphore_mem>>) src(%dma_wait3A_26 : memref<10000xi32, #tpu.memory_space<hbm>>) dst(%arg9 : memref<10000xi32, #tpu.memory_space<vmem>>)
    %barrier3A = arith.constant 0 : index
    tpu.barrier barrier_id(%barrier3A)
    %dma_start3A_27 = arith.constant 0 : i32
    %dma_start3A_28 = tpu.memref_slice %arg8[%dma_start3A_27] : memref<10000xi32, #tpu.memory_space<vmem>> -> memref<40xi32, #tpu.memory_space<vmem>>
    %dma_start3A_29 = arith.constant 0 : i32
    %dma_start3A_30 = arith.constant 0 : i32
    %dma_start3A_31 = tpu.memref_slice %arg2[%arg0, %dma_start3A_29, %dma_start3A_30] : memref<2x10000x128xf32, #tpu.memory_space<hbm>> -> memref<1x10000x128xf32, #tpu.memory_space<hbm>>
    %dma_start3A_32 = tpu.memref_squeeze %dma_start3A_31 : memref<1x10000x128xf32, #tpu.memory_space<hbm>> -> memref<10000x128xf32, #tpu.memory_space<hbm>>
    %dma_start3A_33 = arith.constant 0 : i32
    %dma_start3A_34 = arith.constant 0 : i32
    %dma_start3A_35 = tpu.memref_slice %dma_start3A_32[%dma_start3A_33, %dma_start3A_34] : memref<10000x128xf32, #tpu.memory_space<hbm>> -> memref<10000x128xf32, #tpu.memory_space<hbm>>
    tpu.enqueue_indirect_dma source(%dma_start3A_35 : memref<10000x128xf32, #tpu.memory_space<hbm>>) target(%arg10 : memref<40x128xf32, #tpu.memory_space<vmem>>) offsets(%dma_start3A_28 : memref<40xi32, #tpu.memory_space<vmem>>) semaphore(%arg18 : memref<!tpu.dma_semaphore, #tpu.memory_space<semaphore_mem>>)
    %dma_start3A_36 = arith.constant 40 : i32
    %dma_start3A_37 = tpu.memref_slice %arg8[%dma_start3A_36] : memref<10000xi32, #tpu.memory_space<vmem>> -> memref<40xi32, #tpu.memory_space<vmem>>
    %dma_start3A_38 = arith.constant 0 : i32
    %dma_start3A_39 = arith.constant 0 : i32
    %dma_start3A_40 = tpu.memref_slice %arg2[%arg0, %dma_start3A_38, %dma_start3A_39] : memref<2x10000x128xf32, #tpu.memory_space<hbm>> -> memref<1x10000x128xf32, #tpu.memory_space<hbm>>
    %dma_start3A_41 = tpu.memref_squeeze %dma_start3A_40 : memref<1x10000x128xf32, #tpu.memory_space<hbm>> -> memref<10000x128xf32, #tpu.memory_space<hbm>>
    %dma_start3A_42 = arith.constant 0 : i32
    %dma_start3A_43 = arith.constant 0 : i32
    %dma_start3A_44 = tpu.memref_slice %dma_start3A_41[%dma_start3A_42, %dma_start3A_43] : memref<10000x128xf32, #tpu.memory_space<hbm>> -> memref<10000x128xf32, #tpu.memory_space<hbm>>
    tpu.enqueue_indirect_dma source(%dma_start3A_44 : memref<10000x128xf32, #tpu.memory_space<hbm>>) target(%arg11 : memref<40x128xf32, #tpu.memory_space<vmem>>) offsets(%dma_start3A_37 : memref<40xi32, #tpu.memory_space<vmem>>) semaphore(%arg19 : memref<!tpu.dma_semaphore, #tpu.memory_space<semaphore_mem>>)
    %dma_start3A_45 = arith.constant 80 : i32
    %dma_start3A_46 = tpu.memref_slice %arg8[%dma_start3A_45] : memref<10000xi32, #tpu.memory_space<vmem>> -> memref<40xi32, #tpu.memory_space<vmem>>
    %dma_start3A_47 = arith.constant 0 : i32
    %dma_start3A_48 = arith.constant 0 : i32
    %dma_start3A_49 = tpu.memref_slice %arg2[%arg0, %dma_start3A_47, %dma_start3A_48] : memref<2x10000x128xf32, #tpu.memory_space<hbm>> -> memref<1x10000x128xf32, #tpu.memory_space<hbm>>
    %dma_start3A_50 = tpu.memref_squeeze %dma_start3A_49 : memref<1x10000x128xf32, #tpu.memory_space<hbm>> -> memref<10000x128xf32, #tpu.memory_space<hbm>>
    %dma_start3A_51 = arith.constant 0 : i32
    %dma_start3A_52 = arith.constant 0 : i32
    %dma_start3A_53 = tpu.memref_slice %dma_start3A_50[%dma_start3A_51, %dma_start3A_52] : memref<10000x128xf32, #tpu.memory_space<hbm>> -> memref<10000x128xf32, #tpu.memory_space<hbm>>
    tpu.enqueue_indirect_dma source(%dma_start3A_53 : memref<10000x128xf32, #tpu.memory_space<hbm>>) target(%arg12 : memref<40x128xf32, #tpu.memory_space<vmem>>) offsets(%dma_start3A_46 : memref<40xi32, #tpu.memory_space<vmem>>) semaphore(%arg20 : memref<!tpu.dma_semaphore, #tpu.memory_space<semaphore_mem>>)
    %dma_start3A_54 = arith.constant 120 : i32
    %dma_start3A_55 = tpu.memref_slice %arg8[%dma_start3A_54] : memref<10000xi32, #tpu.memory_space<vmem>> -> memref<40xi32, #tpu.memory_space<vmem>>
    %dma_start3A_56 = arith.constant 0 : i32
    %dma_start3A_57 = arith.constant 0 : i32
    %dma_start3A_58 = tpu.memref_slice %arg2[%arg0, %dma_start3A_56, %dma_start3A_57] : memref<2x10000x128xf32, #tpu.memory_space<hbm>> -> memref<1x10000x128xf32, #tpu.memory_space<hbm>>
    %dma_start3A_59 = tpu.memref_squeeze %dma_start3A_58 : memref<1x10000x128xf32, #tpu.memory_space<hbm>> -> memref<10000x128xf32, #tpu.memory_space<hbm>>
    %dma_start3A_60 = arith.constant 0 : i32
    %dma_start3A_61 = arith.constant 0 : i32
    %dma_start3A_62 = tpu.memref_slice %dma_start3A_59[%dma_start3A_60, %dma_start3A_61] : memref<10000x128xf32, #tpu.memory_space<hbm>> -> memref<10000x128xf32, #tpu.memory_space<hbm>>
    tpu.enqueue_indirect_dma source(%dma_start3A_62 : memref<10000x128xf32, #tpu.memory_space<hbm>>) target(%arg13 : memref<40x128xf32, #tpu.memory_space<vmem>>) offsets(%dma_start3A_55 : memref<40xi32, #tpu.memory_space<vmem>>) semaphore(%arg21 : memref<!tpu.dma_semaphore, #tpu.memory_space<semaphore_mem>>)
    %dma_start3A_63 = arith.constant 160 : i32
    %dma_start3A_64 = tpu.memref_slice %arg8[%dma_start3A_63] : memref<10000xi32, #tpu.memory_space<vmem>> -> memref<40xi32, #tpu.memory_space<vmem>>
    %dma_start3A_65 = arith.constant 0 : i32
    %dma_start3A_66 = arith.constant 0 : i32
    %dma_start3A_67 = tpu.memref_slice %arg2[%arg0, %dma_start3A_65, %dma_start3A_66] : memref<2x10000x128xf32, #tpu.memory_space<hbm>> -> memref<1x10000x128xf32, #tpu.memory_space<hbm>>
    %dma_start3A_68 = tpu.memref_squeeze %dma_start3A_67 : memref<1x10000x128xf32, #tpu.memory_space<hbm>> -> memref<10000x128xf32, #tpu.memory_space<hbm>>
    %dma_start3A_69 = arith.constant 0 : i32
    %dma_start3A_70 = arith.constant 0 : i32
    %dma_start3A_71 = tpu.memref_slice %dma_start3A_68[%dma_start3A_69, %dma_start3A_70] : memref<10000x128xf32, #tpu.memory_space<hbm>> -> memref<10000x128xf32, #tpu.memory_space<hbm>>
    tpu.enqueue_indirect_dma source(%dma_start3A_71 : memref<10000x128xf32, #tpu.memory_space<hbm>>) target(%arg14 : memref<40x128xf32, #tpu.memory_space<vmem>>) offsets(%dma_start3A_64 : memref<40xi32, #tpu.memory_space<vmem>>) semaphore(%arg22 : memref<!tpu.dma_semaphore, #tpu.memory_space<semaphore_mem>>)
    %scan3A = arith.constant 0 : i32
    %scan3A_72 = arith.constant 0 : i32
    %scan3A_73 = arith.constant 48 : i32
    %scan3A_74 = arith.addi %scan3A_72, %scan3A_73 : i32
    %scan3A_75 = arith.constant 1 : i32
    %scan3A_76 = scf.for %scan3A_218 = %scan3A_72 to %scan3A_74 step %scan3A_75 iter_args(%scan3A_219 = %scan3A) -> (i32)  : i32 {
      %mul3A_220 = arith.constant 5 : i32
      %mul3A_221 = arith.muli %scan3A_218, %mul3A_220 : i32
      %add3A = arith.constant 0 : i32
      %add3A_222 = arith.addi %mul3A_221, %add3A : i32
      %dma_wait3A_223 = arith.constant 0 : i32
      %dma_wait3A_224 = tpu.memref_slice %arg8[%dma_wait3A_223] : memref<10000xi32, #tpu.memory_space<vmem>> -> memref<40xi32, #tpu.memory_space<vmem>>
      %dma_wait3A_225 = arith.constant 0 : i32
      %dma_wait3A_226 = arith.constant 0 : i32
      %dma_wait3A_227 = tpu.memref_slice %arg2[%arg0, %dma_wait3A_225, %dma_wait3A_226] : memref<2x10000x128xf32, #tpu.memory_space<hbm>> -> memref<1x10000x128xf32, #tpu.memory_space<hbm>>
      %dma_wait3A_228 = tpu.memref_squeeze %dma_wait3A_227 : memref<1x10000x128xf32, #tpu.memory_space<hbm>> -> memref<10000x128xf32, #tpu.memory_space<hbm>>
      %dma_wait3A_229 = arith.constant 0 : i32
      %dma_wait3A_230 = arith.constant 0 : i32
      %dma_wait3A_231 = tpu.memref_slice %dma_wait3A_228[%dma_wait3A_229, %dma_wait3A_230] : memref<10000x128xf32, #tpu.memory_space<hbm>> -> memref<10000x128xf32, #tpu.memory_space<hbm>>
      tpu.wait_indirect_dma semaphore(%arg18 : memref<!tpu.dma_semaphore, #tpu.memory_space<semaphore_mem>>) src(%dma_wait3A_231 : memref<10000x128xf32, #tpu.memory_space<hbm>>) dst(%arg10 : memref<40x128xf32, #tpu.memory_space<vmem>>)
      %mul3A_232 = arith.constant 40 : i32
      %mul3A_233 = arith.muli %add3A_222, %mul3A_232 : i32
      "tpu.region"() ({
        %run_scoped3A = tpu.sem_alloc : memref<!tpu.dma_semaphore, #tpu.memory_space<semaphore_mem>>
        %dma_start3A_355 = tpu.memref_slice %arg9[%mul3A_233] : memref<10000xi32, #tpu.memory_space<vmem>> -> memref<40xi32, #tpu.memory_space<vmem>>
        %dma_start3A_356 = arith.constant 0 : i32
        %dma_start3A_357 = arith.constant 0 : i32
        %dma_start3A_358 = tpu.memref_slice %arg7[%dma_start3A_356, %dma_start3A_357] : memref<10112x128xf32, #tpu.memory_space<vmem_shared>> -> memref<10112x128xf32, #tpu.memory_space<vmem_shared>>
        tpu.enqueue_indirect_dma source(%arg10 : memref<40x128xf32, #tpu.memory_space<vmem>>) target(%dma_start3A_358 : memref<10112x128xf32, #tpu.memory_space<vmem_shared>>) offsets(%dma_start3A_355 : memref<40xi32, #tpu.memory_space<vmem>>) semaphore(%run_scoped3A : memref<!tpu.dma_semaphore, #tpu.memory_space<semaphore_mem>>) {add = true}
        %dma_wait3A_359 = tpu.memref_slice %arg9[%mul3A_233] : memref<10000xi32, #tpu.memory_space<vmem>> -> memref<40xi32, #tpu.memory_space<vmem>>
        %dma_wait3A_360 = arith.constant 0 : i32
        %dma_wait3A_361 = arith.constant 0 : i32
        %dma_wait3A_362 = tpu.memref_slice %arg7[%dma_wait3A_360, %dma_wait3A_361] : memref<10112x128xf32, #tpu.memory_space<vmem_shared>> -> memref<10112x128xf32, #tpu.memory_space<vmem_shared>>
        tpu.wait_indirect_dma semaphore(%run_scoped3A : memref<!tpu.dma_semaphore, #tpu.memory_space<semaphore_mem>>) src(%arg10 : memref<40x128xf32, #tpu.memory_space<vmem>>) dst(%dma_wait3A_362 : memref<10112x128xf32, #tpu.memory_space<vmem_shared>>)
        tpu.yield
      }) : () -> ()
      %add3A_234 = arith.constant 5 : i32
      %add3A_235 = arith.addi %add3A_222, %add3A_234 : i32
      %mul3A_236 = arith.constant 40 : i32
      %mul3A_237 = arith.muli %add3A_235, %mul3A_236 : i32
      %dma_start3A_238 = tpu.memref_slice %arg8[%mul3A_237] : memref<10000xi32, #tpu.memory_space<vmem>> -> memref<40xi32, #tpu.memory_space<vmem>>
      %dma_start3A_239 = arith.constant 0 : i32
      %dma_start3A_240 = arith.constant 0 : i32
      %dma_start3A_241 = tpu.memref_slice %arg2[%arg0, %dma_start3A_239, %dma_start3A_240] : memref<2x10000x128xf32, #tpu.memory_space<hbm>> -> memref<1x10000x128xf32, #tpu.memory_space<hbm>>
      %dma_start3A_242 = tpu.memref_squeeze %dma_start3A_241 : memref<1x10000x128xf32, #tpu.memory_space<hbm>> -> memref<10000x128xf32, #tpu.memory_space<hbm>>
      %dma_start3A_243 = arith.constant 0 : i32
      %dma_start3A_244 = arith.constant 0 : i32
      %dma_start3A_245 = tpu.memref_slice %dma_start3A_242[%dma_start3A_243, %dma_start3A_244] : memref<10000x128xf32, #tpu.memory_space<hbm>> -> memref<10000x128xf32, #tpu.memory_space<hbm>>
      tpu.enqueue_indirect_dma source(%dma_start3A_245 : memref<10000x128xf32, #tpu.memory_space<hbm>>) target(%arg10 : memref<40x128xf32, #tpu.memory_space<vmem>>) offsets(%dma_start3A_238 : memref<40xi32, #tpu.memory_space<vmem>>) semaphore(%arg18 : memref<!tpu.dma_semaphore, #tpu.memory_space<semaphore_mem>>)
      %mul3A_246 = arith.constant 5 : i32
      %mul3A_247 = arith.muli %scan3A_218, %mul3A_246 : i32
      %add3A_248 = arith.constant 1 : i32
      %add3A_249 = arith.addi %mul3A_247, %add3A_248 : i32
      %dma_wait3A_250 = arith.constant 0 : i32
      %dma_wait3A_251 = tpu.memref_slice %arg8[%dma_wait3A_250] : memref<10000xi32, #tpu.memory_space<vmem>> -> memref<40xi32, #tpu.memory_space<vmem>>
      %dma_wait3A_252 = arith.constant 0 : i32
      %dma_wait3A_253 = arith.constant 0 : i32
      %dma_wait3A_254 = tpu.memref_slice %arg2[%arg0, %dma_wait3A_252, %dma_wait3A_253] : memref<2x10000x128xf32, #tpu.memory_space<hbm>> -> memref<1x10000x128xf32, #tpu.memory_space<hbm>>
      %dma_wait3A_255 = tpu.memref_squeeze %dma_wait3A_254 : memref<1x10000x128xf32, #tpu.memory_space<hbm>> -> memref<10000x128xf32, #tpu.memory_space<hbm>>
      %dma_wait3A_256 = arith.constant 0 : i32
      %dma_wait3A_257 = arith.constant 0 : i32
      %dma_wait3A_258 = tpu.memref_slice %dma_wait3A_255[%dma_wait3A_256, %dma_wait3A_257] : memref<10000x128xf32, #tpu.memory_space<hbm>> -> memref<10000x128xf32, #tpu.memory_space<hbm>>
      tpu.wait_indirect_dma semaphore(%arg19 : memref<!tpu.dma_semaphore, #tpu.memory_space<semaphore_mem>>) src(%dma_wait3A_258 : memref<10000x128xf32, #tpu.memory_space<hbm>>) dst(%arg11 : memref<40x128xf32, #tpu.memory_space<vmem>>)
      %mul3A_259 = arith.constant 40 : i32
      %mul3A_260 = arith.muli %add3A_249, %mul3A_259 : i32
      "tpu.region"() ({
        %run_scoped3A = tpu.sem_alloc : memref<!tpu.dma_semaphore, #tpu.memory_space<semaphore_mem>>
        %dma_start3A_355 = tpu.memref_slice %arg9[%mul3A_260] : memref<10000xi32, #tpu.memory_space<vmem>> -> memref<40xi32, #tpu.memory_space<vmem>>
        %dma_start3A_356 = arith.constant 0 : i32
        %dma_start3A_357 = arith.constant 0 : i32
        %dma_start3A_358 = tpu.memref_slice %arg7[%dma_start3A_356, %dma_start3A_357] : memref<10112x128xf32, #tpu.memory_space<vmem_shared>> -> memref<10112x128xf32, #tpu.memory_space<vmem_shared>>
        tpu.enqueue_indirect_dma source(%arg11 : memref<40x128xf32, #tpu.memory_space<vmem>>) target(%dma_start3A_358 : memref<10112x128xf32, #tpu.memory_space<vmem_shared>>) offsets(%dma_start3A_355 : memref<40xi32, #tpu.memory_space<vmem>>) semaphore(%run_scoped3A : memref<!tpu.dma_semaphore, #tpu.memory_space<semaphore_mem>>) {add = true}
        %dma_wait3A_359 = tpu.memref_slice %arg9[%mul3A_260] : memref<10000xi32, #tpu.memory_space<vmem>> -> memref<40xi32, #tpu.memory_space<vmem>>
        %dma_wait3A_360 = arith.constant 0 : i32
        %dma_wait3A_361 = arith.constant 0 : i32
        %dma_wait3A_362 = tpu.memref_slice %arg7[%dma_wait3A_360, %dma_wait3A_361] : memref<10112x128xf32, #tpu.memory_space<vmem_shared>> -> memref<10112x128xf32, #tpu.memory_space<vmem_shared>>
        tpu.wait_indirect_dma semaphore(%run_scoped3A : memref<!tpu.dma_semaphore, #tpu.memory_space<semaphore_mem>>) src(%arg11 : memref<40x128xf32, #tpu.memory_space<vmem>>) dst(%dma_wait3A_362 : memref<10112x128xf32, #tpu.memory_space<vmem_shared>>)
        tpu.yield
      }) : () -> ()
      %add3A_261 = arith.constant 5 : i32
      %add3A_262 = arith.addi %add3A_249, %add3A_261 : i32
      %mul3A_263 = arith.constant 40 : i32
      %mul3A_264 = arith.muli %add3A_262, %mul3A_263 : i32
      %dma_start3A_265 = tpu.memref_slice %arg8[%mul3A_264] : memref<10000xi32, #tpu.memory_space<vmem>> -> memref<40xi32, #tpu.memory_space<vmem>>
      %dma_start3A_266 = arith.constant 0 : i32
      %dma_start3A_267 = arith.constant 0 : i32
      %dma_start3A_268 = tpu.memref_slice %arg2[%arg0, %dma_start3A_266, %dma_start3A_267] : memref<2x10000x128xf32, #tpu.memory_space<hbm>> -> memref<1x10000x128xf32, #tpu.memory_space<hbm>>
      %dma_start3A_269 = tpu.memref_squeeze %dma_start3A_268 : memref<1x10000x128xf32, #tpu.memory_space<hbm>> -> memref<10000x128xf32, #tpu.memory_space<hbm>>
      %dma_start3A_270 = arith.constant 0 : i32
      %dma_start3A_271 = arith.constant 0 : i32
      %dma_start3A_272 = tpu.memref_slice %dma_start3A_269[%dma_start3A_270, %dma_start3A_271] : memref<10000x128xf32, #tpu.memory_space<hbm>> -> memref<10000x128xf32, #tpu.memory_space<hbm>>
      tpu.enqueue_indirect_dma source(%dma_start3A_272 : memref<10000x128xf32, #tpu.memory_space<hbm>>) target(%arg11 : memref<40x128xf32, #tpu.memory_space<vmem>>) offsets(%dma_start3A_265 : memref<40xi32, #tpu.memory_space<vmem>>) semaphore(%arg19 : memref<!tpu.dma_semaphore, #tpu.memory_space<semaphore_mem>>)
      %mul3A_273 = arith.constant 5 : i32
      %mul3A_274 = arith.muli %scan3A_218, %mul3A_273 : i32
      %add3A_275 = arith.constant 2 : i32
      %add3A_276 = arith.addi %mul3A_274, %add3A_275 : i32
      %dma_wait3A_277 = arith.constant 0 : i32
      %dma_wait3A_278 = tpu.memref_slice %arg8[%dma_wait3A_277] : memref<10000xi32, #tpu.memory_space<vmem>> -> memref<40xi32, #tpu.memory_space<vmem>>
      %dma_wait3A_279 = arith.constant 0 : i32
      %dma_wait3A_280 = arith.constant 0 : i32
      %dma_wait3A_281 = tpu.memref_slice %arg2[%arg0, %dma_wait3A_279, %dma_wait3A_280] : memref<2x10000x128xf32, #tpu.memory_space<hbm>> -> memref<1x10000x128xf32, #tpu.memory_space<hbm>>
      %dma_wait3A_282 = tpu.memref_squeeze %dma_wait3A_281 : memref<1x10000x128xf32, #tpu.memory_space<hbm>> -> memref<10000x128xf32, #tpu.memory_space<hbm>>
      %dma_wait3A_283 = arith.constant 0 : i32
      %dma_wait3A_284 = arith.constant 0 : i32
      %dma_wait3A_285 = tpu.memref_slice %dma_wait3A_282[%dma_wait3A_283, %dma_wait3A_284] : memref<10000x128xf32, #tpu.memory_space<hbm>> -> memref<10000x128xf32, #tpu.memory_space<hbm>>
      tpu.wait_indirect_dma semaphore(%arg20 : memref<!tpu.dma_semaphore, #tpu.memory_space<semaphore_mem>>) src(%dma_wait3A_285 : memref<10000x128xf32, #tpu.memory_space<hbm>>) dst(%arg12 : memref<40x128xf32, #tpu.memory_space<vmem>>)
      %mul3A_286 = arith.constant 40 : i32
      %mul3A_287 = arith.muli %add3A_276, %mul3A_286 : i32
      "tpu.region"() ({
        %run_scoped3A = tpu.sem_alloc : memref<!tpu.dma_semaphore, #tpu.memory_space<semaphore_mem>>
        %dma_start3A_355 = tpu.memref_slice %arg9[%mul3A_287] : memref<10000xi32, #tpu.memory_space<vmem>> -> memref<40xi32, #tpu.memory_space<vmem>>
        %dma_start3A_356 = arith.constant 0 : i32
        %dma_start3A_357 = arith.constant 0 : i32
        %dma_start3A_358 = tpu.memref_slice %arg7[%dma_start3A_356, %dma_start3A_357] : memref<10112x128xf32, #tpu.memory_space<vmem_shared>> -> memref<10112x128xf32, #tpu.memory_space<vmem_shared>>
        tpu.enqueue_indirect_dma source(%arg12 : memref<40x128xf32, #tpu.memory_space<vmem>>) target(%dma_start3A_358 : memref<10112x128xf32, #tpu.memory_space<vmem_shared>>) offsets(%dma_start3A_355 : memref<40xi32, #tpu.memory_space<vmem>>) semaphore(%run_scoped3A : memref<!tpu.dma_semaphore, #tpu.memory_space<semaphore_mem>>) {add = true}
        %dma_wait3A_359 = tpu.memref_slice %arg9[%mul3A_287] : memref<10000xi32, #tpu.memory_space<vmem>> -> memref<40xi32, #tpu.memory_space<vmem>>
        %dma_wait3A_360 = arith.constant 0 : i32
        %dma_wait3A_361 = arith.constant 0 : i32
        %dma_wait3A_362 = tpu.memref_slice %arg7[%dma_wait3A_360, %dma_wait3A_361] : memref<10112x128xf32, #tpu.memory_space<vmem_shared>> -> memref<10112x128xf32, #tpu.memory_space<vmem_shared>>
        tpu.wait_indirect_dma semaphore(%run_scoped3A : memref<!tpu.dma_semaphore, #tpu.memory_space<semaphore_mem>>) src(%arg12 : memref<40x128xf32, #tpu.memory_space<vmem>>) dst(%dma_wait3A_362 : memref<10112x128xf32, #tpu.memory_space<vmem_shared>>)
        tpu.yield
      }) : () -> ()
      %add3A_288 = arith.constant 5 : i32
      %add3A_289 = arith.addi %add3A_276, %add3A_288 : i32
      %mul3A_290 = arith.constant 40 : i32
      %mul3A_291 = arith.muli %add3A_289, %mul3A_290 : i32
      %dma_start3A_292 = tpu.memref_slice %arg8[%mul3A_291] : memref<10000xi32, #tpu.memory_space<vmem>> -> memref<40xi32, #tpu.memory_space<vmem>>
      %dma_start3A_293 = arith.constant 0 : i32
      %dma_start3A_294 = arith.constant 0 : i32
      %dma_start3A_295 = tpu.memref_slice %arg2[%arg0, %dma_start3A_293, %dma_start3A_294] : memref<2x10000x128xf32, #tpu.memory_space<hbm>> -> memref<1x10000x128xf32, #tpu.memory_space<hbm>>
      %dma_start3A_296 = tpu.memref_squeeze %dma_start3A_295 : memref<1x10000x128xf32, #tpu.memory_space<hbm>> -> memref<10000x128xf32, #tpu.memory_space<hbm>>
      %dma_start3A_297 = arith.constant 0 : i32
      %dma_start3A_298 = arith.constant 0 : i32
      %dma_start3A_299 = tpu.memref_slice %dma_start3A_296[%dma_start3A_297, %dma_start3A_298] : memref<10000x128xf32, #tpu.memory_space<hbm>> -> memref<10000x128xf32, #tpu.memory_space<hbm>>
      tpu.enqueue_indirect_dma source(%dma_start3A_299 : memref<10000x128xf32, #tpu.memory_space<hbm>>) target(%arg12 : memref<40x128xf32, #tpu.memory_space<vmem>>) offsets(%dma_start3A_292 : memref<40xi32, #tpu.memory_space<vmem>>) semaphore(%arg20 : memref<!tpu.dma_semaphore, #tpu.memory_space<semaphore_mem>>)
      %mul3A_300 = arith.constant 5 : i32
      %mul3A_301 = arith.muli %scan3A_218, %mul3A_300 : i32
      %add3A_302 = arith.constant 3 : i32
      %add3A_303 = arith.addi %mul3A_301, %add3A_302 : i32
      %dma_wait3A_304 = arith.constant 0 : i32
      %dma_wait3A_305 = tpu.memref_slice %arg8[%dma_wait3A_304] : memref<10000xi32, #tpu.memory_space<vmem>> -> memref<40xi32, #tpu.memory_space<vmem>>
      %dma_wait3A_306 = arith.constant 0 : i32
      %dma_wait3A_307 = arith.constant 0 : i32
      %dma_wait3A_308 = tpu.memref_slice %arg2[%arg0, %dma_wait3A_306, %dma_wait3A_307] : memref<2x10000x128xf32, #tpu.memory_space<hbm>> -> memref<1x10000x128xf32, #tpu.memory_space<hbm>>
      %dma_wait3A_309 = tpu.memref_squeeze %dma_wait3A_308 : memref<1x10000x128xf32, #tpu.memory_space<hbm>> -> memref<10000x128xf32, #tpu.memory_space<hbm>>
      %dma_wait3A_310 = arith.constant 0 : i32
      %dma_wait3A_311 = arith.constant 0 : i32
      %dma_wait3A_312 = tpu.memref_slice %dma_wait3A_309[%dma_wait3A_310, %dma_wait3A_311] : memref<10000x128xf32, #tpu.memory_space<hbm>> -> memref<10000x128xf32, #tpu.memory_space<hbm>>
      tpu.wait_indirect_dma semaphore(%arg21 : memref<!tpu.dma_semaphore, #tpu.memory_space<semaphore_mem>>) src(%dma_wait3A_312 : memref<10000x128xf32, #tpu.memory_space<hbm>>) dst(%arg13 : memref<40x128xf32, #tpu.memory_space<vmem>>)
      %mul3A_313 = arith.constant 40 : i32
      %mul3A_314 = arith.muli %add3A_303, %mul3A_313 : i32
      "tpu.region"() ({
        %run_scoped3A = tpu.sem_alloc : memref<!tpu.dma_semaphore, #tpu.memory_space<semaphore_mem>>
        %dma_start3A_355 = tpu.memref_slice %arg9[%mul3A_314] : memref<10000xi32, #tpu.memory_space<vmem>> -> memref<40xi32, #tpu.memory_space<vmem>>
        %dma_start3A_356 = arith.constant 0 : i32
        %dma_start3A_357 = arith.constant 0 : i32
        %dma_start3A_358 = tpu.memref_slice %arg7[%dma_start3A_356, %dma_start3A_357] : memref<10112x128xf32, #tpu.memory_space<vmem_shared>> -> memref<10112x128xf32, #tpu.memory_space<vmem_shared>>
        tpu.enqueue_indirect_dma source(%arg13 : memref<40x128xf32, #tpu.memory_space<vmem>>) target(%dma_start3A_358 : memref<10112x128xf32, #tpu.memory_space<vmem_shared>>) offsets(%dma_start3A_355 : memref<40xi32, #tpu.memory_space<vmem>>) semaphore(%run_scoped3A : memref<!tpu.dma_semaphore, #tpu.memory_space<semaphore_mem>>) {add = true}
        %dma_wait3A_359 = tpu.memref_slice %arg9[%mul3A_314] : memref<10000xi32, #tpu.memory_space<vmem>> -> memref<40xi32, #tpu.memory_space<vmem>>
        %dma_wait3A_360 = arith.constant 0 : i32
        %dma_wait3A_361 = arith.constant 0 : i32
        %dma_wait3A_362 = tpu.memref_slice %arg7[%dma_wait3A_360, %dma_wait3A_361] : memref<10112x128xf32, #tpu.memory_space<vmem_shared>> -> memref<10112x128xf32, #tpu.memory_space<vmem_shared>>
        tpu.wait_indirect_dma semaphore(%run_scoped3A : memref<!tpu.dma_semaphore, #tpu.memory_space<semaphore_mem>>) src(%arg13 : memref<40x128xf32, #tpu.memory_space<vmem>>) dst(%dma_wait3A_362 : memref<10112x128xf32, #tpu.memory_space<vmem_shared>>)
        tpu.yield
      }) : () -> ()
      %add3A_315 = arith.constant 5 : i32
      %add3A_316 = arith.addi %add3A_303, %add3A_315 : i32
      %mul3A_317 = arith.constant 40 : i32
      %mul3A_318 = arith.muli %add3A_316, %mul3A_317 : i32
      %dma_start3A_319 = tpu.memref_slice %arg8[%mul3A_318] : memref<10000xi32, #tpu.memory_space<vmem>> -> memref<40xi32, #tpu.memory_space<vmem>>
      %dma_start3A_320 = arith.constant 0 : i32
      %dma_start3A_321 = arith.constant 0 : i32
      %dma_start3A_322 = tpu.memref_slice %arg2[%arg0, %dma_start3A_320, %dma_start3A_321] : memref<2x10000x128xf32, #tpu.memory_space<hbm>> -> memref<1x10000x128xf32, #tpu.memory_space<hbm>>
      %dma_start3A_323 = tpu.memref_squeeze %dma_start3A_322 : memref<1x10000x128xf32, #tpu.memory_space<hbm>> -> memref<10000x128xf32, #tpu.memory_space<hbm>>
      %dma_start3A_324 = arith.constant 0 : i32
      %dma_start3A_325 = arith.constant 0 : i32
      %dma_start3A_326 = tpu.memref_slice %dma_start3A_323[%dma_start3A_324, %dma_start3A_325] : memref<10000x128xf32, #tpu.memory_space<hbm>> -> memref<10000x128xf32, #tpu.memory_space<hbm>>
      tpu.enqueue_indirect_dma source(%dma_start3A_326 : memref<10000x128xf32, #tpu.memory_space<hbm>>) target(%arg13 : memref<40x128xf32, #tpu.memory_space<vmem>>) offsets(%dma_start3A_319 : memref<40xi32, #tpu.memory_space<vmem>>) semaphore(%arg21 : memref<!tpu.dma_semaphore, #tpu.memory_space<semaphore_mem>>)
      %mul3A_327 = arith.constant 5 : i32
      %mul3A_328 = arith.muli %scan3A_218, %mul3A_327 : i32
      %add3A_329 = arith.constant 4 : i32
      %add3A_330 = arith.addi %mul3A_328, %add3A_329 : i32
      %dma_wait3A_331 = arith.constant 0 : i32
      %dma_wait3A_332 = tpu.memref_slice %arg8[%dma_wait3A_331] : memref<10000xi32, #tpu.memory_space<vmem>> -> memref<40xi32, #tpu.memory_space<vmem>>
      %dma_wait3A_333 = arith.constant 0 : i32
      %dma_wait3A_334 = arith.constant 0 : i32
      %dma_wait3A_335 = tpu.memref_slice %arg2[%arg0, %dma_wait3A_333, %dma_wait3A_334] : memref<2x10000x128xf32, #tpu.memory_space<hbm>> -> memref<1x10000x128xf32, #tpu.memory_space<hbm>>
      %dma_wait3A_336 = tpu.memref_squeeze %dma_wait3A_335 : memref<1x10000x128xf32, #tpu.memory_space<hbm>> -> memref<10000x128xf32, #tpu.memory_space<hbm>>
      %dma_wait3A_337 = arith.constant 0 : i32
      %dma_wait3A_338 = arith.constant 0 : i32
      %dma_wait3A_339 = tpu.memref_slice %dma_wait3A_336[%dma_wait3A_337, %dma_wait3A_338] : memref<10000x128xf32, #tpu.memory_space<hbm>> -> memref<10000x128xf32, #tpu.memory_space<hbm>>
      tpu.wait_indirect_dma semaphore(%arg22 : memref<!tpu.dma_semaphore, #tpu.memory_space<semaphore_mem>>) src(%dma_wait3A_339 : memref<10000x128xf32, #tpu.memory_space<hbm>>) dst(%arg14 : memref<40x128xf32, #tpu.memory_space<vmem>>)
      %mul3A_340 = arith.constant 40 : i32
      %mul3A_341 = arith.muli %add3A_330, %mul3A_340 : i32
      "tpu.region"() ({
        %run_scoped3A = tpu.sem_alloc : memref<!tpu.dma_semaphore, #tpu.memory_space<semaphore_mem>>
        %dma_start3A_355 = tpu.memref_slice %arg9[%mul3A_341] : memref<10000xi32, #tpu.memory_space<vmem>> -> memref<40xi32, #tpu.memory_space<vmem>>
        %dma_start3A_356 = arith.constant 0 : i32
        %dma_start3A_357 = arith.constant 0 : i32
        %dma_start3A_358 = tpu.memref_slice %arg7[%dma_start3A_356, %dma_start3A_357] : memref<10112x128xf32, #tpu.memory_space<vmem_shared>> -> memref<10112x128xf32, #tpu.memory_space<vmem_shared>>
        tpu.enqueue_indirect_dma source(%arg14 : memref<40x128xf32, #tpu.memory_space<vmem>>) target(%dma_start3A_358 : memref<10112x128xf32, #tpu.memory_space<vmem_shared>>) offsets(%dma_start3A_355 : memref<40xi32, #tpu.memory_space<vmem>>) semaphore(%run_scoped3A : memref<!tpu.dma_semaphore, #tpu.memory_space<semaphore_mem>>) {add = true}
        %dma_wait3A_359 = tpu.memref_slice %arg9[%mul3A_341] : memref<10000xi32, #tpu.memory_space<vmem>> -> memref<40xi32, #tpu.memory_space<vmem>>
        %dma_wait3A_360 = arith.constant 0 : i32
        %dma_wait3A_361 = arith.constant 0 : i32
        %dma_wait3A_362 = tpu.memref_slice %arg7[%dma_wait3A_360, %dma_wait3A_361] : memref<10112x128xf32, #tpu.memory_space<vmem_shared>> -> memref<10112x128xf32, #tpu.memory_space<vmem_shared>>
        tpu.wait_indirect_dma semaphore(%run_scoped3A : memref<!tpu.dma_semaphore, #tpu.memory_space<semaphore_mem>>) src(%arg14 : memref<40x128xf32, #tpu.memory_space<vmem>>) dst(%dma_wait3A_362 : memref<10112x128xf32, #tpu.memory_space<vmem_shared>>)
        tpu.yield
      }) : () -> ()
      %add3A_342 = arith.constant 5 : i32
      %add3A_343 = arith.addi %add3A_330, %add3A_342 : i32
      %mul3A_344 = arith.constant 40 : i32
      %mul3A_345 = arith.muli %add3A_343, %mul3A_344 : i32
      %dma_start3A_346 = tpu.memref_slice %arg8[%mul3A_345] : memref<10000xi32, #tpu.memory_space<vmem>> -> memref<40xi32, #tpu.memory_space<vmem>>
      %dma_start3A_347 = arith.constant 0 : i32
      %dma_start3A_348 = arith.constant 0 : i32
      %dma_start3A_349 = tpu.memref_slice %arg2[%arg0, %dma_start3A_347, %dma_start3A_348] : memref<2x10000x128xf32, #tpu.memory_space<hbm>> -> memref<1x10000x128xf32, #tpu.memory_space<hbm>>
      %dma_start3A_350 = tpu.memref_squeeze %dma_start3A_349 : memref<1x10000x128xf32, #tpu.memory_space<hbm>> -> memref<10000x128xf32, #tpu.memory_space<hbm>>
      %dma_start3A_351 = arith.constant 0 : i32
      %dma_start3A_352 = arith.constant 0 : i32
      %dma_start3A_353 = tpu.memref_slice %dma_start3A_350[%dma_start3A_351, %dma_start3A_352] : memref<10000x128xf32, #tpu.memory_space<hbm>> -> memref<10000x128xf32, #tpu.memory_space<hbm>>
      tpu.enqueue_indirect_dma source(%dma_start3A_353 : memref<10000x128xf32, #tpu.memory_space<hbm>>) target(%arg14 : memref<40x128xf32, #tpu.memory_space<vmem>>) offsets(%dma_start3A_346 : memref<40xi32, #tpu.memory_space<vmem>>) semaphore(%arg22 : memref<!tpu.dma_semaphore, #tpu.memory_space<semaphore_mem>>)
      %scan3A_354 = arith.constant 0 : i32
      scf.yield %scan3A_354 : i32
    }
    %scan3A_77 = arith.constant 48 : i32
    %dma_wait3A_78 = arith.constant 0 : i32
    %dma_wait3A_79 = tpu.memref_slice %arg8[%dma_wait3A_78] : memref<10000xi32, #tpu.memory_space<vmem>> -> memref<40xi32, #tpu.memory_space<vmem>>
    %dma_wait3A_80 = arith.constant 0 : i32
    %dma_wait3A_81 = arith.constant 0 : i32
    %dma_wait3A_82 = tpu.memref_slice %arg2[%arg0, %dma_wait3A_80, %dma_wait3A_81] : memref<2x10000x128xf32, #tpu.memory_space<hbm>> -> memref<1x10000x128xf32, #tpu.memory_space<hbm>>
    %dma_wait3A_83 = tpu.memref_squeeze %dma_wait3A_82 : memref<1x10000x128xf32, #tpu.memory_space<hbm>> -> memref<10000x128xf32, #tpu.memory_space<hbm>>
    %dma_wait3A_84 = arith.constant 0 : i32
    %dma_wait3A_85 = arith.constant 0 : i32
    %dma_wait3A_86 = tpu.memref_slice %dma_wait3A_83[%dma_wait3A_84, %dma_wait3A_85] : memref<10000x128xf32, #tpu.memory_space<hbm>> -> memref<10000x128xf32, #tpu.memory_space<hbm>>
    tpu.wait_indirect_dma semaphore(%arg18 : memref<!tpu.dma_semaphore, #tpu.memory_space<semaphore_mem>>) src(%dma_wait3A_86 : memref<10000x128xf32, #tpu.memory_space<hbm>>) dst(%arg10 : memref<40x128xf32, #tpu.memory_space<vmem>>)
    "tpu.region"() ({
      %run_scoped3A = tpu.sem_alloc : memref<!tpu.dma_semaphore, #tpu.memory_space<semaphore_mem>>
      %dma_start3A_218 = arith.constant 9600 : i32
      %dma_start3A_219 = tpu.memref_slice %arg9[%dma_start3A_218] : memref<10000xi32, #tpu.memory_space<vmem>> -> memref<40xi32, #tpu.memory_space<vmem>>
      %dma_start3A_220 = arith.constant 0 : i32
      %dma_start3A_221 = arith.constant 0 : i32
      %dma_start3A_222 = tpu.memref_slice %arg7[%dma_start3A_220, %dma_start3A_221] : memref<10112x128xf32, #tpu.memory_space<vmem_shared>> -> memref<10112x128xf32, #tpu.memory_space<vmem_shared>>
      tpu.enqueue_indirect_dma source(%arg10 : memref<40x128xf32, #tpu.memory_space<vmem>>) target(%dma_start3A_222 : memref<10112x128xf32, #tpu.memory_space<vmem_shared>>) offsets(%dma_start3A_219 : memref<40xi32, #tpu.memory_space<vmem>>) semaphore(%run_scoped3A : memref<!tpu.dma_semaphore, #tpu.memory_space<semaphore_mem>>) {add = true}
      %dma_wait3A_223 = arith.constant 9600 : i32
      %dma_wait3A_224 = tpu.memref_slice %arg9[%dma_wait3A_223] : memref<10000xi32, #tpu.memory_space<vmem>> -> memref<40xi32, #tpu.memory_space<vmem>>
      %dma_wait3A_225 = arith.constant 0 : i32
      %dma_wait3A_226 = arith.constant 0 : i32
      %dma_wait3A_227 = tpu.memref_slice %arg7[%dma_wait3A_225, %dma_wait3A_226] : memref<10112x128xf32, #tpu.memory_space<vmem_shared>> -> memref<10112x128xf32, #tpu.memory_space<vmem_shared>>
      tpu.wait_indirect_dma semaphore(%run_scoped3A : memref<!tpu.dma_semaphore, #tpu.memory_space<semaphore_mem>>) src(%arg10 : memref<40x128xf32, #tpu.memory_space<vmem>>) dst(%dma_wait3A_227 : memref<10112x128xf32, #tpu.memory_space<vmem_shared>>)
      tpu.yield
    }) : () -> ()
    %dma_start3A_87 = arith.constant 9800 : i32
    %dma_start3A_88 = tpu.memref_slice %arg8[%dma_start3A_87] : memref<10000xi32, #tpu.memory_space<vmem>> -> memref<40xi32, #tpu.memory_space<vmem>>
    %dma_start3A_89 = arith.constant 0 : i32
    %dma_start3A_90 = arith.constant 0 : i32
    %dma_start3A_91 = tpu.memref_slice %arg2[%arg0, %dma_start3A_89, %dma_start3A_90] : memref<2x10000x128xf32, #tpu.memory_space<hbm>> -> memref<1x10000x128xf32, #tpu.memory_space<hbm>>
    %dma_start3A_92 = tpu.memref_squeeze %dma_start3A_91 : memref<1x10000x128xf32, #tpu.memory_space<hbm>> -> memref<10000x128xf32, #tpu.memory_space<hbm>>
    %dma_start3A_93 = arith.constant 0 : i32
    %dma_start3A_94 = arith.constant 0 : i32
    %dma_start3A_95 = tpu.memref_slice %dma_start3A_92[%dma_start3A_93, %dma_start3A_94] : memref<10000x128xf32, #tpu.memory_space<hbm>> -> memref<10000x128xf32, #tpu.memory_space<hbm>>
    tpu.enqueue_indirect_dma source(%dma_start3A_95 : memref<10000x128xf32, #tpu.memory_space<hbm>>) target(%arg10 : memref<40x128xf32, #tpu.memory_space<vmem>>) offsets(%dma_start3A_88 : memref<40xi32, #tpu.memory_space<vmem>>) semaphore(%arg18 : memref<!tpu.dma_semaphore, #tpu.memory_space<semaphore_mem>>)
    %dma_wait3A_96 = arith.constant 0 : i32
    %dma_wait3A_97 = tpu.memref_slice %arg8[%dma_wait3A_96] : memref<10000xi32, #tpu.memory_space<vmem>> -> memref<40xi32, #tpu.memory_space<vmem>>
    %dma_wait3A_98 = arith.constant 0 : i32
    %dma_wait3A_99 = arith.constant 0 : i32
    %dma_wait3A_100 = tpu.memref_slice %arg2[%arg0, %dma_wait3A_98, %dma_wait3A_99] : memref<2x10000x128xf32, #tpu.memory_space<hbm>> -> memref<1x10000x128xf32, #tpu.memory_space<hbm>>
    %dma_wait3A_101 = tpu.memref_squeeze %dma_wait3A_100 : memref<1x10000x128xf32, #tpu.memory_space<hbm>> -> memref<10000x128xf32, #tpu.memory_space<hbm>>
    %dma_wait3A_102 = arith.constant 0 : i32
    %dma_wait3A_103 = arith.constant 0 : i32
    %dma_wait3A_104 = tpu.memref_slice %dma_wait3A_101[%dma_wait3A_102, %dma_wait3A_103] : memref<10000x128xf32, #tpu.memory_space<hbm>> -> memref<10000x128xf32, #tpu.memory_space<hbm>>
    tpu.wait_indirect_dma semaphore(%arg19 : memref<!tpu.dma_semaphore, #tpu.memory_space<semaphore_mem>>) src(%dma_wait3A_104 : memref<10000x128xf32, #tpu.memory_space<hbm>>) dst(%arg11 : memref<40x128xf32, #tpu.memory_space<vmem>>)
    "tpu.region"() ({
      %run_scoped3A = tpu.sem_alloc : memref<!tpu.dma_semaphore, #tpu.memory_space<semaphore_mem>>
      %dma_start3A_218 = arith.constant 9640 : i32
      %dma_start3A_219 = tpu.memref_slice %arg9[%dma_start3A_218] : memref<10000xi32, #tpu.memory_space<vmem>> -> memref<40xi32, #tpu.memory_space<vmem>>
      %dma_start3A_220 = arith.constant 0 : i32
      %dma_start3A_221 = arith.constant 0 : i32
      %dma_start3A_222 = tpu.memref_slice %arg7[%dma_start3A_220, %dma_start3A_221] : memref<10112x128xf32, #tpu.memory_space<vmem_shared>> -> memref<10112x128xf32, #tpu.memory_space<vmem_shared>>
      tpu.enqueue_indirect_dma source(%arg11 : memref<40x128xf32, #tpu.memory_space<vmem>>) target(%dma_start3A_222 : memref<10112x128xf32, #tpu.memory_space<vmem_shared>>) offsets(%dma_start3A_219 : memref<40xi32, #tpu.memory_space<vmem>>) semaphore(%run_scoped3A : memref<!tpu.dma_semaphore, #tpu.memory_space<semaphore_mem>>) {add = true}
      %dma_wait3A_223 = arith.constant 9640 : i32
      %dma_wait3A_224 = tpu.memref_slice %arg9[%dma_wait3A_223] : memref<10000xi32, #tpu.memory_space<vmem>> -> memref<40xi32, #tpu.memory_space<vmem>>
      %dma_wait3A_225 = arith.constant 0 : i32
      %dma_wait3A_226 = arith.constant 0 : i32
      %dma_wait3A_227 = tpu.memref_slice %arg7[%dma_wait3A_225, %dma_wait3A_226] : memref<10112x128xf32, #tpu.memory_space<vmem_shared>> -> memref<10112x128xf32, #tpu.memory_space<vmem_shared>>
      tpu.wait_indirect_dma semaphore(%run_scoped3A : memref<!tpu.dma_semaphore, #tpu.memory_space<semaphore_mem>>) src(%arg11 : memref<40x128xf32, #tpu.memory_space<vmem>>) dst(%dma_wait3A_227 : memref<10112x128xf32, #tpu.memory_space<vmem_shared>>)
      tpu.yield
    }) : () -> ()
    %dma_start3A_105 = arith.constant 9840 : i32
    %dma_start3A_106 = tpu.memref_slice %arg8[%dma_start3A_105] : memref<10000xi32, #tpu.memory_space<vmem>> -> memref<40xi32, #tpu.memory_space<vmem>>
    %dma_start3A_107 = arith.constant 0 : i32
    %dma_start3A_108 = arith.constant 0 : i32
    %dma_start3A_109 = tpu.memref_slice %arg2[%arg0, %dma_start3A_107, %dma_start3A_108] : memref<2x10000x128xf32, #tpu.memory_space<hbm>> -> memref<1x10000x128xf32, #tpu.memory_space<hbm>>
    %dma_start3A_110 = tpu.memref_squeeze %dma_start3A_109 : memref<1x10000x128xf32, #tpu.memory_space<hbm>> -> memref<10000x128xf32, #tpu.memory_space<hbm>>
    %dma_start3A_111 = arith.constant 0 : i32
    %dma_start3A_112 = arith.constant 0 : i32
    %dma_start3A_113 = tpu.memref_slice %dma_start3A_110[%dma_start3A_111, %dma_start3A_112] : memref<10000x128xf32, #tpu.memory_space<hbm>> -> memref<10000x128xf32, #tpu.memory_space<hbm>>
    tpu.enqueue_indirect_dma source(%dma_start3A_113 : memref<10000x128xf32, #tpu.memory_space<hbm>>) target(%arg11 : memref<40x128xf32, #tpu.memory_space<vmem>>) offsets(%dma_start3A_106 : memref<40xi32, #tpu.memory_space<vmem>>) semaphore(%arg19 : memref<!tpu.dma_semaphore, #tpu.memory_space<semaphore_mem>>)
    %dma_wait3A_114 = arith.constant 0 : i32
    %dma_wait3A_115 = tpu.memref_slice %arg8[%dma_wait3A_114] : memref<10000xi32, #tpu.memory_space<vmem>> -> memref<40xi32, #tpu.memory_space<vmem>>
    %dma_wait3A_116 = arith.constant 0 : i32
    %dma_wait3A_117 = arith.constant 0 : i32
    %dma_wait3A_118 = tpu.memref_slice %arg2[%arg0, %dma_wait3A_116, %dma_wait3A_117] : memref<2x10000x128xf32, #tpu.memory_space<hbm>> -> memref<1x10000x128xf32, #tpu.memory_space<hbm>>
    %dma_wait3A_119 = tpu.memref_squeeze %dma_wait3A_118 : memref<1x10000x128xf32, #tpu.memory_space<hbm>> -> memref<10000x128xf32, #tpu.memory_space<hbm>>
    %dma_wait3A_120 = arith.constant 0 : i32
    %dma_wait3A_121 = arith.constant 0 : i32
    %dma_wait3A_122 = tpu.memref_slice %dma_wait3A_119[%dma_wait3A_120, %dma_wait3A_121] : memref<10000x128xf32, #tpu.memory_space<hbm>> -> memref<10000x128xf32, #tpu.memory_space<hbm>>
    tpu.wait_indirect_dma semaphore(%arg20 : memref<!tpu.dma_semaphore, #tpu.memory_space<semaphore_mem>>) src(%dma_wait3A_122 : memref<10000x128xf32, #tpu.memory_space<hbm>>) dst(%arg12 : memref<40x128xf32, #tpu.memory_space<vmem>>)
    "tpu.region"() ({
      %run_scoped3A = tpu.sem_alloc : memref<!tpu.dma_semaphore, #tpu.memory_space<semaphore_mem>>
      %dma_start3A_218 = arith.constant 9680 : i32
      %dma_start3A_219 = tpu.memref_slice %arg9[%dma_start3A_218] : memref<10000xi32, #tpu.memory_space<vmem>> -> memref<40xi32, #tpu.memory_space<vmem>>
      %dma_start3A_220 = arith.constant 0 : i32
      %dma_start3A_221 = arith.constant 0 : i32
      %dma_start3A_222 = tpu.memref_slice %arg7[%dma_start3A_220, %dma_start3A_221] : memref<10112x128xf32, #tpu.memory_space<vmem_shared>> -> memref<10112x128xf32, #tpu.memory_space<vmem_shared>>
      tpu.enqueue_indirect_dma source(%arg12 : memref<40x128xf32, #tpu.memory_space<vmem>>) target(%dma_start3A_222 : memref<10112x128xf32, #tpu.memory_space<vmem_shared>>) offsets(%dma_start3A_219 : memref<40xi32, #tpu.memory_space<vmem>>) semaphore(%run_scoped3A : memref<!tpu.dma_semaphore, #tpu.memory_space<semaphore_mem>>) {add = true}
      %dma_wait3A_223 = arith.constant 9680 : i32
      %dma_wait3A_224 = tpu.memref_slice %arg9[%dma_wait3A_223] : memref<10000xi32, #tpu.memory_space<vmem>> -> memref<40xi32, #tpu.memory_space<vmem>>
      %dma_wait3A_225 = arith.constant 0 : i32
      %dma_wait3A_226 = arith.constant 0 : i32
      %dma_wait3A_227 = tpu.memref_slice %arg7[%dma_wait3A_225, %dma_wait3A_226] : memref<10112x128xf32, #tpu.memory_space<vmem_shared>> -> memref<10112x128xf32, #tpu.memory_space<vmem_shared>>
      tpu.wait_indirect_dma semaphore(%run_scoped3A : memref<!tpu.dma_semaphore, #tpu.memory_space<semaphore_mem>>) src(%arg12 : memref<40x128xf32, #tpu.memory_space<vmem>>) dst(%dma_wait3A_227 : memref<10112x128xf32, #tpu.memory_space<vmem_shared>>)
      tpu.yield
    }) : () -> ()
    %dma_start3A_123 = arith.constant 9880 : i32
    %dma_start3A_124 = tpu.memref_slice %arg8[%dma_start3A_123] : memref<10000xi32, #tpu.memory_space<vmem>> -> memref<40xi32, #tpu.memory_space<vmem>>
    %dma_start3A_125 = arith.constant 0 : i32
    %dma_start3A_126 = arith.constant 0 : i32
    %dma_start3A_127 = tpu.memref_slice %arg2[%arg0, %dma_start3A_125, %dma_start3A_126] : memref<2x10000x128xf32, #tpu.memory_space<hbm>> -> memref<1x10000x128xf32, #tpu.memory_space<hbm>>
    %dma_start3A_128 = tpu.memref_squeeze %dma_start3A_127 : memref<1x10000x128xf32, #tpu.memory_space<hbm>> -> memref<10000x128xf32, #tpu.memory_space<hbm>>
    %dma_start3A_129 = arith.constant 0 : i32
    %dma_start3A_130 = arith.constant 0 : i32
    %dma_start3A_131 = tpu.memref_slice %dma_start3A_128[%dma_start3A_129, %dma_start3A_130] : memref<10000x128xf32, #tpu.memory_space<hbm>> -> memref<10000x128xf32, #tpu.memory_space<hbm>>
    tpu.enqueue_indirect_dma source(%dma_start3A_131 : memref<10000x128xf32, #tpu.memory_space<hbm>>) target(%arg12 : memref<40x128xf32, #tpu.memory_space<vmem>>) offsets(%dma_start3A_124 : memref<40xi32, #tpu.memory_space<vmem>>) semaphore(%arg20 : memref<!tpu.dma_semaphore, #tpu.memory_space<semaphore_mem>>)
    %dma_wait3A_132 = arith.constant 0 : i32
    %dma_wait3A_133 = tpu.memref_slice %arg8[%dma_wait3A_132] : memref<10000xi32, #tpu.memory_space<vmem>> -> memref<40xi32, #tpu.memory_space<vmem>>
    %dma_wait3A_134 = arith.constant 0 : i32
    %dma_wait3A_135 = arith.constant 0 : i32
    %dma_wait3A_136 = tpu.memref_slice %arg2[%arg0, %dma_wait3A_134, %dma_wait3A_135] : memref<2x10000x128xf32, #tpu.memory_space<hbm>> -> memref<1x10000x128xf32, #tpu.memory_space<hbm>>
    %dma_wait3A_137 = tpu.memref_squeeze %dma_wait3A_136 : memref<1x10000x128xf32, #tpu.memory_space<hbm>> -> memref<10000x128xf32, #tpu.memory_space<hbm>>
    %dma_wait3A_138 = arith.constant 0 : i32
    %dma_wait3A_139 = arith.constant 0 : i32
    %dma_wait3A_140 = tpu.memref_slice %dma_wait3A_137[%dma_wait3A_138, %dma_wait3A_139] : memref<10000x128xf32, #tpu.memory_space<hbm>> -> memref<10000x128xf32, #tpu.memory_space<hbm>>
    tpu.wait_indirect_dma semaphore(%arg21 : memref<!tpu.dma_semaphore, #tpu.memory_space<semaphore_mem>>) src(%dma_wait3A_140 : memref<10000x128xf32, #tpu.memory_space<hbm>>) dst(%arg13 : memref<40x128xf32, #tpu.memory_space<vmem>>)
    "tpu.region"() ({
      %run_scoped3A = tpu.sem_alloc : memref<!tpu.dma_semaphore, #tpu.memory_space<semaphore_mem>>
      %dma_start3A_218 = arith.constant 9720 : i32
      %dma_start3A_219 = tpu.memref_slice %arg9[%dma_start3A_218] : memref<10000xi32, #tpu.memory_space<vmem>> -> memref<40xi32, #tpu.memory_space<vmem>>
      %dma_start3A_220 = arith.constant 0 : i32
      %dma_start3A_221 = arith.constant 0 : i32
      %dma_start3A_222 = tpu.memref_slice %arg7[%dma_start3A_220, %dma_start3A_221] : memref<10112x128xf32, #tpu.memory_space<vmem_shared>> -> memref<10112x128xf32, #tpu.memory_space<vmem_shared>>
      tpu.enqueue_indirect_dma source(%arg13 : memref<40x128xf32, #tpu.memory_space<vmem>>) target(%dma_start3A_222 : memref<10112x128xf32, #tpu.memory_space<vmem_shared>>) offsets(%dma_start3A_219 : memref<40xi32, #tpu.memory_space<vmem>>) semaphore(%run_scoped3A : memref<!tpu.dma_semaphore, #tpu.memory_space<semaphore_mem>>) {add = true}
      %dma_wait3A_223 = arith.constant 9720 : i32
      %dma_wait3A_224 = tpu.memref_slice %arg9[%dma_wait3A_223] : memref<10000xi32, #tpu.memory_space<vmem>> -> memref<40xi32, #tpu.memory_space<vmem>>
      %dma_wait3A_225 = arith.constant 0 : i32
      %dma_wait3A_226 = arith.constant 0 : i32
      %dma_wait3A_227 = tpu.memref_slice %arg7[%dma_wait3A_225, %dma_wait3A_226] : memref<10112x128xf32, #tpu.memory_space<vmem_shared>> -> memref<10112x128xf32, #tpu.memory_space<vmem_shared>>
      tpu.wait_indirect_dma semaphore(%run_scoped3A : memref<!tpu.dma_semaphore, #tpu.memory_space<semaphore_mem>>) src(%arg13 : memref<40x128xf32, #tpu.memory_space<vmem>>) dst(%dma_wait3A_227 : memref<10112x128xf32, #tpu.memory_space<vmem_shared>>)
      tpu.yield
    }) : () -> ()
    %dma_start3A_141 = arith.constant 9920 : i32
    %dma_start3A_142 = tpu.memref_slice %arg8[%dma_start3A_141] : memref<10000xi32, #tpu.memory_space<vmem>> -> memref<40xi32, #tpu.memory_space<vmem>>
    %dma_start3A_143 = arith.constant 0 : i32
    %dma_start3A_144 = arith.constant 0 : i32
    %dma_start3A_145 = tpu.memref_slice %arg2[%arg0, %dma_start3A_143, %dma_start3A_144] : memref<2x10000x128xf32, #tpu.memory_space<hbm>> -> memref<1x10000x128xf32, #tpu.memory_space<hbm>>
    %dma_start3A_146 = tpu.memref_squeeze %dma_start3A_145 : memref<1x10000x128xf32, #tpu.memory_space<hbm>> -> memref<10000x128xf32, #tpu.memory_space<hbm>>
    %dma_start3A_147 = arith.constant 0 : i32
    %dma_start3A_148 = arith.constant 0 : i32
    %dma_start3A_149 = tpu.memref_slice %dma_start3A_146[%dma_start3A_147, %dma_start3A_148] : memref<10000x128xf32, #tpu.memory_space<hbm>> -> memref<10000x128xf32, #tpu.memory_space<hbm>>
    tpu.enqueue_indirect_dma source(%dma_start3A_149 : memref<10000x128xf32, #tpu.memory_space<hbm>>) target(%arg13 : memref<40x128xf32, #tpu.memory_space<vmem>>) offsets(%dma_start3A_142 : memref<40xi32, #tpu.memory_space<vmem>>) semaphore(%arg21 : memref<!tpu.dma_semaphore, #tpu.memory_space<semaphore_mem>>)
    %dma_wait3A_150 = arith.constant 0 : i32
    %dma_wait3A_151 = tpu.memref_slice %arg8[%dma_wait3A_150] : memref<10000xi32, #tpu.memory_space<vmem>> -> memref<40xi32, #tpu.memory_space<vmem>>
    %dma_wait3A_152 = arith.constant 0 : i32
    %dma_wait3A_153 = arith.constant 0 : i32
    %dma_wait3A_154 = tpu.memref_slice %arg2[%arg0, %dma_wait3A_152, %dma_wait3A_153] : memref<2x10000x128xf32, #tpu.memory_space<hbm>> -> memref<1x10000x128xf32, #tpu.memory_space<hbm>>
    %dma_wait3A_155 = tpu.memref_squeeze %dma_wait3A_154 : memref<1x10000x128xf32, #tpu.memory_space<hbm>> -> memref<10000x128xf32, #tpu.memory_space<hbm>>
    %dma_wait3A_156 = arith.constant 0 : i32
    %dma_wait3A_157 = arith.constant 0 : i32
    %dma_wait3A_158 = tpu.memref_slice %dma_wait3A_155[%dma_wait3A_156, %dma_wait3A_157] : memref<10000x128xf32, #tpu.memory_space<hbm>> -> memref<10000x128xf32, #tpu.memory_space<hbm>>
    tpu.wait_indirect_dma semaphore(%arg22 : memref<!tpu.dma_semaphore, #tpu.memory_space<semaphore_mem>>) src(%dma_wait3A_158 : memref<10000x128xf32, #tpu.memory_space<hbm>>) dst(%arg14 : memref<40x128xf32, #tpu.memory_space<vmem>>)
    "tpu.region"() ({
      %run_scoped3A = tpu.sem_alloc : memref<!tpu.dma_semaphore, #tpu.memory_space<semaphore_mem>>
      %dma_start3A_218 = arith.constant 9760 : i32
      %dma_start3A_219 = tpu.memref_slice %arg9[%dma_start3A_218] : memref<10000xi32, #tpu.memory_space<vmem>> -> memref<40xi32, #tpu.memory_space<vmem>>
      %dma_start3A_220 = arith.constant 0 : i32
      %dma_start3A_221 = arith.constant 0 : i32
      %dma_start3A_222 = tpu.memref_slice %arg7[%dma_start3A_220, %dma_start3A_221] : memref<10112x128xf32, #tpu.memory_space<vmem_shared>> -> memref<10112x128xf32, #tpu.memory_space<vmem_shared>>
      tpu.enqueue_indirect_dma source(%arg14 : memref<40x128xf32, #tpu.memory_space<vmem>>) target(%dma_start3A_222 : memref<10112x128xf32, #tpu.memory_space<vmem_shared>>) offsets(%dma_start3A_219 : memref<40xi32, #tpu.memory_space<vmem>>) semaphore(%run_scoped3A : memref<!tpu.dma_semaphore, #tpu.memory_space<semaphore_mem>>) {add = true}
      %dma_wait3A_223 = arith.constant 9760 : i32
      %dma_wait3A_224 = tpu.memref_slice %arg9[%dma_wait3A_223] : memref<10000xi32, #tpu.memory_space<vmem>> -> memref<40xi32, #tpu.memory_space<vmem>>
      %dma_wait3A_225 = arith.constant 0 : i32
      %dma_wait3A_226 = arith.constant 0 : i32
      %dma_wait3A_227 = tpu.memref_slice %arg7[%dma_wait3A_225, %dma_wait3A_226] : memref<10112x128xf32, #tpu.memory_space<vmem_shared>> -> memref<10112x128xf32, #tpu.memory_space<vmem_shared>>
      tpu.wait_indirect_dma semaphore(%run_scoped3A : memref<!tpu.dma_semaphore, #tpu.memory_space<semaphore_mem>>) src(%arg14 : memref<40x128xf32, #tpu.memory_space<vmem>>) dst(%dma_wait3A_227 : memref<10112x128xf32, #tpu.memory_space<vmem_shared>>)
      tpu.yield
    }) : () -> ()
    %dma_start3A_159 = arith.constant 9960 : i32
    %dma_start3A_160 = tpu.memref_slice %arg8[%dma_start3A_159] : memref<10000xi32, #tpu.memory_space<vmem>> -> memref<40xi32, #tpu.memory_space<vmem>>
    %dma_start3A_161 = arith.constant 0 : i32
    %dma_start3A_162 = arith.constant 0 : i32
    %dma_start3A_163 = tpu.memref_slice %arg2[%arg0, %dma_start3A_161, %dma_start3A_162] : memref<2x10000x128xf32, #tpu.memory_space<hbm>> -> memref<1x10000x128xf32, #tpu.memory_space<hbm>>
    %dma_start3A_164 = tpu.memref_squeeze %dma_start3A_163 : memref<1x10000x128xf32, #tpu.memory_space<hbm>> -> memref<10000x128xf32, #tpu.memory_space<hbm>>
    %dma_start3A_165 = arith.constant 0 : i32
    %dma_start3A_166 = arith.constant 0 : i32
    %dma_start3A_167 = tpu.memref_slice %dma_start3A_164[%dma_start3A_165, %dma_start3A_166] : memref<10000x128xf32, #tpu.memory_space<hbm>> -> memref<10000x128xf32, #tpu.memory_space<hbm>>
    tpu.enqueue_indirect_dma source(%dma_start3A_167 : memref<10000x128xf32, #tpu.memory_space<hbm>>) target(%arg14 : memref<40x128xf32, #tpu.memory_space<vmem>>) offsets(%dma_start3A_160 : memref<40xi32, #tpu.memory_space<vmem>>) semaphore(%arg22 : memref<!tpu.dma_semaphore, #tpu.memory_space<semaphore_mem>>)
    %dma_wait3A_168 = arith.constant 0 : i32
    %dma_wait3A_169 = tpu.memref_slice %arg8[%dma_wait3A_168] : memref<10000xi32, #tpu.memory_space<vmem>> -> memref<40xi32, #tpu.memory_space<vmem>>
    %dma_wait3A_170 = arith.constant 0 : i32
    %dma_wait3A_171 = arith.constant 0 : i32
    %dma_wait3A_172 = tpu.memref_slice %arg2[%arg0, %dma_wait3A_170, %dma_wait3A_171] : memref<2x10000x128xf32, #tpu.memory_space<hbm>> -> memref<1x10000x128xf32, #tpu.memory_space<hbm>>
    %dma_wait3A_173 = tpu.memref_squeeze %dma_wait3A_172 : memref<1x10000x128xf32, #tpu.memory_space<hbm>> -> memref<10000x128xf32, #tpu.memory_space<hbm>>
    %dma_wait3A_174 = arith.constant 0 : i32
    %dma_wait3A_175 = arith.constant 0 : i32
    %dma_wait3A_176 = tpu.memref_slice %dma_wait3A_173[%dma_wait3A_174, %dma_wait3A_175] : memref<10000x128xf32, #tpu.memory_space<hbm>> -> memref<10000x128xf32, #tpu.memory_space<hbm>>
    tpu.wait_indirect_dma semaphore(%arg18 : memref<!tpu.dma_semaphore, #tpu.memory_space<semaphore_mem>>) src(%dma_wait3A_176 : memref<10000x128xf32, #tpu.memory_space<hbm>>) dst(%arg10 : memref<40x128xf32, #tpu.memory_space<vmem>>)
    "tpu.region"() ({
      %run_scoped3A = tpu.sem_alloc : memref<!tpu.dma_semaphore, #tpu.memory_space<semaphore_mem>>
      %dma_start3A_218 = arith.constant 9800 : i32
      %dma_start3A_219 = tpu.memref_slice %arg9[%dma_start3A_218] : memref<10000xi32, #tpu.memory_space<vmem>> -> memref<40xi32, #tpu.memory_space<vmem>>
      %dma_start3A_220 = arith.constant 0 : i32
      %dma_start3A_221 = arith.constant 0 : i32
      %dma_start3A_222 = tpu.memref_slice %arg7[%dma_start3A_220, %dma_start3A_221] : memref<10112x128xf32, #tpu.memory_space<vmem_shared>> -> memref<10112x128xf32, #tpu.memory_space<vmem_shared>>
      tpu.enqueue_indirect_dma source(%arg10 : memref<40x128xf32, #tpu.memory_space<vmem>>) target(%dma_start3A_222 : memref<10112x128xf32, #tpu.memory_space<vmem_shared>>) offsets(%dma_start3A_219 : memref<40xi32, #tpu.memory_space<vmem>>) semaphore(%run_scoped3A : memref<!tpu.dma_semaphore, #tpu.memory_space<semaphore_mem>>) {add = true}
      %dma_wait3A_223 = arith.constant 9800 : i32
      %dma_wait3A_224 = tpu.memref_slice %arg9[%dma_wait3A_223] : memref<10000xi32, #tpu.memory_space<vmem>> -> memref<40xi32, #tpu.memory_space<vmem>>
      %dma_wait3A_225 = arith.constant 0 : i32
      %dma_wait3A_226 = arith.constant 0 : i32
      %dma_wait3A_227 = tpu.memref_slice %arg7[%dma_wait3A_225, %dma_wait3A_226] : memref<10112x128xf32, #tpu.memory_space<vmem_shared>> -> memref<10112x128xf32, #tpu.memory_space<vmem_shared>>
      tpu.wait_indirect_dma semaphore(%run_scoped3A : memref<!tpu.dma_semaphore, #tpu.memory_space<semaphore_mem>>) src(%arg10 : memref<40x128xf32, #tpu.memory_space<vmem>>) dst(%dma_wait3A_227 : memref<10112x128xf32, #tpu.memory_space<vmem_shared>>)
      tpu.yield
    }) : () -> ()
    %dma_wait3A_177 = arith.constant 0 : i32
    %dma_wait3A_178 = tpu.memref_slice %arg8[%dma_wait3A_177] : memref<10000xi32, #tpu.memory_space<vmem>> -> memref<40xi32, #tpu.memory_space<vmem>>
    %dma_wait3A_179 = arith.constant 0 : i32
    %dma_wait3A_180 = arith.constant 0 : i32
    %dma_wait3A_181 = tpu.memref_slice %arg2[%arg0, %dma_wait3A_179, %dma_wait3A_180] : memref<2x10000x128xf32, #tpu.memory_space<hbm>> -> memref<1x10000x128xf32, #tpu.memory_space<hbm>>
    %dma_wait3A_182 = tpu.memref_squeeze %dma_wait3A_181 : memref<1x10000x128xf32, #tpu.memory_space<hbm>> -> memref<10000x128xf32, #tpu.memory_space<hbm>>
    %dma_wait3A_183 = arith.constant 0 : i32
    %dma_wait3A_184 = arith.constant 0 : i32
    %dma_wait3A_185 = tpu.memref_slice %dma_wait3A_182[%dma_wait3A_183, %dma_wait3A_184] : memref<10000x128xf32, #tpu.memory_space<hbm>> -> memref<10000x128xf32, #tpu.memory_space<hbm>>
    tpu.wait_indirect_dma semaphore(%arg19 : memref<!tpu.dma_semaphore, #tpu.memory_space<semaphore_mem>>) src(%dma_wait3A_185 : memref<10000x128xf32, #tpu.memory_space<hbm>>) dst(%arg11 : memref<40x128xf32, #tpu.memory_space<vmem>>)
    "tpu.region"() ({
      %run_scoped3A = tpu.sem_alloc : memref<!tpu.dma_semaphore, #tpu.memory_space<semaphore_mem>>
      %dma_start3A_218 = arith.constant 9840 : i32
      %dma_start3A_219 = tpu.memref_slice %arg9[%dma_start3A_218] : memref<10000xi32, #tpu.memory_space<vmem>> -> memref<40xi32, #tpu.memory_space<vmem>>
      %dma_start3A_220 = arith.constant 0 : i32
      %dma_start3A_221 = arith.constant 0 : i32
      %dma_start3A_222 = tpu.memref_slice %arg7[%dma_start3A_220, %dma_start3A_221] : memref<10112x128xf32, #tpu.memory_space<vmem_shared>> -> memref<10112x128xf32, #tpu.memory_space<vmem_shared>>
      tpu.enqueue_indirect_dma source(%arg11 : memref<40x128xf32, #tpu.memory_space<vmem>>) target(%dma_start3A_222 : memref<10112x128xf32, #tpu.memory_space<vmem_shared>>) offsets(%dma_start3A_219 : memref<40xi32, #tpu.memory_space<vmem>>) semaphore(%run_scoped3A : memref<!tpu.dma_semaphore, #tpu.memory_space<semaphore_mem>>) {add = true}
      %dma_wait3A_223 = arith.constant 9840 : i32
      %dma_wait3A_224 = tpu.memref_slice %arg9[%dma_wait3A_223] : memref<10000xi32, #tpu.memory_space<vmem>> -> memref<40xi32, #tpu.memory_space<vmem>>
      %dma_wait3A_225 = arith.constant 0 : i32
      %dma_wait3A_226 = arith.constant 0 : i32
      %dma_wait3A_227 = tpu.memref_slice %arg7[%dma_wait3A_225, %dma_wait3A_226] : memref<10112x128xf32, #tpu.memory_space<vmem_shared>> -> memref<10112x128xf32, #tpu.memory_space<vmem_shared>>
      tpu.wait_indirect_dma semaphore(%run_scoped3A : memref<!tpu.dma_semaphore, #tpu.memory_space<semaphore_mem>>) src(%arg11 : memref<40x128xf32, #tpu.memory_space<vmem>>) dst(%dma_wait3A_227 : memref<10112x128xf32, #tpu.memory_space<vmem_shared>>)
      tpu.yield
    }) : () -> ()
    %dma_wait3A_186 = arith.constant 0 : i32
    %dma_wait3A_187 = tpu.memref_slice %arg8[%dma_wait3A_186] : memref<10000xi32, #tpu.memory_space<vmem>> -> memref<40xi32, #tpu.memory_space<vmem>>
    %dma_wait3A_188 = arith.constant 0 : i32
    %dma_wait3A_189 = arith.constant 0 : i32
    %dma_wait3A_190 = tpu.memref_slice %arg2[%arg0, %dma_wait3A_188, %dma_wait3A_189] : memref<2x10000x128xf32, #tpu.memory_space<hbm>> -> memref<1x10000x128xf32, #tpu.memory_space<hbm>>
    %dma_wait3A_191 = tpu.memref_squeeze %dma_wait3A_190 : memref<1x10000x128xf32, #tpu.memory_space<hbm>> -> memref<10000x128xf32, #tpu.memory_space<hbm>>
    %dma_wait3A_192 = arith.constant 0 : i32
    %dma_wait3A_193 = arith.constant 0 : i32
    %dma_wait3A_194 = tpu.memref_slice %dma_wait3A_191[%dma_wait3A_192, %dma_wait3A_193] : memref<10000x128xf32, #tpu.memory_space<hbm>> -> memref<10000x128xf32, #tpu.memory_space<hbm>>
    tpu.wait_indirect_dma semaphore(%arg20 : memref<!tpu.dma_semaphore, #tpu.memory_space<semaphore_mem>>) src(%dma_wait3A_194 : memref<10000x128xf32, #tpu.memory_space<hbm>>) dst(%arg12 : memref<40x128xf32, #tpu.memory_space<vmem>>)
    "tpu.region"() ({
      %run_scoped3A = tpu.sem_alloc : memref<!tpu.dma_semaphore, #tpu.memory_space<semaphore_mem>>
      %dma_start3A_218 = arith.constant 9880 : i32
      %dma_start3A_219 = tpu.memref_slice %arg9[%dma_start3A_218] : memref<10000xi32, #tpu.memory_space<vmem>> -> memref<40xi32, #tpu.memory_space<vmem>>
      %dma_start3A_220 = arith.constant 0 : i32
      %dma_start3A_221 = arith.constant 0 : i32
      %dma_start3A_222 = tpu.memref_slice %arg7[%dma_start3A_220, %dma_start3A_221] : memref<10112x128xf32, #tpu.memory_space<vmem_shared>> -> memref<10112x128xf32, #tpu.memory_space<vmem_shared>>
      tpu.enqueue_indirect_dma source(%arg12 : memref<40x128xf32, #tpu.memory_space<vmem>>) target(%dma_start3A_222 : memref<10112x128xf32, #tpu.memory_space<vmem_shared>>) offsets(%dma_start3A_219 : memref<40xi32, #tpu.memory_space<vmem>>) semaphore(%run_scoped3A : memref<!tpu.dma_semaphore, #tpu.memory_space<semaphore_mem>>) {add = true}
      %dma_wait3A_223 = arith.constant 9880 : i32
      %dma_wait3A_224 = tpu.memref_slice %arg9[%dma_wait3A_223] : memref<10000xi32, #tpu.memory_space<vmem>> -> memref<40xi32, #tpu.memory_space<vmem>>
      %dma_wait3A_225 = arith.constant 0 : i32
      %dma_wait3A_226 = arith.constant 0 : i32
      %dma_wait3A_227 = tpu.memref_slice %arg7[%dma_wait3A_225, %dma_wait3A_226] : memref<10112x128xf32, #tpu.memory_space<vmem_shared>> -> memref<10112x128xf32, #tpu.memory_space<vmem_shared>>
      tpu.wait_indirect_dma semaphore(%run_scoped3A : memref<!tpu.dma_semaphore, #tpu.memory_space<semaphore_mem>>) src(%arg12 : memref<40x128xf32, #tpu.memory_space<vmem>>) dst(%dma_wait3A_227 : memref<10112x128xf32, #tpu.memory_space<vmem_shared>>)
      tpu.yield
    }) : () -> ()
    %dma_wait3A_195 = arith.constant 0 : i32
    %dma_wait3A_196 = tpu.memref_slice %arg8[%dma_wait3A_195] : memref<10000xi32, #tpu.memory_space<vmem>> -> memref<40xi32, #tpu.memory_space<vmem>>
    %dma_wait3A_197 = arith.constant 0 : i32
    %dma_wait3A_198 = arith.constant 0 : i32
    %dma_wait3A_199 = tpu.memref_slice %arg2[%arg0, %dma_wait3A_197, %dma_wait3A_198] : memref<2x10000x128xf32, #tpu.memory_space<hbm>> -> memref<1x10000x128xf32, #tpu.memory_space<hbm>>
    %dma_wait3A_200 = tpu.memref_squeeze %dma_wait3A_199 : memref<1x10000x128xf32, #tpu.memory_space<hbm>> -> memref<10000x128xf32, #tpu.memory_space<hbm>>
    %dma_wait3A_201 = arith.constant 0 : i32
    %dma_wait3A_202 = arith.constant 0 : i32
    %dma_wait3A_203 = tpu.memref_slice %dma_wait3A_200[%dma_wait3A_201, %dma_wait3A_202] : memref<10000x128xf32, #tpu.memory_space<hbm>> -> memref<10000x128xf32, #tpu.memory_space<hbm>>
    tpu.wait_indirect_dma semaphore(%arg21 : memref<!tpu.dma_semaphore, #tpu.memory_space<semaphore_mem>>) src(%dma_wait3A_203 : memref<10000x128xf32, #tpu.memory_space<hbm>>) dst(%arg13 : memref<40x128xf32, #tpu.memory_space<vmem>>)
    "tpu.region"() ({
      %run_scoped3A = tpu.sem_alloc : memref<!tpu.dma_semaphore, #tpu.memory_space<semaphore_mem>>
      %dma_start3A_218 = arith.constant 9920 : i32
      %dma_start3A_219 = tpu.memref_slice %arg9[%dma_start3A_218] : memref<10000xi32, #tpu.memory_space<vmem>> -> memref<40xi32, #tpu.memory_space<vmem>>
      %dma_start3A_220 = arith.constant 0 : i32
      %dma_start3A_221 = arith.constant 0 : i32
      %dma_start3A_222 = tpu.memref_slice %arg7[%dma_start3A_220, %dma_start3A_221] : memref<10112x128xf32, #tpu.memory_space<vmem_shared>> -> memref<10112x128xf32, #tpu.memory_space<vmem_shared>>
      tpu.enqueue_indirect_dma source(%arg13 : memref<40x128xf32, #tpu.memory_space<vmem>>) target(%dma_start3A_222 : memref<10112x128xf32, #tpu.memory_space<vmem_shared>>) offsets(%dma_start3A_219 : memref<40xi32, #tpu.memory_space<vmem>>) semaphore(%run_scoped3A : memref<!tpu.dma_semaphore, #tpu.memory_space<semaphore_mem>>) {add = true}
      %dma_wait3A_223 = arith.constant 9920 : i32
      %dma_wait3A_224 = tpu.memref_slice %arg9[%dma_wait3A_223] : memref<10000xi32, #tpu.memory_space<vmem>> -> memref<40xi32, #tpu.memory_space<vmem>>
      %dma_wait3A_225 = arith.constant 0 : i32
      %dma_wait3A_226 = arith.constant 0 : i32
      %dma_wait3A_227 = tpu.memref_slice %arg7[%dma_wait3A_225, %dma_wait3A_226] : memref<10112x128xf32, #tpu.memory_space<vmem_shared>> -> memref<10112x128xf32, #tpu.memory_space<vmem_shared>>
      tpu.wait_indirect_dma semaphore(%run_scoped3A : memref<!tpu.dma_semaphore, #tpu.memory_space<semaphore_mem>>) src(%arg13 : memref<40x128xf32, #tpu.memory_space<vmem>>) dst(%dma_wait3A_227 : memref<10112x128xf32, #tpu.memory_space<vmem_shared>>)
      tpu.yield
    }) : () -> ()
    %dma_wait3A_204 = arith.constant 0 : i32
    %dma_wait3A_205 = tpu.memref_slice %arg8[%dma_wait3A_204] : memref<10000xi32, #tpu.memory_space<vmem>> -> memref<40xi32, #tpu.memory_space<vmem>>
    %dma_wait3A_206 = arith.constant 0 : i32
    %dma_wait3A_207 = arith.constant 0 : i32
    %dma_wait3A_208 = tpu.memref_slice %arg2[%arg0, %dma_wait3A_206, %dma_wait3A_207] : memref<2x10000x128xf32, #tpu.memory_space<hbm>> -> memref<1x10000x128xf32, #tpu.memory_space<hbm>>
    %dma_wait3A_209 = tpu.memref_squeeze %dma_wait3A_208 : memref<1x10000x128xf32, #tpu.memory_space<hbm>> -> memref<10000x128xf32, #tpu.memory_space<hbm>>
    %dma_wait3A_210 = arith.constant 0 : i32
    %dma_wait3A_211 = arith.constant 0 : i32
    %dma_wait3A_212 = tpu.memref_slice %dma_wait3A_209[%dma_wait3A_210, %dma_wait3A_211] : memref<10000x128xf32, #tpu.memory_space<hbm>> -> memref<10000x128xf32, #tpu.memory_space<hbm>>
    tpu.wait_indirect_dma semaphore(%arg22 : memref<!tpu.dma_semaphore, #tpu.memory_space<semaphore_mem>>) src(%dma_wait3A_212 : memref<10000x128xf32, #tpu.memory_space<hbm>>) dst(%arg14 : memref<40x128xf32, #tpu.memory_space<vmem>>)
    "tpu.region"() ({
      %run_scoped3A = tpu.sem_alloc : memref<!tpu.dma_semaphore, #tpu.memory_space<semaphore_mem>>
      %dma_start3A_218 = arith.constant 9960 : i32
      %dma_start3A_219 = tpu.memref_slice %arg9[%dma_start3A_218] : memref<10000xi32, #tpu.memory_space<vmem>> -> memref<40xi32, #tpu.memory_space<vmem>>
      %dma_start3A_220 = arith.constant 0 : i32
      %dma_start3A_221 = arith.constant 0 : i32
      %dma_start3A_222 = tpu.memref_slice %arg7[%dma_start3A_220, %dma_start3A_221] : memref<10112x128xf32, #tpu.memory_space<vmem_shared>> -> memref<10112x128xf32, #tpu.memory_space<vmem_shared>>
      tpu.enqueue_indirect_dma source(%arg14 : memref<40x128xf32, #tpu.memory_space<vmem>>) target(%dma_start3A_222 : memref<10112x128xf32, #tpu.memory_space<vmem_shared>>) offsets(%dma_start3A_219 : memref<40xi32, #tpu.memory_space<vmem>>) semaphore(%run_scoped3A : memref<!tpu.dma_semaphore, #tpu.memory_space<semaphore_mem>>) {add = true}
      %dma_wait3A_223 = arith.constant 9960 : i32
      %dma_wait3A_224 = tpu.memref_slice %arg9[%dma_wait3A_223] : memref<10000xi32, #tpu.memory_space<vmem>> -> memref<40xi32, #tpu.memory_space<vmem>>
      %dma_wait3A_225 = arith.constant 0 : i32
      %dma_wait3A_226 = arith.constant 0 : i32
      %dma_wait3A_227 = tpu.memref_slice %arg7[%dma_wait3A_225, %dma_wait3A_226] : memref<10112x128xf32, #tpu.memory_space<vmem_shared>> -> memref<10112x128xf32, #tpu.memory_space<vmem_shared>>
      tpu.wait_indirect_dma semaphore(%run_scoped3A : memref<!tpu.dma_semaphore, #tpu.memory_space<semaphore_mem>>) src(%arg14 : memref<40x128xf32, #tpu.memory_space<vmem>>) dst(%dma_wait3A_227 : memref<10112x128xf32, #tpu.memory_space<vmem_shared>>)
      tpu.yield
    }) : () -> ()
    %barrier3A_213 = arith.constant 0 : index
    tpu.barrier barrier_id(%barrier3A_213)
    %mul3A_214 = arith.constant 632 : i32
    %mul3A_215 = arith.muli %arg1, %mul3A_214 : i32
    %mul3A_216 = arith.constant 632 : i32
    %mul3A_217 = arith.muli %arg1, %mul3A_216 : i32
    "tpu.region"() ({
      %run_scoped3A = tpu.sem_alloc : memref<!tpu.dma_semaphore, #tpu.memory_space<semaphore_mem>>
      %dma_start3A_218 = arith.constant 0 : i32
      %dma_start3A_219 = tpu.memref_slice %arg6[%arg0, %mul3A_217, %dma_start3A_218] : memref<2x10112x128xf32, #tpu.memory_space<hbm>> -> memref<1x632x128xf32, #tpu.memory_space<hbm>>
      %dma_start3A_220 = tpu.memref_squeeze %dma_start3A_219 : memref<1x632x128xf32, #tpu.memory_space<hbm>> -> memref<632x128xf32, #tpu.memory_space<hbm>>
      %dma_start3A_221 = arith.constant 0 : i32
      %dma_start3A_222 = tpu.memref_slice %arg7[%mul3A_215, %dma_start3A_221] : memref<10112x128xf32, #tpu.memory_space<vmem_shared>> -> memref<632x128xf32, #tpu.memory_space<vmem_shared>>
      tpu.enqueue_dma source(%dma_start3A_222 : memref<632x128xf32, #tpu.memory_space<vmem_shared>>) target(%dma_start3A_220 : memref<632x128xf32, #tpu.memory_space<hbm>>) target_semaphore(%run_scoped3A : memref<!tpu.dma_semaphore, #tpu.memory_space<semaphore_mem>>)
      %dma_wait3A_223 = arith.constant 0 : i32
      %dma_wait3A_224 = tpu.memref_slice %arg6[%arg0, %mul3A_217, %dma_wait3A_223] : memref<2x10112x128xf32, #tpu.memory_space<hbm>> -> memref<1x632x128xf32, #tpu.memory_space<hbm>>
      %dma_wait3A_225 = tpu.memref_squeeze %dma_wait3A_224 : memref<1x632x128xf32, #tpu.memory_space<hbm>> -> memref<632x128xf32, #tpu.memory_space<hbm>>
      %dma_wait3A_226 = arith.constant 0 : i32
      %dma_wait3A_227 = tpu.memref_slice %arg7[%mul3A_215, %dma_wait3A_226] : memref<10112x128xf32, #tpu.memory_space<vmem_shared>> -> memref<632x128xf32, #tpu.memory_space<vmem_shared>>
      tpu.wait_dma2 semaphore(%run_scoped3A : memref<!tpu.dma_semaphore, #tpu.memory_space<semaphore_mem>>) src(%dma_wait3A_227 : memref<632x128xf32, #tpu.memory_space<vmem_shared>>) dst(%dma_wait3A_225 : memref<632x128xf32, #tpu.memory_space<hbm>>)
      tpu.yield
    }) : () -> ()
    return
  }
}

module attributes {stable_mosaic.version = 14 : i64} {
  func.func @_prep_body(%arg0: i32, %arg1: memref<1000x256xf32, #tpu.memory_space<vmem>>, %arg2: memref<1x1000x128xf32, #tpu.memory_space<vmem>>, %arg3: memref<1x1000x128xf32, #tpu.memory_space<vmem>>, %arg4: memref<2x1000x128xf32, #tpu.memory_space<vmem>>, %arg5: memref<1000x1xf32, #tpu.memory_space<vmem>>) attributes {dimension_semantics = [#tpu.dimension_semantics<arbitrary>], iteration_bounds = array<i64: 10>, scalar_prefetch = 0 : i64, scratch_operands = 0 : i64, tpu.core_type = #tpu.core_type<tc>, window_params = [{transform_indices = @transform_0, window_bounds = array<i64: 1000, 256>}, {transform_indices = @transform_1, window_bounds = array<i64: 1, 1000, 128>}, {transform_indices = @transform_2, window_bounds = array<i64: 1, 1000, 128>}, {transform_indices = @transform_3, window_bounds = array<i64: 2, 1000, 128>}, {transform_indices = @transform_4, window_bounds = array<i64: 1000, 1>}]} {
    %get3A = arith.constant 0 : index
    %get3A_0 = arith.constant 0 : index
    %get3A_1 = arith.constant 0 : index
    %get3A_2 = vector.load %arg2[%get3A, %get3A_0, %get3A_1] : memref<1x1000x128xf32, #tpu.memory_space<vmem>>, vector<1x1000x1xf32>
    %get3A_3 = vector.shape_cast %get3A_2 : vector<1x1000x1xf32> to vector<1000x1xf32>
    %get3A_4 = arith.constant 0 : index
    %get3A_5 = arith.constant 0 : index
    %get3A_6 = arith.constant 0 : index
    %get3A_7 = vector.load %arg3[%get3A_4, %get3A_5, %get3A_6] : memref<1x1000x128xf32, #tpu.memory_space<vmem>>, vector<1x1000x1xf32>
    %get3A_8 = vector.shape_cast %get3A_7 : vector<1x1000x1xf32> to vector<1000x1xf32>
    %add3A = arith.addf %get3A_3, %get3A_8 : vector<1000x1xf32>
    %add3A_9 = arith.constant 1.000000e+00 : f32
    %add3A_10 = vector.broadcast %add3A_9 : f32 to vector<1000x1xf32>
    %add3A_11 = arith.addf %add3A, %add3A_10 : vector<1000x1xf32>
    %rsqrt3A = math.rsqrt %add3A_11 : vector<1000x1xf32>
    %get3A_12 = arith.constant 0 : index
    %get3A_13 = arith.constant 0 : index
    %get3A_14 = vector.load %arg1[%get3A_12, %get3A_13] : memref<1000x256xf32, #tpu.memory_space<vmem>>, vector<1000x256xf32>
    %mul3A = vector.broadcast %rsqrt3A : vector<1000x1xf32> to vector<1000x256xf32>
    %mul3A_15 = arith.mulf %mul3A, %get3A_14 : vector<1000x256xf32>
    %slice3A = vector.extract_strided_slice %mul3A_15 {offsets = [0, 0], sizes = [1000, 128], strides = [1, 1]} : vector<1000x256xf32> to vector<1000x128xf32>
    %swap3A = arith.constant 0 : index
    %swap3A_16 = arith.constant 0 : index
    %swap3A_17 = arith.constant 0 : index
    %swap3A_18 = vector.load %arg4[%swap3A, %swap3A_16, %swap3A_17] : memref<2x1000x128xf32, #tpu.memory_space<vmem>>, vector<1x1000x128xf32>
    %swap3A_19 = vector.shape_cast %swap3A_18 : vector<1x1000x128xf32> to vector<1000x128xf32>
    %swap3A_20 = vector.shape_cast %slice3A : vector<1000x128xf32> to vector<1x1000x128xf32>
    tpu.vector_store %arg4[%swap3A, %swap3A_16, %swap3A_17], %swap3A_20 {strides = array<i32>} : memref<2x1000x128xf32, #tpu.memory_space<vmem>>, vector<1x1000x128xf32>,
    %slice3A_21 = vector.extract_strided_slice %mul3A_15 {offsets = [0, 128], sizes = [1000, 128], strides = [1, 1]} : vector<1000x256xf32> to vector<1000x128xf32>
    %swap3A_22 = arith.constant 1 : index
    %swap3A_23 = arith.constant 0 : index
    %swap3A_24 = arith.constant 0 : index
    %swap3A_25 = vector.load %arg4[%swap3A_22, %swap3A_23, %swap3A_24] : memref<2x1000x128xf32, #tpu.memory_space<vmem>>, vector<1x1000x128xf32>
    %swap3A_26 = vector.shape_cast %swap3A_25 : vector<1x1000x128xf32> to vector<1000x128xf32>
    %swap3A_27 = vector.shape_cast %slice3A_21 : vector<1000x128xf32> to vector<1x1000x128xf32>
    tpu.vector_store %arg4[%swap3A_22, %swap3A_23, %swap3A_24], %swap3A_27 {strides = array<i32>} : memref<2x1000x128xf32, #tpu.memory_space<vmem>>, vector<1x1000x128xf32>,
    %swap3A_28 = arith.constant 0 : index
    %swap3A_29 = arith.constant 0 : index
    %swap3A_30 = vector.load %arg5[%swap3A_28, %swap3A_29] : memref<1000x1xf32, #tpu.memory_space<vmem>>, vector<1000x1xf32>
    tpu.vector_store %arg5[%swap3A_28, %swap3A_29], %rsqrt3A {strides = array<i32>} : memref<1000x1xf32, #tpu.memory_space<vmem>>, vector<1000x1xf32>,
    return
  }
  func.func @transform_0(%arg0: i32) -> (i32, i32) {
    %c0_i32 = arith.constant 0 : i32
    %c0_i32_0 = arith.constant 0 : i32
    return %arg0, %c0_i32 : i32, i32
  }
  func.func @transform_1(%arg0: i32) -> (i32, i32, i32) {
    %c0_i32 = arith.constant 0 : i32
    %c0_i32_0 = arith.constant 0 : i32
    %c0_i32_1 = arith.constant 0 : i32
    return %c0_i32, %arg0, %c0_i32_0 : i32, i32, i32
  }
  func.func @transform_2(%arg0: i32) -> (i32, i32, i32) {
    %c1_i32 = arith.constant 1 : i32
    %c0_i32 = arith.constant 0 : i32
    %c0_i32_0 = arith.constant 0 : i32
    return %c1_i32, %arg0, %c0_i32 : i32, i32, i32
  }
  func.func @transform_3(%arg0: i32) -> (i32, i32, i32) {
    %c0_i32 = arith.constant 0 : i32
    %c0_i32_0 = arith.constant 0 : i32
    %c0_i32_1 = arith.constant 0 : i32
    return %c0_i32, %arg0, %c0_i32_0 : i32, i32, i32
  }
  func.func @transform_4(%arg0: i32) -> (i32, i32) {
    %c0_i32 = arith.constant 0 : i32
    %c0_i32_0 = arith.constant 0 : i32
    return %arg0, %c0_i32 : i32, i32
  }
}

module attributes {stable_mosaic.version = 14 : i64} {
  func.func @_mid_body(%arg0: i32, %arg1: memref<2x1000x128xf32, #tpu.memory_space<vmem>>, %arg2: memref<2x1000x128xf32, #tpu.memory_space<vmem>>, %arg3: memref<1000x1xf32, #tpu.memory_space<vmem>>, %arg4: memref<256x512xf32, #tpu.memory_space<vmem>>, %arg5: memref<1x512xf32, #tpu.memory_space<vmem>>, %arg6: memref<512x256xf32, #tpu.memory_space<vmem>>, %arg7: memref<2x1000x128xf32, #tpu.memory_space<vmem>>) attributes {dimension_semantics = [#tpu.dimension_semantics<arbitrary>], iteration_bounds = array<i64: 10>, scalar_prefetch = 0 : i64, scratch_operands = 0 : i64, tpu.core_type = #tpu.core_type<tc>, window_params = [{transform_indices = @transform_0, window_bounds = array<i64: 2, 1000, 128>}, {transform_indices = @transform_1, window_bounds = array<i64: 2, 1000, 128>}, {transform_indices = @transform_2, window_bounds = array<i64: 1000, 1>}, {pipeline_mode = #tpu.pipeline_mode<synchronous>, transform_indices = @transform_3, window_bounds = array<i64: 256, 512>}, {pipeline_mode = #tpu.pipeline_mode<synchronous>, transform_indices = @transform_4, window_bounds = array<i64: 1, 512>}, {pipeline_mode = #tpu.pipeline_mode<synchronous>, transform_indices = @transform_5, window_bounds = array<i64: 512, 256>}, {transform_indices = @transform_6, window_bounds = array<i64: 2, 1000, 128>}]} {
    %get3A = arith.constant 0 : index
    %get3A_0 = arith.constant 0 : index
    %get3A_1 = arith.constant 0 : index
    %get3A_2 = vector.load %arg1[%get3A, %get3A_0, %get3A_1] : memref<2x1000x128xf32, #tpu.memory_space<vmem>>, vector<1x1000x128xf32>
    %get3A_3 = vector.shape_cast %get3A_2 : vector<1x1000x128xf32> to vector<1000x128xf32>
    %get3A_4 = arith.constant 1 : index
    %get3A_5 = arith.constant 0 : index
    %get3A_6 = arith.constant 0 : index
    %get3A_7 = vector.load %arg1[%get3A_4, %get3A_5, %get3A_6] : memref<2x1000x128xf32, #tpu.memory_space<vmem>>, vector<1x1000x128xf32>
    %get3A_8 = vector.shape_cast %get3A_7 : vector<1x1000x128xf32> to vector<1000x128xf32>
    %concatenate3A = tpu.concatenate %get3A_3, %get3A_8 in 1 : vector<1000x128xf32>, vector<1000x128xf32> -> vector<1000x256xf32>
    %get3A_9 = arith.constant 0 : index
    %get3A_10 = arith.constant 0 : index
    %get3A_11 = arith.constant 0 : index
    %get3A_12 = vector.load %arg2[%get3A_9, %get3A_10, %get3A_11] : memref<2x1000x128xf32, #tpu.memory_space<vmem>>, vector<1x1000x128xf32>
    %get3A_13 = vector.shape_cast %get3A_12 : vector<1x1000x128xf32> to vector<1000x128xf32>
    %get3A_14 = arith.constant 1 : index
    %get3A_15 = arith.constant 0 : index
    %get3A_16 = arith.constant 0 : index
    %get3A_17 = vector.load %arg2[%get3A_14, %get3A_15, %get3A_16] : memref<2x1000x128xf32, #tpu.memory_space<vmem>>, vector<1x1000x128xf32>
    %get3A_18 = vector.shape_cast %get3A_17 : vector<1x1000x128xf32> to vector<1000x128xf32>
    %concatenate3A_19 = tpu.concatenate %get3A_13, %get3A_18 in 1 : vector<1000x128xf32>, vector<1000x128xf32> -> vector<1000x256xf32>
    %get3A_20 = arith.constant 0 : index
    %get3A_21 = arith.constant 0 : index
    %get3A_22 = vector.load %arg3[%get3A_20, %get3A_21] : memref<1000x1xf32, #tpu.memory_space<vmem>>, vector<1000x1xf32>
    %add3A = arith.addf %concatenate3A, %concatenate3A_19 : vector<1000x256xf32>
    %mul3A = vector.broadcast %get3A_22 : vector<1000x1xf32> to vector<1000x256xf32>
    %mul3A_23 = arith.mulf %mul3A, %add3A : vector<1000x256xf32>
    %get3A_24 = arith.constant 0 : index
    %get3A_25 = arith.constant 0 : index
    %get3A_26 = vector.load %arg4[%get3A_24, %get3A_25] : memref<256x512xf32, #tpu.memory_space<vmem>>, vector<256x512xf32>
    %dot_general3A = arith.constant dense<0.000000e+00> : vector<1000x512xf32>
    %dot_general3A_27 = tpu.matmul %mul3A_23, %get3A_26, %dot_general3A {dimension_numbers = #tpu.dot_dimension_numbers<[1], [0], [0], [1], [0, 0, 1, 1], [], []>, transpose_lhs_hint = false} : vector<1000x256xf32>, vector<256x512xf32>, vector<1000x512xf32> -> vector<1000x512xf32>
    %get3A_28 = arith.constant 0 : index
    %get3A_29 = arith.constant 0 : index
    %get3A_30 = vector.load %arg5[%get3A_28, %get3A_29] : memref<1x512xf32, #tpu.memory_space<vmem>>, vector<1x512xf32>
    %add3A_31 = vector.broadcast %get3A_30 : vector<1x512xf32> to vector<1000x512xf32>
    %add3A_32 = arith.addf %dot_general3A_27, %add3A_31 : vector<1000x512xf32>
    %max3A = arith.constant 0.000000e+00 : f32
    %max3A_33 = vector.broadcast %max3A : f32 to vector<1000x512xf32>
    %max3A_34 = arith.maximumf %add3A_32, %max3A_33 : vector<1000x512xf32>
    %get3A_35 = arith.constant 0 : index
    %get3A_36 = arith.constant 0 : index
    %get3A_37 = vector.load %arg3[%get3A_35, %get3A_36] : memref<1000x1xf32, #tpu.memory_space<vmem>>, vector<1000x1xf32>
    %get3A_38 = arith.constant 0 : index
    %get3A_39 = arith.constant 0 : index
    %get3A_40 = vector.load %arg6[%get3A_38, %get3A_39] : memref<512x256xf32, #tpu.memory_space<vmem>>, vector<512x256xf32>
    %dot_general3A_41 = arith.constant dense<0.000000e+00> : vector<1000x256xf32>
    %dot_general3A_42 = tpu.matmul %max3A_34, %get3A_40, %dot_general3A_41 {dimension_numbers = #tpu.dot_dimension_numbers<[1], [0], [0], [1], [0, 0, 1, 1], [], []>, transpose_lhs_hint = false} : vector<1000x512xf32>, vector<512x256xf32>, vector<1000x256xf32> -> vector<1000x256xf32>
    %mul3A_43 = vector.broadcast %get3A_37 : vector<1000x1xf32> to vector<1000x256xf32>
    %mul3A_44 = arith.mulf %mul3A_43, %dot_general3A_42 : vector<1000x256xf32>
    %slice3A = vector.extract_strided_slice %mul3A_44 {offsets = [0, 0], sizes = [1000, 128], strides = [1, 1]} : vector<1000x256xf32> to vector<1000x128xf32>
    %swap3A = arith.constant 0 : index
    %swap3A_45 = arith.constant 0 : index
    %swap3A_46 = arith.constant 0 : index
    %swap3A_47 = vector.load %arg7[%swap3A, %swap3A_45, %swap3A_46] : memref<2x1000x128xf32, #tpu.memory_space<vmem>>, vector<1x1000x128xf32>
    %swap3A_48 = vector.shape_cast %swap3A_47 : vector<1x1000x128xf32> to vector<1000x128xf32>
    %swap3A_49 = vector.shape_cast %slice3A : vector<1000x128xf32> to vector<1x1000x128xf32>
    tpu.vector_store %arg7[%swap3A, %swap3A_45, %swap3A_46], %swap3A_49 {strides = array<i32>} : memref<2x1000x128xf32, #tpu.memory_space<vmem>>, vector<1x1000x128xf32>,
    %slice3A_50 = vector.extract_strided_slice %mul3A_44 {offsets = [0, 128], sizes = [1000, 128], strides = [1, 1]} : vector<1000x256xf32> to vector<1000x128xf32>
    %swap3A_51 = arith.constant 1 : index
    %swap3A_52 = arith.constant 0 : index
    %swap3A_53 = arith.constant 0 : index
    %swap3A_54 = vector.load %arg7[%swap3A_51, %swap3A_52, %swap3A_53] : memref<2x1000x128xf32, #tpu.memory_space<vmem>>, vector<1x1000x128xf32>
    %swap3A_55 = vector.shape_cast %swap3A_54 : vector<1x1000x128xf32> to vector<1000x128xf32>
    %swap3A_56 = vector.shape_cast %slice3A_50 : vector<1000x128xf32> to vector<1x1000x128xf32>
    tpu.vector_store %arg7[%swap3A_51, %swap3A_52, %swap3A_53], %swap3A_56 {strides = array<i32>} : memref<2x1000x128xf32, #tpu.memory_space<vmem>>, vector<1x1000x128xf32>,
    return
  }
  func.func @transform_0(%arg0: i32) -> (i32, i32, i32) {
    %c0_i32 = arith.constant 0 : i32
    %c0_i32_0 = arith.constant 0 : i32
    %c0_i32_1 = arith.constant 0 : i32
    return %c0_i32, %arg0, %c0_i32_0 : i32, i32, i32
  }
  func.func @transform_1(%arg0: i32) -> (i32, i32, i32) {
    %c0_i32 = arith.constant 0 : i32
    %c0_i32_0 = arith.constant 0 : i32
    %c0_i32_1 = arith.constant 0 : i32
    return %c0_i32, %arg0, %c0_i32_0 : i32, i32, i32
  }
  func.func @transform_2(%arg0: i32) -> (i32, i32) {
    %c0_i32 = arith.constant 0 : i32
    %c0_i32_0 = arith.constant 0 : i32
    return %arg0, %c0_i32 : i32, i32
  }
  func.func @transform_3(%arg0: i32) -> (i32, i32) {
    %c0_i32 = arith.constant 0 : i32
    %c0_i32_0 = arith.constant 0 : i32
    %c0_i32_1 = arith.constant 0 : i32
    return %c0_i32, %c0_i32_0 : i32, i32
  }
  func.func @transform_4(%arg0: i32) -> (i32, i32) {
    %c0_i32 = arith.constant 0 : i32
    %c0_i32_0 = arith.constant 0 : i32
    %c0_i32_1 = arith.constant 0 : i32
    return %c0_i32, %c0_i32_0 : i32, i32
  }
  func.func @transform_5(%arg0: i32) -> (i32, i32) {
    %c0_i32 = arith.constant 0 : i32
    %c0_i32_0 = arith.constant 0 : i32
    %c0_i32_1 = arith.constant 0 : i32
    return %c0_i32, %c0_i32_0 : i32, i32
  }
  func.func @transform_6(%arg0: i32) -> (i32, i32, i32) {
    %c0_i32 = arith.constant 0 : i32
    %c0_i32_0 = arith.constant 0 : i32
    %c0_i32_1 = arith.constant 0 : i32
    return %c0_i32, %arg0, %c0_i32_0 : i32, i32, i32
  }
}

module attributes {stable_mosaic.version = 14 : i64} {
  func.func @_final_body(%arg0: i32, %arg1: memref<2x1000x128xf32, #tpu.memory_space<vmem>>, %arg2: memref<2x1000x128xf32, #tpu.memory_space<vmem>>, %arg3: memref<1000x1xf32, #tpu.memory_space<vmem>>, %arg4: memref<1x256xf32, #tpu.memory_space<vmem>>, %arg5: memref<1000x256xf32, #tpu.memory_space<vmem>>) attributes {dimension_semantics = [#tpu.dimension_semantics<arbitrary>], iteration_bounds = array<i64: 10>, scalar_prefetch = 0 : i64, scratch_operands = 0 : i64, tpu.core_type = #tpu.core_type<tc>, window_params = [{transform_indices = @transform_0, window_bounds = array<i64: 2, 1000, 128>}, {transform_indices = @transform_1, window_bounds = array<i64: 2, 1000, 128>}, {transform_indices = @transform_2, window_bounds = array<i64: 1000, 1>}, {pipeline_mode = #tpu.pipeline_mode<synchronous>, transform_indices = @transform_3, window_bounds = array<i64: 1, 256>}, {transform_indices = @transform_4, window_bounds = array<i64: 1000, 256>}]} {
    %get3A = arith.constant 0 : index
    %get3A_0 = arith.constant 0 : index
    %get3A_1 = vector.load %arg3[%get3A, %get3A_0] : memref<1000x1xf32, #tpu.memory_space<vmem>>, vector<1000x1xf32>
    %get3A_2 = arith.constant 0 : index
    %get3A_3 = arith.constant 0 : index
    %get3A_4 = arith.constant 0 : index
    %get3A_5 = vector.load %arg1[%get3A_2, %get3A_3, %get3A_4] : memref<2x1000x128xf32, #tpu.memory_space<vmem>>, vector<1x1000x128xf32>
    %get3A_6 = vector.shape_cast %get3A_5 : vector<1x1000x128xf32> to vector<1000x128xf32>
    %get3A_7 = arith.constant 1 : index
    %get3A_8 = arith.constant 0 : index
    %get3A_9 = arith.constant 0 : index
    %get3A_10 = vector.load %arg1[%get3A_7, %get3A_8, %get3A_9] : memref<2x1000x128xf32, #tpu.memory_space<vmem>>, vector<1x1000x128xf32>
    %get3A_11 = vector.shape_cast %get3A_10 : vector<1x1000x128xf32> to vector<1000x128xf32>
    %concatenate3A = tpu.concatenate %get3A_6, %get3A_11 in 1 : vector<1000x128xf32>, vector<1000x128xf32> -> vector<1000x256xf32>
    %get3A_12 = arith.constant 0 : index
    %get3A_13 = arith.constant 0 : index
    %get3A_14 = arith.constant 0 : index
    %get3A_15 = vector.load %arg2[%get3A_12, %get3A_13, %get3A_14] : memref<2x1000x128xf32, #tpu.memory_space<vmem>>, vector<1x1000x128xf32>
    %get3A_16 = vector.shape_cast %get3A_15 : vector<1x1000x128xf32> to vector<1000x128xf32>
    %get3A_17 = arith.constant 1 : index
    %get3A_18 = arith.constant 0 : index
    %get3A_19 = arith.constant 0 : index
    %get3A_20 = vector.load %arg2[%get3A_17, %get3A_18, %get3A_19] : memref<2x1000x128xf32, #tpu.memory_space<vmem>>, vector<1x1000x128xf32>
    %get3A_21 = vector.shape_cast %get3A_20 : vector<1x1000x128xf32> to vector<1000x128xf32>
    %concatenate3A_22 = tpu.concatenate %get3A_16, %get3A_21 in 1 : vector<1000x128xf32>, vector<1000x128xf32> -> vector<1000x256xf32>
    %add3A = arith.addf %concatenate3A, %concatenate3A_22 : vector<1000x256xf32>
    %mul3A = vector.broadcast %get3A_1 : vector<1000x1xf32> to vector<1000x256xf32>
    %mul3A_23 = arith.mulf %mul3A, %add3A : vector<1000x256xf32>
    %get3A_24 = arith.constant 0 : index
    %get3A_25 = arith.constant 0 : index
    %get3A_26 = vector.load %arg4[%get3A_24, %get3A_25] : memref<1x256xf32, #tpu.memory_space<vmem>>, vector<1x256xf32>
    %add3A_27 = vector.broadcast %get3A_26 : vector<1x256xf32> to vector<1000x256xf32>
    %add3A_28 = arith.addf %mul3A_23, %add3A_27 : vector<1000x256xf32>
    %swap3A = arith.constant 0 : index
    %swap3A_29 = arith.constant 0 : index
    %swap3A_30 = vector.load %arg5[%swap3A, %swap3A_29] : memref<1000x256xf32, #tpu.memory_space<vmem>>, vector<1000x256xf32>
    tpu.vector_store %arg5[%swap3A, %swap3A_29], %add3A_28 {strides = array<i32>} : memref<1000x256xf32, #tpu.memory_space<vmem>>, vector<1000x256xf32>,
    return
  }
  func.func @transform_0(%arg0: i32) -> (i32, i32, i32) {
    %c0_i32 = arith.constant 0 : i32
    %c0_i32_0 = arith.constant 0 : i32
    %c0_i32_1 = arith.constant 0 : i32
    return %c0_i32, %arg0, %c0_i32_0 : i32, i32, i32
  }
  func.func @transform_1(%arg0: i32) -> (i32, i32, i32) {
    %c0_i32 = arith.constant 0 : i32
    %c0_i32_0 = arith.constant 0 : i32
    %c0_i32_1 = arith.constant 0 : i32
    return %c0_i32, %arg0, %c0_i32_0 : i32, i32, i32
  }
  func.func @transform_2(%arg0: i32) -> (i32, i32) {
    %c0_i32 = arith.constant 0 : i32
    %c0_i32_0 = arith.constant 0 : i32
    return %arg0, %c0_i32 : i32, i32
  }
  func.func @transform_3(%arg0: i32) -> (i32, i32) {
    %c0_i32 = arith.constant 0 : i32
    %c0_i32_0 = arith.constant 0 : i32
    %c0_i32_1 = arith.constant 0 : i32
    return %c0_i32, %c0_i32_0 : i32, i32
  }
  func.func @transform_4(%arg0: i32) -> (i32, i32) {
    %c0_i32 = arith.constant 0 : i32
    %c0_i32_0 = arith.constant 0 : i32
    return %arg0, %c0_i32 : i32, i32
  }
}

</mosaic_0001>

<sc_bundles>
// kernel: kernel.11.cloned.1.call-start
scs
__scs_entry_jumppad:
0x0: {  	(pc) =	sbr.rel $0x88, $3  }
0x1: {  	(tag) =	ssettag $0x0;
	lr =	simm.s32 $0x1  }
0x2: {  	[smem:$0x3F9B] =	sst lr;
	_ =	strace $0xD0000000  }
0x3: {  	_ = 	snop  }
0x4: {  	_ = 	snop  }
0x5: {  	_ = 	snop  }
0x6: {  	_ = 	snop  }
0x7: {  	_ = 	snop  }
__scs_overlays_trampoline_lowered:
0x8: {  	[smem:$0x3FAA] =	sst s0  }
0x9: {  	[smem:$0x3FAB] =	sst s1  }
0xa: {  	[smem:$0x3FAC] =	sst s2  }
0xb: {  	[smem:$0x3FAD] =	sst s3  }
0xc: {  	[smem:$0x3FAE] =	sst s4  }
0xd: {  	[smem:$0x3FAF] =	sst s5  }
0xe: {  	[smem:$0x3FB0] =	sst s6  }
0xf: {  	[smem:$0x3FB1] =	sst s7  }
0x10: {  	[smem:$0x3FB2] =	sst s8  }
0x11: {  	[smem:$0x3FB3] =	sst s9;
	s0 =	simm.s32 @!p0 $0x0  }
0x12: {  	s1 =	sld [smem:$0x3F99];
	s0 =	simm.s32 @p0 $0x1  }
0x13: {  	[smem:$0x3FB4] =	sst s0;
	s0 =	simm.s32 @!p1 $0x0  }
0x14: {  	s2 =	sld [smem:$0x3F98];
	s0 =	simm.s32 @p1 $0x1  }
0x15: {  	[smem:$0x3FB5] =	sst s0;
	s0 =	simm.s32 @!p2 $0x0  }
0x16: {  	s3 =	sld [smem:$0x3FDB];
	s0 =	simm.s32 @p2 $0x1  }
0x17: {  	s4 =	simm.s32 $0x1BF5;
	[smem:$0x3FB7] =	sst s0  }
0x18: {  	s0 =	sld [smem:$0x3F9A];
	_ =	swait.ge [sflag:s4], $0x0  }
0x19: {  	s7 =	sld [smem:$0x3F9B]  }
0x1a: {  	s8 =	sadd.s32 $0xFFFFE003, lr  }
0x1b: {  	s9 =	sadd.s32 $0xFFFFFEF7, lr;
	s5 =	simm.s32 $0xFFFFFFFF;
	p2 =	slt.u32 s8, $0xFFFFF086  }
0x1c: {  	p1 =	slt.u32 s9, $0xF7A;
	s5 =	simm.s32 @!p2 $0x0  }
0x1d: {  	s5 =	simm.s32 @p1 $0x1;
	p0 =	seq.s32 s7, s2  }
0x1e: {  	s7 =	smul.u32 @!p0 $0xF7A, s2;
	p2 =	seq.s32 @!p0 s5, $0x0  }
0x1f: {  	s9 =	smul.u32 $0xF7A, s1;
	s8 =	simm.s32 @!p0 $0x1BF5;
	p2 =	por !p2, p0  }
0x20: {  	[sflag:s8] =	ssyncset.s32 @!p0 $0xFFFFF086;
	s6 =	sadd.s32 @!p0 s3, s7;
	s7 =	simm.s32 @!p0 $0x108  }
0x21: {  	s3 =	sadd.s32 s3, s9;
	s6 =	sadd.s32 @!p0 $0x88, s6;
	s7 =	simm.s32 @p2 $0x1082  }
0x22: {  	[simem:s7], [sflag:s8] =	dma.local @!p0 [hbm:s6], $0xF7A  }
0x23: {  	s9 =	sor.u32 $0xD0000000, s2;
	s6 =	simm.s32 $0x108;
	_ =	swait.ge @!p0 [sflag:s8], $0x0  }
0x24: {  	s3 =	sadd.s32 $0x88, s3;
	s6 =	simm.s32 @!p1 $0x1082;
	[sflag:s4] =	ssyncset.s32 $0xFFFFF086  }
0x25: {  	[simem:s6], [sflag:s4] =	dma.local [hbm:s3], $0xF7A  }
0x26: {  	[smem:$0x3F9B] =	sst s1;
	(tag) =	ssettag s2;
	_ =	strace s9  }
0x27: {  	s1 =	sld [smem:$0x3FAB]  }
0x28: {  	s2 =	sld [smem:$0x3FAC]  }
0x29: {  	s4 =	sld [smem:$0x3FAE]  }
0x2a: {  	p0 =	seq.s32 s5, $0x0;
	s5 =	sld [smem:$0x3FAF]  }
0x2b: {  	s6 =	sld [smem:$0x3FB0]  }
0x2c: {  	s7 =	sld [smem:$0x3FB1]  }
0x2d: {  	s3 =	simm.s32 $0x108;
	s8 =	sld [smem:$0x3FB2]  }
0x2e: {  	s3 =	simm.s32 @!p0 $0x1082;
	s9 =	sld [smem:$0x3FB3]  }
0x2f: {  	lr =	sadd.s32 s0, s3;
	s0 =	sld [smem:$0x3FAA]  }
0x30: {  	s3 =	sld [smem:$0x3FAD]  }
0x31: {  	[smem:$0x3FB6] =	sst s10  }
0x32: {  	s10 =	sld [smem:$0x3FB4];
	_ =	sdelay $0x3  }
0x33: {  	p0 =	seq.s32 s10, $0x1;
	s10 =	sld [smem:$0x3FB6];
	_ =	sdelay $0x3  }
0x34: {  	[smem:$0x3FB6] =	sst s10  }
0x35: {  	s10 =	sld [smem:$0x3FB5];
	_ =	sdelay $0x3  }
0x36: {  	p1 =	seq.s32 s10, $0x1;
	s10 =	sld [smem:$0x3FB6];
	_ =	sdelay $0x3  }
0x37: {  	[smem:$0x3FB6] =	sst s10  }
0x38: {  	s10 =	sld [smem:$0x3FB7]  }
0x39: {  	_ = 	snop;
	(pc) =	sbr.ind lr, $3  }
0x3a: {  	_ = 	snop  }
0x3b: {  	_ = 	snop  }
0x3c: {  	p2 =	seq.s32 s10, $0x1;
	s10 =	sld [smem:$0x3FB6]  }
0x3d: {  	_ =	shalt  }
0x3e: {  	_ =	shalt  }
0x3f: {  	_ =	shalt  }
0x40: {  	_ =	shalt  }
0x41: {  	_ =	shalt  }
0x42: {  	_ =	shalt  }
0x43: {  	_ =	shalt  }
0x44: {  	_ =	shalt  }
0x45: {  	_ =	shalt  }
0x46: {  	_ =	shalt  }
0x47: {  	_ =	shalt  }
0x48: {  	_ =	shalt  }
0x49: {  	_ =	shalt  }
0x4a: {  	_ =	shalt  }
0x4b: {  	_ =	shalt  }
0x4c: {  	_ =	shalt  }
0x4d: {  	_ =	shalt  }
0x4e: {  	_ =	shalt  }
0x4f: {  	_ =	shalt  }
0x50: {  	_ =	shalt  }
0x51: {  	_ =	shalt  }
0x52: {  	_ =	shalt  }
0x53: {  	_ =	shalt  }
0x54: {  	_ =	shalt  }
0x55: {  	_ =	shalt  }
0x56: {  	_ =	shalt  }
0x57: {  	_ =	shalt  }
0x58: {  	_ =	shalt  }
0x59: {  	_ =	shalt  }
0x5a: {  	_ =	shalt  }
0x5b: {  	_ =	shalt  }
0x5c: {  	_ =	shalt  }
0x5d: {  	_ =	shalt  }
0x5e: {  	_ =	shalt  }
0x5f: {  	_ =	shalt  }
0x60: {  	_ =	shalt  }
0x61: {  	_ =	shalt  }
0x62: {  	_ =	shalt  }
0x63: {  	_ =	shalt  }
0x64: {  	_ =	shalt  }
0x65: {  	_ =	shalt  }
0x66: {  	_ =	shalt  }
0x67: {  	_ =	shalt  }
0x68: {  	_ =	shalt  }
0x69: {  	_ =	shalt  }
0x6a: {  	_ =	shalt  }
0x6b: {  	_ =	shalt  }
0x6c: {  	_ =	shalt  }
0x6d: {  	_ =	shalt  }
0x6e: {  	_ =	shalt  }
0x6f: {  	_ =	shalt  }
0x70: {  	_ =	shalt  }
0x71: {  	_ =	shalt  }
0x72: {  	_ =	shalt  }
0x73: {  	_ =	shalt  }
0x74: {  	_ =	shalt  }
0x75: {  	_ =	shalt  }
0x76: {  	_ =	shalt  }
0x77: {  	_ =	shalt  }
0x78: {  	_ =	shalt  }
0x79: {  	_ =	shalt  }
0x7a: {  	_ =	shalt  }
0x7b: {  	_ =	shalt  }
0x7c: {  	_ =	shalt  }
0x7d: {  	_ =	shalt  }
0x7e: {  	_ =	shalt  }
0x7f: {  	_ =	shalt  }
0x80: {  	_ =	shalt  }
0x81: {  	_ =	shalt  }
0x82: {  	_ =	shalt  }
0x83: {  	_ =	shalt  }
0x84: {  	_ =	shalt  }
0x85: {  	_ =	shalt  }
0x86: {  	_ =	shalt  }
0x87: {  	_ =	shalt  }
.Lfunc_end0:
.L_simem_size_0:
called_computation.1_lowered:
.L_overlay_start_0:
0x88: {  	s2 =	sld [smem:$0x3FD9]  }
0x89: {  	s3 =	sld [smem:$0x3FFE];
	_ =	sdelay $0x1  }
0x8a: {  	s1 =	srdreg.scid  }
0x8b: {  	s0 =	sand.u32 $0x1, s1  }
0x8c: {  	s17 =	sshll.u32 s0, $0xA;
	s2 =	sadd.s32 s3, s2  }
0x8d: {  	s2 =	sadd.s32 s2, s17  }
0x8e: {  	[smem:$0x3FC2] =	sst s2  }
0x8f: {  	_ = 	snop  }
0x90: {  	s2 =	sld [smem:$0x3FD0];
	(tm) =	ssettm $0x1  }
0x91: {  	s18 =	sld [smem:$0x3FFB];
	_ =	sdelay $0x3  }
0x92: {  	_ =	strace s18  }
0x93: {  	s3 =	sld [smem:$0x3FFC];
	_ =	sdelay $0x3  }
0x94: {  	_ =	strace s3  }
0x95: {  	s3 =	sld [smem:$0x3FFD];
	_ =	sdelay $0x3  }
0x96: {  	_ =	strace s3  }
0x97: {  	_ =	strace $0x8FFFFFFF  }
0x98: {  	s19 =	sld [smem:$0x3FDB];
	_ =	sdelay $0x1  }
0x99: {  	s4 =	simm.s32 $_scs_section_size  }
0x9a: {  	s5 =	simm.s32 $_size__tile_overlayer_lowered;
	s6 =	simm.s32 $_tile_overlayer_lowered  }
0x9b: {  	s22 =	simm.s32 $0x1BFF;
	s21 =	sshll.u32 s6, $0x1;
	s3 =	sadd.s32 s4, s19  }
0x9c: {  	s7 =	simm.s32 $0x0;
	s20 =	sshll.u32 s5, $0x1;
	s5 =	sadd.s32 s21, s3  }
0x9d: {  	[timem:s7], [sflag:s22] =	dma.local [hbm:s5], s20  }
0x9e: {  	_ =	swait.ge [sflag:s22], s20  }
0x9f: {  	s4 =	ssub.s32 $0x0, s20;
	[sflag:s22] =	ssyncset.done $0x0  }
0xa0: {  	[sflag:s22] =	ssyncadd.s32 s4;
	_ =	sdelay $0x1  }
0xa1: {  	s23 =	simm.s32 $0x1B8B  }
0xa2: {  	_ =	swait.ge [sflag:s23], $0x1  }
0xa3: {  	[sflag:s23] =	ssyncset.done $0x0  }
0xa4: {  	s25 =	simm.s32 $0x1B8E;
	s24 =	sld [smem:$0x3FFE];
	[sflag:s23] =	ssyncadd.s32 $0xFFFFFFFF  }
0xa5: {  	s26 =	simm.s32 $execute0_lowered;
	[smem:$0x3FD2] =	sst s25  }
0xa6: {  	s5 =	sshll.u32 s26, $0x1;
	_ =	strace $0x80000049;
	[dreg:$0x1] =	wrdreg $0xFFFFFFFF  }
0xa7: {  	s28 =	simm.s32 $_size_execute0_lowered;
	s3 =	sadd.s32 s3, s5;
	[dreg:$0x0] =	wrdreg $0x0  }
0xa8: {  	s5 =	sshll.u32 s28, $0x1;
	[dreg:$0x2] =	wrdreg s3  }
0xa9: {  	[dreg:$0x3] =	wrdreg s5  }
0xaa: {  	[dreg:$0x4] =	wrdreg $0xC0  }
0xab: {  	_ =	task [dreg:s7], $0x5FFFF  }
0xac: {  	[dreg:$0x1] =	wrdreg $0xFFFFFFFF  }
0xad: {  	[dreg:$0x0] =	wrdreg $0x60  }
0xae: {  	[dreg:$0x2] =	wrdreg s2  }
0xaf: {  	[dreg:$0x3] =	wrdreg s24  }
0xb0: {  	[dreg:$0x4] =	wrdreg $0x0  }
0xb1: {  	[dreg:$0x5] =	wrdreg $0x9  }
0xb2: {  	_ =	task.clear_ibuf [dreg:s7], $0x6FFFF;
	_ =	strace $0x90000049  }
0xb3: {  	s29 =	simm.s32 $0x9;
	_ =	strace $0x8000004B  }
0xb4: {  	_ =	swait.ge [sflag:s29], $0x1  }
0xb5: {  	[sflag:s29] =	ssyncadd.s32 $0xFFFFFFFF  }
0xb6: {  	_ =	strace $0x9000004B  }
0xb7: {  	_ =	sfence  }
0xb8: {  	s30 =	sld [smem:$0x0];
	_ =	sdelay $0x2  }
0xb9: {  	s31 =	sshll.u32 s1, $0xD;
	s1 =	sshrl.u32 s1, $0x2  }
0xba: {  	s3 =	sand.u32 $0x4000, s31;
	s1 =	sadd.s32 s1, s30  }
0xbb: {  	s0 =	sor.u32 s3, s0;
	s1 =	sshll.u32 s1, $0x11  }
0xbc: {  	s0 =	sor.u32 s1, s0  }
0xbd: {  	s0 =	sadd.s32 $0x8F2B, s0  }
0xbe: {  	[sflag:s0] =	ssyncadd.remote.s32 $0x1  }
0xbf: {  	_ =	sfence.sel $0xFFFF  }
0xc0: {  	[dreg:$0x0] =	wrdreg $0xFFFFFFFF;
	(pc) =	sbr.abs _section_cstart, $3  }
0xc1: {  	[dreg:$0x1] =	wrdreg $0xFFFFFFFF  }
0xc2: {  	_ =	task.clear_ibuf [dreg:s7], $0x2FFFF;
	_ =	strace $0x9FFFFFFF  }
0xc3: {  	(tm) =	ssettm $0x7FFFFFFF  }
tec
execute0_lowered:
.L_overlay_start_1:
0x0: {  	(tag) =	ssettag $0x1  }
0x1: {  	s0 =	rddreg [dreg:$0x0]  }
0x2: {  	s1 =	rddreg [dreg:$0x1];
	s13 =	stileid.u32  }
0x3: {  	s2 =	rddreg [dreg:$0x2];
	s5 =	srdreg.scid  }
0x4: {  	s14 =	simm.s32 $0x400;
	s15 =	simm.s32 $0x13C00;
	s17 =	simm.s32 $0x1  }
0x5: {  	s18 =	simm.s32 $0x2;
	s19 =	simm.s32 $0x3;
	s20 =	simm.s32 $0x28  }
0x6: {  	s21 =	simm.s32 $0x18B00;
	s28 =	simm.s32 $0x1C700;
	s30 =	simm.s32 $0x1DB00  }
0x7: {  	s31 =	simm.s32 $0x4;
	s16 =	simm.s32 $0x6;
	s23 =	smul.u32 $0x13C00, s13  }
0x8: {  	s3 =	sshrl.u32 s13, $0x3;
	s22 =	sshll.u32 s13, $0x7;
	s9 =	smul.u32 $0x4F000, s13  }
0x9: {  	s7 =	sand.u32 $0x1, s5;
	s25 =	sadd.s32 $0x1800, s1;
	s4 =	smul.u32 $0x13C00, s3  }
0xa: {  	s6 =	sand.u32 $0x380, s22;
	s3 =	simm.s32 $0x0;
	s5 =	smul.u32 $0x13C000, s7  }
0xb: {  	s24 =	ssub.s32 $0x2, s7;
	s29 =	smul.u32 $0x27100, s7;
	s22 =	simm.s32 $0x7  }
0xc: {  	[smem:$0x7FF] =	sst s3;
	s10 =	sshrl.u32 s24, $0x1;
	s26 =	sshrl.u32 s9, $0x2  }
0xd: {  	s4 =	sor.u32 s6, s4;
	_ =	strace $0x8000004A;
	s5 =	sadd.s32 s23, s5  }
0xe: {  	[dreg:$0x4] =	wrdreg s25;
	s11 =	ssub.s32 s24, s10;
	s12 =	sadd.s32 s26, s2  }
0xf: {  	s9 =	sadd.s32 s0, s29;
	s23 =	simm.s32 $0x19F00;
	s25 =	simm.s32 $0x1B300  }
0x10: {  	s0 =	simm.s32 $0x5;
	s24 =	simm.s32 $0x8;
	s4 =	sshrl.u32 s4, $0x3  }
0x11: {  	s5 =	sshrl.u32 s5, $0x3;
	s11 =	smax.u32 s11, $0x1;
	s12 =	sshrl.u32 s12, $0x3  }
0x12: {  	s8 =	sadd.s32 s4, s1;
	s1 =	sadd.s32 s5, s1;
	s5 =	sshll.u32 s13, $0x6  }
0x13: {  	s13 =	simm.s32 $0x80;
	s6 =	sor.u32 $0x1C01, s5;
	s7 =	sadd.s32 $0x58000, s8  }
0x14: {  	s8 =	sadd.s32 $0x53000, s8;
	s10 =	sadd.s32 $0x4000, s1;
	s1 =	simm.s32 $0x9  }
.LBB2_1:
0x15: {  	s4 =	rddreg [dreg:$0x4]  }
0x16: {  	[spmem:s12], [sflag:s6] =	dma.local [hbm:s4], $0x2780  }
0x17: {  	[tilespmem:s15], [sflag:$0x2] =	stream.strided.gather [hbm4b:s7+s13], $0x2780, s14, s13, $0x38;
	[tilespmem:$0x1EF00] =	vst v63  }
0x18: {  	s26 =	simm.s32 $0x16380  }
0x19: {  	[tilespmem:s26], [sflag:$0x3] =	stream.strided.gather [hbm4b:s8+s13], $0x2780, s14, s13, $0x38;
	[tilespmem:$0x1EF00] =	vst v63  }
0x1a: {  	_ =	swait.ge [sflag:s17], $0x2780  }
0x1b: {  	[sflag:s17] =	ssyncset.done $0x0  }
0x1c: {  	[sflag:s17] =	ssyncadd.s32 $0xFFFFD880  }
0x1d: {  	_ =	swait.ge [sflag:s18], $0x2780  }
0x1e: {  	[sflag:s18] =	ssyncset.done $0x0  }
0x1f: {  	[sflag:s18] =	ssyncadd.s32 $0xFFFFD880  }
0x20: {  	_ =	swait.ge [sflag:s19], $0x2780  }
0x21: {  	[sflag:s19] =	ssyncset.done $0x0  }
0x22: {  	[sflag:s19] =	ssyncadd.s32 $0xFFFFD880  }
0x23: {  	[bflag:$0x0] =	sbarrier.arrive $0xFFFF  }
0x24: {  	[tilespmem:s21], [sflag:$0x4] =	stream.indirect.gather [hbm4b:s9+s20], $0x80, s15, s20, $0xb8;
	[tilespmem:$0x1EF00] =	vst v63  }
0x25: {  	s26 =	simm.s32 $0x13C28  }
0x26: {  	[tilespmem:s23], [sflag:$0x5] =	stream.indirect.gather [hbm4b:s9+s20], $0x80, s26, s20, $0xb8;
	[tilespmem:$0x1EF00] =	vst v63  }
0x27: {  	s26 =	simm.s32 $0x13C50  }
0x28: {  	[tilespmem:s25], [sflag:$0x6] =	stream.indirect.gather [hbm4b:s9+s20], $0x80, s26, s20, $0xb8;
	[tilespmem:$0x1EF00] =	vst v63  }
0x29: {  	s26 =	simm.s32 $0x13C78  }
0x2a: {  	[tilespmem:s28], [sflag:$0x7] =	stream.indirect.gather [hbm4b:s9+s20], $0x80, s26, s20, $0xb8;
	[tilespmem:$0x1EF00] =	vst v63  }
0x2b: {  	s26 =	simm.s32 $0x13CA0  }
0x2c: {  	[tilespmem:s30], [sflag:$0x8] =	stream.indirect.gather [hbm4b:s9+s20], $0x80, s26, s20, $0xb8;
	[tilespmem:$0x1EF00] =	vst v63  }
0x2d: {  	_ =	swait.ge [sflag:s31], $0x1400  }
0x2e: {  	[sflag:s31] =	ssyncset.done $0x0  }
0x2f: {  	s26 =	simm.s32 $0x16380;
	[sflag:s31] =	ssyncadd.s32 $0xFFFFEC00  }
0x30: {  	[spmem:s2] =	stream.indirect.scatter.add.f32 [tilespmem:s21], [sflag:$0x9], $0x80, s26, s20, $0xb8;
	[tilespmem:$0x1EF00] =	vst v63  }
0x31: {  	_ =	swait.ge [sflag:s1], $0x1400  }
0x32: {  	[sflag:s1] =	ssyncset.done $0x0  }
0x33: {  	s4 =	simm.s32 $0x13CC8;
	[sflag:s1] =	ssyncadd.s32 $0xFFFFEC00  }
0x34: {  	[tilespmem:s21], [sflag:$0x4] =	stream.indirect.gather [hbm4b:s9+s20], $0x80, s4, s20, $0xb8;
	[tilespmem:$0x1EF00] =	vst v63  }
0x35: {  	_ =	swait.ge [sflag:s0], $0x1400  }
0x36: {  	[sflag:s0] =	ssyncset.done $0x0  }
0x37: {  	s4 =	simm.s32 $0x163A8;
	[sflag:s0] =	ssyncadd.s32 $0xFFFFEC00  }
0x38: {  	[spmem:s2] =	stream.indirect.scatter.add.f32 [tilespmem:s23], [sflag:$0x9], $0x80, s4, s20, $0xb8;
	[tilespmem:$0x1EF00] =	vst v63  }
0x39: {  	_ =	swait.ge [sflag:s1], $0x1400  }
0x3a: {  	[sflag:s1] =	ssyncset.done $0x0  }
0x3b: {  	s4 =	simm.s32 $0x13CF0;
	[sflag:s1] =	ssyncadd.s32 $0xFFFFEC00  }
0x3c: {  	[tilespmem:s23], [sflag:$0x5] =	stream.indirect.gather [hbm4b:s9+s20], $0x80, s4, s20, $0xb8;
	[tilespmem:$0x1EF00] =	vst v63  }
0x3d: {  	_ =	swait.ge [sflag:s16], $0x1400  }
0x3e: {  	[sflag:s16] =	ssyncset.done $0x0  }
0x3f: {  	s4 =	simm.s32 $0x163D0;
	[sflag:s16] =	ssyncadd.s32 $0xFFFFEC00  }
0x40: {  	[spmem:s2] =	stream.indirect.scatter.add.f32 [tilespmem:s25], [sflag:$0x9], $0x80, s4, s20, $0xb8;
	[tilespmem:$0x1EF00] =	vst v63  }
0x41: {  	_ =	swait.ge [sflag:s1], $0x1400  }
0x42: {  	[sflag:s1] =	ssyncset.done $0x0  }
0x43: {  	s4 =	simm.s32 $0x13D18;
	[sflag:s1] =	ssyncadd.s32 $0xFFFFEC00  }
0x44: {  	[tilespmem:s25], [sflag:$0x6] =	stream.indirect.gather [hbm4b:s9+s20], $0x80, s4, s20, $0xb8;
	[tilespmem:$0x1EF00] =	vst v63  }
0x45: {  	_ =	swait.ge [sflag:s22], $0x1400  }
0x46: {  	[sflag:s22] =	ssyncset.done $0x0  }
0x47: {  	s4 =	simm.s32 $0x163F8;
	[sflag:s22] =	ssyncadd.s32 $0xFFFFEC00  }
0x48: {  	[spmem:s2] =	stream.indirect.scatter.add.f32 [tilespmem:s28], [sflag:$0x9], $0x80, s4, s20, $0xb8;
	[tilespmem:$0x1EF00] =	vst v63  }
0x49: {  	_ =	swait.ge [sflag:s1], $0x1400  }
0x4a: {  	[sflag:s1] =	ssyncset.done $0x0  }
0x4b: {  	s4 =	simm.s32 $0x13D40;
	[sflag:s1] =	ssyncadd.s32 $0xFFFFEC00  }
0x4c: {  	[tilespmem:s28], [sflag:$0x7] =	stream.indirect.gather [hbm4b:s9+s20], $0x80, s4, s20, $0xb8;
	[tilespmem:$0x1EF00] =	vst v63  }
0x4d: {  	_ =	swait.ge [sflag:s24], $0x1400  }
0x4e: {  	[sflag:s24] =	ssyncset.done $0x0  }
0x4f: {  	s4 =	simm.s32 $0x16420;
	[sflag:s24] =	ssyncadd.s32 $0xFFFFEC00  }
0x50: {  	[spmem:s2] =	stream.indirect.scatter.add.f32 [tilespmem:s30], [sflag:$0x9], $0x80, s4, s20, $0xb8;
	[tilespmem:$0x1EF00] =	vst v63  }
0x51: {  	_ =	swait.ge [sflag:s1], $0x1400  }
0x52: {  	[sflag:s1] =	ssyncset.done $0x0  }
0x53: {  	s29 =	simm.s32 $0x320;
	s26 =	simm.s32 $0x13D68;
	[sflag:s1] =	ssyncadd.s32 $0xFFFFEC00  }
.LBB2_2:
0x54: {  	[tilespmem:s30], [sflag:$0x8] =	stream.indirect.gather [hbm4b:s9+s20], $0x80, s26, s20, $0xb8;
	[tilespmem:$0x1EF00] =	vst v63  }
0x55: {  	s26 =	smov.u32 s29  }
0x56: {  	p0 =	sne.s32 s29, $0x92E0;
	s29 =	sadd.s32 $0x320, s29;
	_ =	swait.ge [sflag:s31], $0x1400  }
0x57: {  	s26 =	sshra.s32 s26, $0x2;
	[sflag:s31] =	ssyncset.done $0x0  }
0x58: {  	s4 =	sadd.s32 $0x16380, s26;
	[sflag:s31] =	ssyncadd.s32 $0xFFFFEC00  }
0x59: {  	[spmem:s2] =	stream.indirect.scatter.add.f32 [tilespmem:s21], [sflag:$0x9], $0x80, s4, s20, $0xb8;
	[tilespmem:$0x1EF00] =	vst v63  }
0x5a: {  	_ =	swait.ge [sflag:s1], $0x1400  }
0x5b: {  	[sflag:s1] =	ssyncset.done $0x0  }
0x5c: {  	s4 =	sadd.s32 $0x13CC8, s26;
	[sflag:s1] =	ssyncadd.s32 $0xFFFFEC00  }
0x5d: {  	[tilespmem:s21], [sflag:$0x4] =	stream.indirect.gather [hbm4b:s9+s20], $0x80, s4, s20, $0xb8;
	[tilespmem:$0x1EF00] =	vst v63  }
0x5e: {  	_ =	swait.ge [sflag:s0], $0x1400  }
0x5f: {  	[sflag:s0] =	ssyncset.done $0x0  }
0x60: {  	s4 =	sadd.s32 $0x163A8, s26;
	[sflag:s0] =	ssyncadd.s32 $0xFFFFEC00  }
0x61: {  	[spmem:s2] =	stream.indirect.scatter.add.f32 [tilespmem:s23], [sflag:$0x9], $0x80, s4, s20, $0xb8;
	[tilespmem:$0x1EF00] =	vst v63  }
0x62: {  	_ =	swait.ge [sflag:s1], $0x1400  }
0x63: {  	[sflag:s1] =	ssyncset.done $0x0  }
0x64: {  	s4 =	sadd.s32 $0x13CF0, s26;
	[sflag:s1] =	ssyncadd.s32 $0xFFFFEC00  }
0x65: {  	[tilespmem:s23], [sflag:$0x5] =	stream.indirect.gather [hbm4b:s9+s20], $0x80, s4, s20, $0xb8;
	[tilespmem:$0x1EF00] =	vst v63  }
0x66: {  	_ =	swait.ge [sflag:s16], $0x1400  }
0x67: {  	[sflag:s16] =	ssyncset.done $0x0  }
0x68: {  	s4 =	sadd.s32 $0x163D0, s26;
	[sflag:s16] =	ssyncadd.s32 $0xFFFFEC00  }
0x69: {  	[spmem:s2] =	stream.indirect.scatter.add.f32 [tilespmem:s25], [sflag:$0x9], $0x80, s4, s20, $0xb8;
	[tilespmem:$0x1EF00] =	vst v63  }
0x6a: {  	_ =	swait.ge [sflag:s1], $0x1400  }
0x6b: {  	[sflag:s1] =	ssyncset.done $0x0  }
0x6c: {  	s4 =	sadd.s32 $0x13D18, s26;
	[sflag:s1] =	ssyncadd.s32 $0xFFFFEC00  }
0x6d: {  	[tilespmem:s25], [sflag:$0x6] =	stream.indirect.gather [hbm4b:s9+s20], $0x80, s4, s20, $0xb8;
	[tilespmem:$0x1EF00] =	vst v63  }
0x6e: {  	_ =	swait.ge [sflag:s22], $0x1400  }
0x6f: {  	[sflag:s22] =	ssyncset.done $0x0  }
0x70: {  	s4 =	sadd.s32 $0x163F8, s26;
	[sflag:s22] =	ssyncadd.s32 $0xFFFFEC00  }
0x71: {  	[spmem:s2] =	stream.indirect.scatter.add.f32 [tilespmem:s28], [sflag:$0x9], $0x80, s4, s20, $0xb8;
	[tilespmem:$0x1EF00] =	vst v63  }
0x72: {  	_ =	swait.ge [sflag:s1], $0x1400  }
0x73: {  	[sflag:s1] =	ssyncset.done $0x0  }
0x74: {  	s4 =	sadd.s32 $0x13D40, s26;
	[sflag:s1] =	ssyncadd.s32 $0xFFFFEC00  }
0x75: {  	[tilespmem:s28], [sflag:$0x7] =	stream.indirect.gather [hbm4b:s9+s20], $0x80, s4, s20, $0xb8;
	[tilespmem:$0x1EF00] =	vst v63  }
0x76: {  	_ =	swait.ge [sflag:s24], $0x1400  }
0x77: {  	[sflag:s24] =	ssyncset.done $0x0  }
.Ltmp0:
0x78: {  	s4 =	sadd.s32 $0x16420, s26;
	[sflag:s24] =	ssyncadd.s32 $0xFFFFEC00;
	(pc) =	sbr.rel @p0 .LBB2_2-.Ltmp0, $4  }
0x79: {  	[spmem:s2] =	stream.indirect.scatter.add.f32 [tilespmem:s30], [sflag:$0x9], $0x80, s4, s20, $0xb8;
	[tilespmem:$0x1EF00] =	vst v63  }
0x7a: {  	_ =	swait.ge [sflag:s1], $0x1400  }
0x7b: {  	[sflag:s1] =	ssyncset.done $0x0  }
0x7c: {  	s26 =	sadd.s32 $0x13D68, s26;
	[sflag:s1] =	ssyncadd.s32 $0xFFFFEC00  }
0x7d: {  	[tilespmem:s30], [sflag:$0x8] =	stream.indirect.gather [hbm4b:s9+s20], $0x80, s26, s20, $0xb8;
	[tilespmem:$0x1EF00] =	vst v63  }
0x7e: {  	_ =	swait.ge [sflag:s31], $0x1400  }
0x7f: {  	[sflag:s31] =	ssyncset.done $0x0  }
0x80: {  	s4 =	simm.s32 $0x18900;
	[sflag:s31] =	ssyncadd.s32 $0xFFFFEC00  }
0x81: {  	[spmem:s2] =	stream.indirect.scatter.add.f32 [tilespmem:s21], [sflag:$0x9], $0x80, s4, s20, $0xb8;
	[tilespmem:$0x1EF00] =	vst v63  }
0x82: {  	_ =	swait.ge [sflag:s1], $0x1400  }
0x83: {  	[sflag:s1] =	ssyncset.done $0x0  }
0x84: {  	s29 =	simm.s32 $0x16248;
	[sflag:s1] =	ssyncadd.s32 $0xFFFFEC00  }
0x85: {  	[tilespmem:s21], [sflag:$0x4] =	stream.indirect.gather [hbm4b:s9+s20], $0x80, s29, s20, $0xb8;
	[tilespmem:$0x1EF00] =	vst v63  }
0x86: {  	_ =	swait.ge [sflag:s0], $0x1400  }
0x87: {  	[sflag:s0] =	ssyncset.done $0x0  }
0x88: {  	s26 =	simm.s32 $0x18928;
	[sflag:s0] =	ssyncadd.s32 $0xFFFFEC00  }
0x89: {  	[spmem:s2] =	stream.indirect.scatter.add.f32 [tilespmem:s23], [sflag:$0x9], $0x80, s26, s20, $0xb8;
	[tilespmem:$0x1EF00] =	vst v63  }
0x8a: {  	_ =	swait.ge [sflag:s1], $0x1400  }
0x8b: {  	[sflag:s1] =	ssyncset.done $0x0  }
0x8c: {  	s29 =	simm.s32 $0x16270;
	[sflag:s1] =	ssyncadd.s32 $0xFFFFEC00  }
0x8d: {  	[tilespmem:s23], [sflag:$0x5] =	stream.indirect.gather [hbm4b:s9+s20], $0x80, s29, s20, $0xb8;
	[tilespmem:$0x1EF00] =	vst v63  }
0x8e: {  	_ =	swait.ge [sflag:s16], $0x1400  }
0x8f: {  	[sflag:s16] =	ssyncset.done $0x0  }
0x90: {  	s26 =	simm.s32 $0x18950;
	[sflag:s16] =	ssyncadd.s32 $0xFFFFEC00  }
0x91: {  	[spmem:s2] =	stream.indirect.scatter.add.f32 [tilespmem:s25], [sflag:$0x9], $0x80, s26, s20, $0xb8;
	[tilespmem:$0x1EF00] =	vst v63  }
0x92: {  	_ =	swait.ge [sflag:s1], $0x1400  }
0x93: {  	[sflag:s1] =	ssyncset.done $0x0  }
0x94: {  	s29 =	simm.s32 $0x16298;
	[sflag:s1] =	ssyncadd.s32 $0xFFFFEC00  }
0x95: {  	[tilespmem:s25], [sflag:$0x6] =	stream.indirect.gather [hbm4b:s9+s20], $0x80, s29, s20, $0xb8;
	[tilespmem:$0x1EF00] =	vst v63  }
0x96: {  	_ =	swait.ge [sflag:s22], $0x1400  }
0x97: {  	[sflag:s22] =	ssyncset.done $0x0  }
0x98: {  	s26 =	simm.s32 $0x18978;
	[sflag:s22] =	ssyncadd.s32 $0xFFFFEC00  }
0x99: {  	[spmem:s2] =	stream.indirect.scatter.add.f32 [tilespmem:s28], [sflag:$0x9], $0x80, s26, s20, $0xb8;
	[tilespmem:$0x1EF00] =	vst v63  }
0x9a: {  	_ =	swait.ge [sflag:s1], $0x1400  }
0x9b: {  	[sflag:s1] =	ssyncset.done $0x0  }
0x9c: {  	s29 =	simm.s32 $0x162C0;
	[sflag:s1] =	ssyncadd.s32 $0xFFFFEC00  }
0x9d: {  	[tilespmem:s28], [sflag:$0x7] =	stream.indirect.gather [hbm4b:s9+s20], $0x80, s29, s20, $0xb8;
	[tilespmem:$0x1EF00] =	vst v63  }
0x9e: {  	_ =	swait.ge [sflag:s24], $0x1400  }
0x9f: {  	[sflag:s24] =	ssyncset.done $0x0  }
0xa0: {  	s26 =	simm.s32 $0x189A0;
	[sflag:s24] =	ssyncadd.s32 $0xFFFFEC00  }
0xa1: {  	[spmem:s2] =	stream.indirect.scatter.add.f32 [tilespmem:s30], [sflag:$0x9], $0x80, s26, s20, $0xb8;
	[tilespmem:$0x1EF00] =	vst v63  }
0xa2: {  	_ =	swait.ge [sflag:s1], $0x1400  }
0xa3: {  	[sflag:s1] =	ssyncset.done $0x0  }
0xa4: {  	s29 =	simm.s32 $0x162E8;
	[sflag:s1] =	ssyncadd.s32 $0xFFFFEC00  }
0xa5: {  	[tilespmem:s30], [sflag:$0x8] =	stream.indirect.gather [hbm4b:s9+s20], $0x80, s29, s20, $0xb8;
	[tilespmem:$0x1EF00] =	vst v63  }
0xa6: {  	_ =	swait.ge [sflag:s31], $0x1400  }
0xa7: {  	[sflag:s31] =	ssyncset.done $0x0  }
0xa8: {  	s26 =	simm.s32 $0x189C8;
	[sflag:s31] =	ssyncadd.s32 $0xFFFFEC00  }
0xa9: {  	[spmem:s2] =	stream.indirect.scatter.add.f32 [tilespmem:s21], [sflag:$0x9], $0x80, s26, s20, $0xb8;
	[tilespmem:$0x1EF00] =	vst v63  }
0xaa: {  	_ =	swait.ge [sflag:s1], $0x1400  }
0xab: {  	[sflag:s1] =	ssyncset.done $0x0  }
0xac: {  	[sflag:s1] =	ssyncadd.s32 $0xFFFFEC00  }
0xad: {  	_ =	swait.ge [sflag:s0], $0x1400  }
0xae: {  	[sflag:s0] =	ssyncset.done $0x0  }
0xaf: {  	s29 =	simm.s32 $0x189F0;
	[sflag:s0] =	ssyncadd.s32 $0xFFFFEC00  }
0xb0: {  	[spmem:s2] =	stream.indirect.scatter.add.f32 [tilespmem:s23], [sflag:$0x9], $0x80, s29, s20, $0xb8;
	[tilespmem:$0x1EF00] =	vst v63  }
0xb1: {  	_ =	swait.ge [sflag:s1], $0x1400  }
0xb2: {  	[sflag:s1] =	ssyncset.done $0x0  }
0xb3: {  	[sflag:s1] =	ssyncadd.s32 $0xFFFFEC00  }
0xb4: {  	_ =	swait.ge [sflag:s16], $0x1400  }
0xb5: {  	[sflag:s16] =	ssyncset.done $0x0  }
0xb6: {  	s26 =	simm.s32 $0x18A18;
	[sflag:s16] =	ssyncadd.s32 $0xFFFFEC00  }
0xb7: {  	[spmem:s2] =	stream.indirect.scatter.add.f32 [tilespmem:s25], [sflag:$0x9], $0x80, s26, s20, $0xb8;
	[tilespmem:$0x1EF00] =	vst v63  }
0xb8: {  	_ =	swait.ge [sflag:s1], $0x1400  }
0xb9: {  	[sflag:s1] =	ssyncset.done $0x0  }
0xba: {  	[sflag:s1] =	ssyncadd.s32 $0xFFFFEC00  }
0xbb: {  	_ =	swait.ge [sflag:s22], $0x1400  }
0xbc: {  	[sflag:s22] =	ssyncset.done $0x0  }
0xbd: {  	s29 =	simm.s32 $0x18A40;
	[sflag:s22] =	ssyncadd.s32 $0xFFFFEC00  }
0xbe: {  	[spmem:s2] =	stream.indirect.scatter.add.f32 [tilespmem:s28], [sflag:$0x9], $0x80, s29, s20, $0xb8;
	[tilespmem:$0x1EF00] =	vst v63  }
0xbf: {  	_ =	swait.ge [sflag:s1], $0x1400  }
0xc0: {  	[sflag:s1] =	ssyncset.done $0x0  }
0xc1: {  	[sflag:s1] =	ssyncadd.s32 $0xFFFFEC00  }
0xc2: {  	_ =	swait.ge [sflag:s24], $0x1400  }
0xc3: {  	[sflag:s24] =	ssyncset.done $0x0  }
0xc4: {  	s26 =	simm.s32 $0x18A68;
	[sflag:s24] =	ssyncadd.s32 $0xFFFFEC00  }
0xc5: {  	[spmem:s2] =	stream.indirect.scatter.add.f32 [tilespmem:s30], [sflag:$0x9], $0x80, s26, s20, $0xb8;
	[tilespmem:$0x1EF00] =	vst v63  }
0xc6: {  	_ =	swait.ge [sflag:s1], $0x1400  }
0xc7: {  	s3 =	sadd.s32 $0x1, s3;
	[sflag:s1] =	ssyncset.done $0x0  }
0xc8: {  	p0 =	sne.s32 s3, s11;
	[sflag:s1] =	ssyncadd.s32 $0xFFFFEC00  }
.Ltmp1:
0xc9: {  	s29 =	sor.u32 $0x1C09, s5;
	[bflag:$0x0] =	sbarrier.arrive $0xFFFF;
	(pc) =	sbr.rel @p0 .LBB2_1-.Ltmp1, $4  }
0xca: {  	[hbm:s10], [sflag:s29] =	dma.local [spmem:s12], $0x2780  }
0xcb: {  	_ =	swait.ge [sflag:s1], $0x2780  }
0xcc: {  	[sflag:s1] =	ssyncset.done $0x0  }
0xcd: {  	[sflag:s1] =	ssyncadd.s32 $0xFFFFD880  }
0xce: {  	_ =	sfence.sel $0x180000  }
0xcf: {  	[bflag:$0x0] =	sbarrier.arrive $0xFFFF  }
0xd0: {  	_ =	strace $0x9000004A  }
0xd1: {  	s0 =	stileid.u32;
	[bflag:$0x2] =	sbarrier.arrive $0xFFFF  }
0xd2: {  	p0 =	sne.s32 s0, $0x0;
	s0 =	rddreg [dreg:$0x3]  }
0xd3: {  	s0 =	sadd.s32 @!p0 $0x100000, s0  }
0xd4: {  	[sflag:s0] =	ssyncadd.tile.s32 @!p0 $0x1;
	_ =	shalt  }
.Lfunc_end2:
_tile_overlayer_lowered:
.L_overlay_start_2:
0xd5: {  	(tag) =	ssettag $0x2  }
0xd6: {  	s0 =	rddreg [dreg:$0x0];
	s2 =	stileid.u32  }
0xd7: {  	s1 =	rddreg [dreg:$0x1];
	p0 =	sne.s32 s2, $0x0  }
0xd8: {  	s3 =	rddreg [dreg:$0x2];
	[bflag:$0x3] =	sbarrier.arrive $0xFFFF;
	s2 =	simm.s32 @!p0 $0x1C09  }
0xd9: {  	[timem:s3], [sflag:s2] =	dma.local @!p0 [hbm:s0], s1  }
0xda: {  	s0 =	simm.s32 @!p0 $0x9  }
0xdb: {  	_ =	swait.ge @!p0 [sflag:s0], s1  }
0xdc: {  	s1 =	ssub.s32 @!p0 $0x0, s1;
	[sflag:s0] =	ssyncset.done @!p0 $0x0  }
0xdd: {  	[sflag:s0] =	ssyncadd.s32 @!p0 s1  }
0xde: {  	[bflag:$0x3] =	sbarrier.arrive $0xFFFF  }
0xdf: {  	_ =	shalt  }

// kernel: kernel.14.cloned.1.call-start
scs
__scs_entry_jumppad:
0x0: {  	(pc) =	sbr.rel $0x88, $3  }
0x1: {  	(tag) =	ssettag $0x0;
	lr =	simm.s32 $0x1  }
0x2: {  	[smem:$0x3F9B] =	sst lr;
	_ =	strace $0xD0000000  }
0x3: {  	_ = 	snop  }
0x4: {  	_ = 	snop  }
0x5: {  	_ = 	snop  }
0x6: {  	_ = 	snop  }
0x7: {  	_ = 	snop  }
__scs_overlays_trampoline_lowered:
0x8: {  	[smem:$0x3FAA] =	sst s0  }
0x9: {  	[smem:$0x3FAB] =	sst s1  }
0xa: {  	[smem:$0x3FAC] =	sst s2  }
0xb: {  	[smem:$0x3FAD] =	sst s3  }
0xc: {  	[smem:$0x3FAE] =	sst s4  }
0xd: {  	[smem:$0x3FAF] =	sst s5  }
0xe: {  	[smem:$0x3FB0] =	sst s6  }
0xf: {  	[smem:$0x3FB1] =	sst s7  }
0x10: {  	[smem:$0x3FB2] =	sst s8  }
0x11: {  	[smem:$0x3FB3] =	sst s9;
	s0 =	simm.s32 @!p0 $0x0  }
0x12: {  	s1 =	sld [smem:$0x3F99];
	s0 =	simm.s32 @p0 $0x1  }
0x13: {  	[smem:$0x3FB4] =	sst s0;
	s0 =	simm.s32 @!p1 $0x0  }
0x14: {  	s2 =	sld [smem:$0x3F98];
	s0 =	simm.s32 @p1 $0x1  }
0x15: {  	[smem:$0x3FB5] =	sst s0;
	s0 =	simm.s32 @!p2 $0x0  }
0x16: {  	s3 =	sld [smem:$0x3FDB];
	s0 =	simm.s32 @p2 $0x1  }
0x17: {  	s4 =	simm.s32 $0x1BF5;
	[smem:$0x3FB7] =	sst s0  }
0x18: {  	s0 =	sld [smem:$0x3F9A];
	_ =	swait.ge [sflag:s4], $0x0  }
0x19: {  	s7 =	sld [smem:$0x3F9B]  }
0x1a: {  	s8 =	sadd.s32 $0xFFFFE003, lr  }
0x1b: {  	s9 =	sadd.s32 $0xFFFFFEF7, lr;
	s5 =	simm.s32 $0xFFFFFFFF;
	p2 =	slt.u32 s8, $0xFFFFF086  }
0x1c: {  	p1 =	slt.u32 s9, $0xF7A;
	s5 =	simm.s32 @!p2 $0x0  }
0x1d: {  	s5 =	simm.s32 @p1 $0x1;
	p0 =	seq.s32 s7, s2  }
0x1e: {  	s7 =	smul.u32 @!p0 $0xF7A, s2;
	p2 =	seq.s32 @!p0 s5, $0x0  }
0x1f: {  	s9 =	smul.u32 $0xF7A, s1;
	s8 =	simm.s32 @!p0 $0x1BF5;
	p2 =	por !p2, p0  }
0x20: {  	[sflag:s8] =	ssyncset.s32 @!p0 $0xFFFFF086;
	s6 =	sadd.s32 @!p0 s3, s7;
	s7 =	simm.s32 @!p0 $0x108  }
0x21: {  	s3 =	sadd.s32 s3, s9;
	s6 =	sadd.s32 @!p0 $0x88, s6;
	s7 =	simm.s32 @p2 $0x1082  }
0x22: {  	[simem:s7], [sflag:s8] =	dma.local @!p0 [hbm:s6], $0xF7A  }
0x23: {  	s9 =	sor.u32 $0xD0000000, s2;
	s6 =	simm.s32 $0x108;
	_ =	swait.ge @!p0 [sflag:s8], $0x0  }
0x24: {  	s3 =	sadd.s32 $0x88, s3;
	s6 =	simm.s32 @!p1 $0x1082;
	[sflag:s4] =	ssyncset.s32 $0xFFFFF086  }
0x25: {  	[simem:s6], [sflag:s4] =	dma.local [hbm:s3], $0xF7A  }
0x26: {  	[smem:$0x3F9B] =	sst s1;
	(tag) =	ssettag s2;
	_ =	strace s9  }
0x27: {  	s1 =	sld [smem:$0x3FAB]  }
0x28: {  	s2 =	sld [smem:$0x3FAC]  }
0x29: {  	s4 =	sld [smem:$0x3FAE]  }
0x2a: {  	p0 =	seq.s32 s5, $0x0;
	s5 =	sld [smem:$0x3FAF]  }
0x2b: {  	s6 =	sld [smem:$0x3FB0]  }
0x2c: {  	s7 =	sld [smem:$0x3FB1]  }
0x2d: {  	s3 =	simm.s32 $0x108;
	s8 =	sld [smem:$0x3FB2]  }
0x2e: {  	s3 =	simm.s32 @!p0 $0x1082;
	s9 =	sld [smem:$0x3FB3]  }
0x2f: {  	lr =	sadd.s32 s0, s3;
	s0 =	sld [smem:$0x3FAA]  }
0x30: {  	s3 =	sld [smem:$0x3FAD]  }
0x31: {  	[smem:$0x3FB6] =	sst s10  }
0x32: {  	s10 =	sld [smem:$0x3FB4];
	_ =	sdelay $0x3  }
0x33: {  	p0 =	seq.s32 s10, $0x1;
	s10 =	sld [smem:$0x3FB6];
	_ =	sdelay $0x3  }
0x34: {  	[smem:$0x3FB6] =	sst s10  }
0x35: {  	s10 =	sld [smem:$0x3FB5];
	_ =	sdelay $0x3  }
0x36: {  	p1 =	seq.s32 s10, $0x1;
	s10 =	sld [smem:$0x3FB6];
	_ =	sdelay $0x3  }
0x37: {  	[smem:$0x3FB6] =	sst s10  }
0x38: {  	s10 =	sld [smem:$0x3FB7]  }
0x39: {  	_ = 	snop;
	(pc) =	sbr.ind lr, $3  }
0x3a: {  	_ = 	snop  }
0x3b: {  	_ = 	snop  }
0x3c: {  	p2 =	seq.s32 s10, $0x1;
	s10 =	sld [smem:$0x3FB6]  }
0x3d: {  	_ =	shalt  }
0x3e: {  	_ =	shalt  }
0x3f: {  	_ =	shalt  }
0x40: {  	_ =	shalt  }
0x41: {  	_ =	shalt  }
0x42: {  	_ =	shalt  }
0x43: {  	_ =	shalt  }
0x44: {  	_ =	shalt  }
0x45: {  	_ =	shalt  }
0x46: {  	_ =	shalt  }
0x47: {  	_ =	shalt  }
0x48: {  	_ =	shalt  }
0x49: {  	_ =	shalt  }
0x4a: {  	_ =	shalt  }
0x4b: {  	_ =	shalt  }
0x4c: {  	_ =	shalt  }
0x4d: {  	_ =	shalt  }
0x4e: {  	_ =	shalt  }
0x4f: {  	_ =	shalt  }
0x50: {  	_ =	shalt  }
0x51: {  	_ =	shalt  }
0x52: {  	_ =	shalt  }
0x53: {  	_ =	shalt  }
0x54: {  	_ =	shalt  }
0x55: {  	_ =	shalt  }
0x56: {  	_ =	shalt  }
0x57: {  	_ =	shalt  }
0x58: {  	_ =	shalt  }
0x59: {  	_ =	shalt  }
0x5a: {  	_ =	shalt  }
0x5b: {  	_ =	shalt  }
0x5c: {  	_ =	shalt  }
0x5d: {  	_ =	shalt  }
0x5e: {  	_ =	shalt  }
0x5f: {  	_ =	shalt  }
0x60: {  	_ =	shalt  }
0x61: {  	_ =	shalt  }
0x62: {  	_ =	shalt  }
0x63: {  	_ =	shalt  }
0x64: {  	_ =	shalt  }
0x65: {  	_ =	shalt  }
0x66: {  	_ =	shalt  }
0x67: {  	_ =	shalt  }
0x68: {  	_ =	shalt  }
0x69: {  	_ =	shalt  }
0x6a: {  	_ =	shalt  }
0x6b: {  	_ =	shalt  }
0x6c: {  	_ =	shalt  }
0x6d: {  	_ =	shalt  }
0x6e: {  	_ =	shalt  }
0x6f: {  	_ =	shalt  }
0x70: {  	_ =	shalt  }
0x71: {  	_ =	shalt  }
0x72: {  	_ =	shalt  }
0x73: {  	_ =	shalt  }
0x74: {  	_ =	shalt  }
0x75: {  	_ =	shalt  }
0x76: {  	_ =	shalt  }
0x77: {  	_ =	shalt  }
0x78: {  	_ =	shalt  }
0x79: {  	_ =	shalt  }
0x7a: {  	_ =	shalt  }
0x7b: {  	_ =	shalt  }
0x7c: {  	_ =	shalt  }
0x7d: {  	_ =	shalt  }
0x7e: {  	_ =	shalt  }
0x7f: {  	_ =	shalt  }
0x80: {  	_ =	shalt  }
0x81: {  	_ =	shalt  }
0x82: {  	_ =	shalt  }
0x83: {  	_ =	shalt  }
0x84: {  	_ =	shalt  }
0x85: {  	_ =	shalt  }
0x86: {  	_ =	shalt  }
0x87: {  	_ =	shalt  }
.Lfunc_end0:
.L_simem_size_0:
called_computation.2_lowered:
.L_overlay_start_0:
0x88: {  	s2 =	sld [smem:$0x3FD9]  }
0x89: {  	s3 =	sld [smem:$0x3FFE];
	_ =	sdelay $0x1  }
0x8a: {  	s1 =	srdreg.scid  }
0x8b: {  	s0 =	sand.u32 $0x1, s1  }
0x8c: {  	s17 =	sshll.u32 s0, $0xA;
	s2 =	sadd.s32 s3, s2  }
0x8d: {  	s2 =	sadd.s32 s2, s17  }
0x8e: {  	[smem:$0x3FC2] =	sst s2  }
0x8f: {  	_ = 	snop  }
0x90: {  	s2 =	sld [smem:$0x3FD0];
	(tm) =	ssettm $0x1  }
0x91: {  	s18 =	sld [smem:$0x3FFB];
	_ =	sdelay $0x3  }
0x92: {  	_ =	strace s18  }
0x93: {  	s3 =	sld [smem:$0x3FFC];
	_ =	sdelay $0x3  }
0x94: {  	_ =	strace s3  }
0x95: {  	s3 =	sld [smem:$0x3FFD];
	_ =	sdelay $0x3  }
0x96: {  	_ =	strace s3  }
0x97: {  	_ =	strace $0x8FFFFFFF  }
0x98: {  	s19 =	sld [smem:$0x3FDB];
	_ =	sdelay $0x1  }
0x99: {  	s4 =	simm.s32 $_scs_section_size  }
0x9a: {  	s5 =	simm.s32 $_size__tile_overlayer_lowered;
	s6 =	simm.s32 $_tile_overlayer_lowered  }
0x9b: {  	s22 =	simm.s32 $0x1BFF;
	s21 =	sshll.u32 s6, $0x1;
	s3 =	sadd.s32 s4, s19  }
0x9c: {  	s7 =	simm.s32 $0x0;
	s20 =	sshll.u32 s5, $0x1;
	s5 =	sadd.s32 s21, s3  }
0x9d: {  	[timem:s7], [sflag:s22] =	dma.local [hbm:s5], s20  }
0x9e: {  	_ =	swait.ge [sflag:s22], s20  }
0x9f: {  	s4 =	ssub.s32 $0x0, s20;
	[sflag:s22] =	ssyncset.done $0x0  }
0xa0: {  	[sflag:s22] =	ssyncadd.s32 s4;
	_ =	sdelay $0x1  }
0xa1: {  	s23 =	simm.s32 $0x1B8B  }
0xa2: {  	_ =	swait.ge [sflag:s23], $0x1  }
0xa3: {  	[sflag:s23] =	ssyncset.done $0x0  }
0xa4: {  	s25 =	simm.s32 $0x1B8E;
	s24 =	sld [smem:$0x3FFE];
	[sflag:s23] =	ssyncadd.s32 $0xFFFFFFFF  }
0xa5: {  	s26 =	simm.s32 $execute0_lowered;
	[smem:$0x3FD2] =	sst s25  }
0xa6: {  	s5 =	sshll.u32 s26, $0x1;
	_ =	strace $0x8000004C;
	[dreg:$0x1] =	wrdreg $0xFFFFFFFF  }
0xa7: {  	s28 =	simm.s32 $_size_execute0_lowered;
	s3 =	sadd.s32 s3, s5;
	[dreg:$0x0] =	wrdreg $0x0  }
0xa8: {  	s5 =	sshll.u32 s28, $0x1;
	[dreg:$0x2] =	wrdreg s3  }
0xa9: {  	[dreg:$0x3] =	wrdreg s5  }
0xaa: {  	[dreg:$0x4] =	wrdreg $0xC0  }
0xab: {  	_ =	task [dreg:s7], $0x5FFFF  }
0xac: {  	[dreg:$0x1] =	wrdreg $0xFFFFFFFF  }
0xad: {  	[dreg:$0x0] =	wrdreg $0x60  }
0xae: {  	[dreg:$0x2] =	wrdreg s2  }
0xaf: {  	[dreg:$0x3] =	wrdreg s24  }
0xb0: {  	[dreg:$0x4] =	wrdreg $0x0  }
0xb1: {  	[dreg:$0x5] =	wrdreg $0x9  }
0xb2: {  	_ =	task.clear_ibuf [dreg:s7], $0x6FFFF;
	_ =	strace $0x9000004C  }
0xb3: {  	s29 =	simm.s32 $0x9;
	_ =	strace $0x8000004E  }
0xb4: {  	_ =	swait.ge [sflag:s29], $0x1  }
0xb5: {  	[sflag:s29] =	ssyncadd.s32 $0xFFFFFFFF  }
0xb6: {  	_ =	strace $0x9000004E  }
0xb7: {  	_ =	sfence  }
0xb8: {  	s30 =	sld [smem:$0x0];
	_ =	sdelay $0x2  }
0xb9: {  	s31 =	sshll.u32 s1, $0xD;
	s1 =	sshrl.u32 s1, $0x2  }
0xba: {  	s3 =	sand.u32 $0x4000, s31;
	s1 =	sadd.s32 s1, s30  }
0xbb: {  	s0 =	sor.u32 s3, s0;
	s1 =	sshll.u32 s1, $0x11  }
0xbc: {  	s0 =	sor.u32 s1, s0  }
0xbd: {  	s0 =	sadd.s32 $0x8F2B, s0  }
0xbe: {  	[sflag:s0] =	ssyncadd.remote.s32 $0x1  }
0xbf: {  	_ =	sfence.sel $0xFFFF  }
0xc0: {  	[dreg:$0x0] =	wrdreg $0xFFFFFFFF;
	(pc) =	sbr.abs _section_cstart, $3  }
0xc1: {  	[dreg:$0x1] =	wrdreg $0xFFFFFFFF  }
0xc2: {  	_ =	task.clear_ibuf [dreg:s7], $0x2FFFF;
	_ =	strace $0x9FFFFFFF  }
0xc3: {  	(tm) =	ssettm $0x7FFFFFFF  }
tec
execute0_lowered:
.L_overlay_start_1:
0x0: {  	(tag) =	ssettag $0x1  }
0x1: {  	s0 =	rddreg [dreg:$0x0]  }
0x2: {  	s1 =	rddreg [dreg:$0x1];
	s13 =	stileid.u32  }
0x3: {  	s2 =	rddreg [dreg:$0x2];
	s5 =	srdreg.scid  }
0x4: {  	s14 =	simm.s32 $0x400;
	s15 =	simm.s32 $0x13C00;
	s17 =	simm.s32 $0x1  }
0x5: {  	s18 =	simm.s32 $0x2;
	s19 =	simm.s32 $0x3;
	s20 =	simm.s32 $0x28  }
0x6: {  	s21 =	simm.s32 $0x18B00;
	s28 =	simm.s32 $0x1C700;
	s30 =	simm.s32 $0x1DB00  }
0x7: {  	s31 =	simm.s32 $0x4;
	s16 =	simm.s32 $0x6;
	s23 =	smul.u32 $0x13C00, s13  }
0x8: {  	s3 =	sshrl.u32 s13, $0x3;
	s22 =	sshll.u32 s13, $0x7;
	s9 =	smul.u32 $0x4F000, s13  }
0x9: {  	s7 =	sand.u32 $0x1, s5;
	s25 =	sadd.s32 $0x1800, s1;
	s4 =	smul.u32 $0x13C00, s3  }
0xa: {  	s6 =	sand.u32 $0x380, s22;
	s3 =	simm.s32 $0x0;
	s5 =	smul.u32 $0x13C000, s7  }
0xb: {  	s24 =	ssub.s32 $0x2, s7;
	s29 =	smul.u32 $0x27100, s7;
	s22 =	simm.s32 $0x7  }
0xc: {  	[smem:$0x7FF] =	sst s3;
	s10 =	sshrl.u32 s24, $0x1;
	s26 =	sshrl.u32 s9, $0x2  }
0xd: {  	s4 =	sor.u32 s6, s4;
	_ =	strace $0x8000004D;
	s5 =	sadd.s32 s23, s5  }
0xe: {  	[dreg:$0x4] =	wrdreg s25;
	s11 =	ssub.s32 s24, s10;
	s12 =	sadd.s32 s26, s2  }
0xf: {  	s9 =	sadd.s32 s0, s29;
	s23 =	simm.s32 $0x19F00;
	s25 =	simm.s32 $0x1B300  }
0x10: {  	s0 =	simm.s32 $0x5;
	s24 =	simm.s32 $0x8;
	s4 =	sshrl.u32 s4, $0x3  }
0x11: {  	s5 =	sshrl.u32 s5, $0x3;
	s11 =	smax.u32 s11, $0x1;
	s12 =	sshrl.u32 s12, $0x3  }
0x12: {  	s8 =	sadd.s32 s4, s1;
	s1 =	sadd.s32 s5, s1;
	s5 =	sshll.u32 s13, $0x6  }
0x13: {  	s13 =	simm.s32 $0x80;
	s6 =	sor.u32 $0x1C01, s5;
	s7 =	sadd.s32 $0x58000, s8  }
0x14: {  	s8 =	sadd.s32 $0x53000, s8;
	s10 =	sadd.s32 $0x4000, s1;
	s1 =	simm.s32 $0x9  }
.LBB2_1:
0x15: {  	s4 =	rddreg [dreg:$0x4]  }
0x16: {  	[spmem:s12], [sflag:s6] =	dma.local [hbm:s4], $0x2780  }
0x17: {  	[tilespmem:s15], [sflag:$0x2] =	stream.strided.gather [hbm4b:s7+s13], $0x2780, s14, s13, $0x38;
	[tilespmem:$0x1EF00] =	vst v63  }
0x18: {  	s26 =	simm.s32 $0x16380  }
0x19: {  	[tilespmem:s26], [sflag:$0x3] =	stream.strided.gather [hbm4b:s8+s13], $0x2780, s14, s13, $0x38;
	[tilespmem:$0x1EF00] =	vst v63  }
0x1a: {  	_ =	swait.ge [sflag:s17], $0x2780  }
0x1b: {  	[sflag:s17] =	ssyncset.done $0x0  }
0x1c: {  	[sflag:s17] =	ssyncadd.s32 $0xFFFFD880  }
0x1d: {  	_ =	swait.ge [sflag:s18], $0x2780  }
0x1e: {  	[sflag:s18] =	ssyncset.done $0x0  }
0x1f: {  	[sflag:s18] =	ssyncadd.s32 $0xFFFFD880  }
0x20: {  	_ =	swait.ge [sflag:s19], $0x2780  }
0x21: {  	[sflag:s19] =	ssyncset.done $0x0  }
0x22: {  	[sflag:s19] =	ssyncadd.s32 $0xFFFFD880  }
0x23: {  	[bflag:$0x0] =	sbarrier.arrive $0xFFFF  }
0x24: {  	[tilespmem:s21], [sflag:$0x4] =	stream.indirect.gather [hbm4b:s9+s20], $0x80, s15, s20, $0xb8;
	[tilespmem:$0x1EF00] =	vst v63  }
0x25: {  	s26 =	simm.s32 $0x13C28  }
0x26: {  	[tilespmem:s23], [sflag:$0x5] =	stream.indirect.gather [hbm4b:s9+s20], $0x80, s26, s20, $0xb8;
	[tilespmem:$0x1EF00] =	vst v63  }
0x27: {  	s26 =	simm.s32 $0x13C50  }
0x28: {  	[tilespmem:s25], [sflag:$0x6] =	stream.indirect.gather [hbm4b:s9+s20], $0x80, s26, s20, $0xb8;
	[tilespmem:$0x1EF00] =	vst v63  }
0x29: {  	s26 =	simm.s32 $0x13C78  }
0x2a: {  	[tilespmem:s28], [sflag:$0x7] =	stream.indirect.gather [hbm4b:s9+s20], $0x80, s26, s20, $0xb8;
	[tilespmem:$0x1EF00] =	vst v63  }
0x2b: {  	s26 =	simm.s32 $0x13CA0  }
0x2c: {  	[tilespmem:s30], [sflag:$0x8] =	stream.indirect.gather [hbm4b:s9+s20], $0x80, s26, s20, $0xb8;
	[tilespmem:$0x1EF00] =	vst v63  }
0x2d: {  	_ =	swait.ge [sflag:s31], $0x1400  }
0x2e: {  	[sflag:s31] =	ssyncset.done $0x0  }
0x2f: {  	s26 =	simm.s32 $0x16380;
	[sflag:s31] =	ssyncadd.s32 $0xFFFFEC00  }
0x30: {  	[spmem:s2] =	stream.indirect.scatter.add.f32 [tilespmem:s21], [sflag:$0x9], $0x80, s26, s20, $0xb8;
	[tilespmem:$0x1EF00] =	vst v63  }
0x31: {  	_ =	swait.ge [sflag:s1], $0x1400  }
0x32: {  	[sflag:s1] =	ssyncset.done $0x0  }
0x33: {  	s4 =	simm.s32 $0x13CC8;
	[sflag:s1] =	ssyncadd.s32 $0xFFFFEC00  }
0x34: {  	[tilespmem:s21], [sflag:$0x4] =	stream.indirect.gather [hbm4b:s9+s20], $0x80, s4, s20, $0xb8;
	[tilespmem:$0x1EF00] =	vst v63  }
0x35: {  	_ =	swait.ge [sflag:s0], $0x1400  }
0x36: {  	[sflag:s0] =	ssyncset.done $0x0  }
0x37: {  	s4 =	simm.s32 $0x163A8;
	[sflag:s0] =	ssyncadd.s32 $0xFFFFEC00  }
0x38: {  	[spmem:s2] =	stream.indirect.scatter.add.f32 [tilespmem:s23], [sflag:$0x9], $0x80, s4, s20, $0xb8;
	[tilespmem:$0x1EF00] =	vst v63  }
0x39: {  	_ =	swait.ge [sflag:s1], $0x1400  }
0x3a: {  	[sflag:s1] =	ssyncset.done $0x0  }
0x3b: {  	s4 =	simm.s32 $0x13CF0;
	[sflag:s1] =	ssyncadd.s32 $0xFFFFEC00  }
0x3c: {  	[tilespmem:s23], [sflag:$0x5] =	stream.indirect.gather [hbm4b:s9+s20], $0x80, s4, s20, $0xb8;
	[tilespmem:$0x1EF00] =	vst v63  }
0x3d: {  	_ =	swait.ge [sflag:s16], $0x1400  }
0x3e: {  	[sflag:s16] =	ssyncset.done $0x0  }
0x3f: {  	s4 =	simm.s32 $0x163D0;
	[sflag:s16] =	ssyncadd.s32 $0xFFFFEC00  }
0x40: {  	[spmem:s2] =	stream.indirect.scatter.add.f32 [tilespmem:s25], [sflag:$0x9], $0x80, s4, s20, $0xb8;
	[tilespmem:$0x1EF00] =	vst v63  }
0x41: {  	_ =	swait.ge [sflag:s1], $0x1400  }
0x42: {  	[sflag:s1] =	ssyncset.done $0x0  }
0x43: {  	s4 =	simm.s32 $0x13D18;
	[sflag:s1] =	ssyncadd.s32 $0xFFFFEC00  }
0x44: {  	[tilespmem:s25], [sflag:$0x6] =	stream.indirect.gather [hbm4b:s9+s20], $0x80, s4, s20, $0xb8;
	[tilespmem:$0x1EF00] =	vst v63  }
0x45: {  	_ =	swait.ge [sflag:s22], $0x1400  }
0x46: {  	[sflag:s22] =	ssyncset.done $0x0  }
0x47: {  	s4 =	simm.s32 $0x163F8;
	[sflag:s22] =	ssyncadd.s32 $0xFFFFEC00  }
0x48: {  	[spmem:s2] =	stream.indirect.scatter.add.f32 [tilespmem:s28], [sflag:$0x9], $0x80, s4, s20, $0xb8;
	[tilespmem:$0x1EF00] =	vst v63  }
0x49: {  	_ =	swait.ge [sflag:s1], $0x1400  }
0x4a: {  	[sflag:s1] =	ssyncset.done $0x0  }
0x4b: {  	s4 =	simm.s32 $0x13D40;
	[sflag:s1] =	ssyncadd.s32 $0xFFFFEC00  }
0x4c: {  	[tilespmem:s28], [sflag:$0x7] =	stream.indirect.gather [hbm4b:s9+s20], $0x80, s4, s20, $0xb8;
	[tilespmem:$0x1EF00] =	vst v63  }
0x4d: {  	_ =	swait.ge [sflag:s24], $0x1400  }
0x4e: {  	[sflag:s24] =	ssyncset.done $0x0  }
0x4f: {  	s4 =	simm.s32 $0x16420;
	[sflag:s24] =	ssyncadd.s32 $0xFFFFEC00  }
0x50: {  	[spmem:s2] =	stream.indirect.scatter.add.f32 [tilespmem:s30], [sflag:$0x9], $0x80, s4, s20, $0xb8;
	[tilespmem:$0x1EF00] =	vst v63  }
0x51: {  	_ =	swait.ge [sflag:s1], $0x1400  }
0x52: {  	[sflag:s1] =	ssyncset.done $0x0  }
0x53: {  	s29 =	simm.s32 $0x320;
	s26 =	simm.s32 $0x13D68;
	[sflag:s1] =	ssyncadd.s32 $0xFFFFEC00  }
.LBB2_2:
0x54: {  	[tilespmem:s30], [sflag:$0x8] =	stream.indirect.gather [hbm4b:s9+s20], $0x80, s26, s20, $0xb8;
	[tilespmem:$0x1EF00] =	vst v63  }
0x55: {  	s26 =	smov.u32 s29  }
0x56: {  	p0 =	sne.s32 s29, $0x92E0;
	s29 =	sadd.s32 $0x320, s29;
	_ =	swait.ge [sflag:s31], $0x1400  }
0x57: {  	s26 =	sshra.s32 s26, $0x2;
	[sflag:s31] =	ssyncset.done $0x0  }
0x58: {  	s4 =	sadd.s32 $0x16380, s26;
	[sflag:s31] =	ssyncadd.s32 $0xFFFFEC00  }
0x59: {  	[spmem:s2] =	stream.indirect.scatter.add.f32 [tilespmem:s21], [sflag:$0x9], $0x80, s4, s20, $0xb8;
	[tilespmem:$0x1EF00] =	vst v63  }
0x5a: {  	_ =	swait.ge [sflag:s1], $0x1400  }
0x5b: {  	[sflag:s1] =	ssyncset.done $0x0  }
0x5c: {  	s4 =	sadd.s32 $0x13CC8, s26;
	[sflag:s1] =	ssyncadd.s32 $0xFFFFEC00  }
0x5d: {  	[tilespmem:s21], [sflag:$0x4] =	stream.indirect.gather [hbm4b:s9+s20], $0x80, s4, s20, $0xb8;
	[tilespmem:$0x1EF00] =	vst v63  }
0x5e: {  	_ =	swait.ge [sflag:s0], $0x1400  }
0x5f: {  	[sflag:s0] =	ssyncset.done $0x0  }
0x60: {  	s4 =	sadd.s32 $0x163A8, s26;
	[sflag:s0] =	ssyncadd.s32 $0xFFFFEC00  }
0x61: {  	[spmem:s2] =	stream.indirect.scatter.add.f32 [tilespmem:s23], [sflag:$0x9], $0x80, s4, s20, $0xb8;
	[tilespmem:$0x1EF00] =	vst v63  }
0x62: {  	_ =	swait.ge [sflag:s1], $0x1400  }
0x63: {  	[sflag:s1] =	ssyncset.done $0x0  }
0x64: {  	s4 =	sadd.s32 $0x13CF0, s26;
	[sflag:s1] =	ssyncadd.s32 $0xFFFFEC00  }
0x65: {  	[tilespmem:s23], [sflag:$0x5] =	stream.indirect.gather [hbm4b:s9+s20], $0x80, s4, s20, $0xb8;
	[tilespmem:$0x1EF00] =	vst v63  }
0x66: {  	_ =	swait.ge [sflag:s16], $0x1400  }
0x67: {  	[sflag:s16] =	ssyncset.done $0x0  }
0x68: {  	s4 =	sadd.s32 $0x163D0, s26;
	[sflag:s16] =	ssyncadd.s32 $0xFFFFEC00  }
0x69: {  	[spmem:s2] =	stream.indirect.scatter.add.f32 [tilespmem:s25], [sflag:$0x9], $0x80, s4, s20, $0xb8;
	[tilespmem:$0x1EF00] =	vst v63  }
0x6a: {  	_ =	swait.ge [sflag:s1], $0x1400  }
0x6b: {  	[sflag:s1] =	ssyncset.done $0x0  }
0x6c: {  	s4 =	sadd.s32 $0x13D18, s26;
	[sflag:s1] =	ssyncadd.s32 $0xFFFFEC00  }
0x6d: {  	[tilespmem:s25], [sflag:$0x6] =	stream.indirect.gather [hbm4b:s9+s20], $0x80, s4, s20, $0xb8;
	[tilespmem:$0x1EF00] =	vst v63  }
0x6e: {  	_ =	swait.ge [sflag:s22], $0x1400  }
0x6f: {  	[sflag:s22] =	ssyncset.done $0x0  }
0x70: {  	s4 =	sadd.s32 $0x163F8, s26;
	[sflag:s22] =	ssyncadd.s32 $0xFFFFEC00  }
0x71: {  	[spmem:s2] =	stream.indirect.scatter.add.f32 [tilespmem:s28], [sflag:$0x9], $0x80, s4, s20, $0xb8;
	[tilespmem:$0x1EF00] =	vst v63  }
0x72: {  	_ =	swait.ge [sflag:s1], $0x1400  }
0x73: {  	[sflag:s1] =	ssyncset.done $0x0  }
0x74: {  	s4 =	sadd.s32 $0x13D40, s26;
	[sflag:s1] =	ssyncadd.s32 $0xFFFFEC00  }
0x75: {  	[tilespmem:s28], [sflag:$0x7] =	stream.indirect.gather [hbm4b:s9+s20], $0x80, s4, s20, $0xb8;
	[tilespmem:$0x1EF00] =	vst v63  }
0x76: {  	_ =	swait.ge [sflag:s24], $0x1400  }
0x77: {  	[sflag:s24] =	ssyncset.done $0x0  }
.Ltmp0:
0x78: {  	s4 =	sadd.s32 $0x16420, s26;
	[sflag:s24] =	ssyncadd.s32 $0xFFFFEC00;
	(pc) =	sbr.rel @p0 .LBB2_2-.Ltmp0, $4  }
0x79: {  	[spmem:s2] =	stream.indirect.scatter.add.f32 [tilespmem:s30], [sflag:$0x9], $0x80, s4, s20, $0xb8;
	[tilespmem:$0x1EF00] =	vst v63  }
0x7a: {  	_ =	swait.ge [sflag:s1], $0x1400  }
0x7b: {  	[sflag:s1] =	ssyncset.done $0x0  }
0x7c: {  	s26 =	sadd.s32 $0x13D68, s26;
	[sflag:s1] =	ssyncadd.s32 $0xFFFFEC00  }
0x7d: {  	[tilespmem:s30], [sflag:$0x8] =	stream.indirect.gather [hbm4b:s9+s20], $0x80, s26, s20, $0xb8;
	[tilespmem:$0x1EF00] =	vst v63  }
0x7e: {  	_ =	swait.ge [sflag:s31], $0x1400  }
0x7f: {  	[sflag:s31] =	ssyncset.done $0x0  }
0x80: {  	s4 =	simm.s32 $0x18900;
	[sflag:s31] =	ssyncadd.s32 $0xFFFFEC00  }
0x81: {  	[spmem:s2] =	stream.indirect.scatter.add.f32 [tilespmem:s21], [sflag:$0x9], $0x80, s4, s20, $0xb8;
	[tilespmem:$0x1EF00] =	vst v63  }
0x82: {  	_ =	swait.ge [sflag:s1], $0x1400  }
0x83: {  	[sflag:s1] =	ssyncset.done $0x0  }
0x84: {  	s29 =	simm.s32 $0x16248;
	[sflag:s1] =	ssyncadd.s32 $0xFFFFEC00  }
0x85: {  	[tilespmem:s21], [sflag:$0x4] =	stream.indirect.gather [hbm4b:s9+s20], $0x80, s29, s20, $0xb8;
	[tilespmem:$0x1EF00] =	vst v63  }
0x86: {  	_ =	swait.ge [sflag:s0], $0x1400  }
0x87: {  	[sflag:s0] =	ssyncset.done $0x0  }
0x88: {  	s26 =	simm.s32 $0x18928;
	[sflag:s0] =	ssyncadd.s32 $0xFFFFEC00  }
0x89: {  	[spmem:s2] =	stream.indirect.scatter.add.f32 [tilespmem:s23], [sflag:$0x9], $0x80, s26, s20, $0xb8;
	[tilespmem:$0x1EF00] =	vst v63  }
0x8a: {  	_ =	swait.ge [sflag:s1], $0x1400  }
0x8b: {  	[sflag:s1] =	ssyncset.done $0x0  }
0x8c: {  	s29 =	simm.s32 $0x16270;
	[sflag:s1] =	ssyncadd.s32 $0xFFFFEC00  }
0x8d: {  	[tilespmem:s23], [sflag:$0x5] =	stream.indirect.gather [hbm4b:s9+s20], $0x80, s29, s20, $0xb8;
	[tilespmem:$0x1EF00] =	vst v63  }
0x8e: {  	_ =	swait.ge [sflag:s16], $0x1400  }
0x8f: {  	[sflag:s16] =	ssyncset.done $0x0  }
0x90: {  	s26 =	simm.s32 $0x18950;
	[sflag:s16] =	ssyncadd.s32 $0xFFFFEC00  }
0x91: {  	[spmem:s2] =	stream.indirect.scatter.add.f32 [tilespmem:s25], [sflag:$0x9], $0x80, s26, s20, $0xb8;
	[tilespmem:$0x1EF00] =	vst v63  }
0x92: {  	_ =	swait.ge [sflag:s1], $0x1400  }
0x93: {  	[sflag:s1] =	ssyncset.done $0x0  }
0x94: {  	s29 =	simm.s32 $0x16298;
	[sflag:s1] =	ssyncadd.s32 $0xFFFFEC00  }
0x95: {  	[tilespmem:s25], [sflag:$0x6] =	stream.indirect.gather [hbm4b:s9+s20], $0x80, s29, s20, $0xb8;
	[tilespmem:$0x1EF00] =	vst v63  }
0x96: {  	_ =	swait.ge [sflag:s22], $0x1400  }
0x97: {  	[sflag:s22] =	ssyncset.done $0x0  }
0x98: {  	s26 =	simm.s32 $0x18978;
	[sflag:s22] =	ssyncadd.s32 $0xFFFFEC00  }
0x99: {  	[spmem:s2] =	stream.indirect.scatter.add.f32 [tilespmem:s28], [sflag:$0x9], $0x80, s26, s20, $0xb8;
	[tilespmem:$0x1EF00] =	vst v63  }
0x9a: {  	_ =	swait.ge [sflag:s1], $0x1400  }
0x9b: {  	[sflag:s1] =	ssyncset.done $0x0  }
0x9c: {  	s29 =	simm.s32 $0x162C0;
	[sflag:s1] =	ssyncadd.s32 $0xFFFFEC00  }
0x9d: {  	[tilespmem:s28], [sflag:$0x7] =	stream.indirect.gather [hbm4b:s9+s20], $0x80, s29, s20, $0xb8;
	[tilespmem:$0x1EF00] =	vst v63  }
0x9e: {  	_ =	swait.ge [sflag:s24], $0x1400  }
0x9f: {  	[sflag:s24] =	ssyncset.done $0x0  }
0xa0: {  	s26 =	simm.s32 $0x189A0;
	[sflag:s24] =	ssyncadd.s32 $0xFFFFEC00  }
0xa1: {  	[spmem:s2] =	stream.indirect.scatter.add.f32 [tilespmem:s30], [sflag:$0x9], $0x80, s26, s20, $0xb8;
	[tilespmem:$0x1EF00] =	vst v63  }
0xa2: {  	_ =	swait.ge [sflag:s1], $0x1400  }
0xa3: {  	[sflag:s1] =	ssyncset.done $0x0  }
0xa4: {  	s29 =	simm.s32 $0x162E8;
	[sflag:s1] =	ssyncadd.s32 $0xFFFFEC00  }
0xa5: {  	[tilespmem:s30], [sflag:$0x8] =	stream.indirect.gather [hbm4b:s9+s20], $0x80, s29, s20, $0xb8;
	[tilespmem:$0x1EF00] =	vst v63  }
0xa6: {  	_ =	swait.ge [sflag:s31], $0x1400  }
0xa7: {  	[sflag:s31] =	ssyncset.done $0x0  }
0xa8: {  	s26 =	simm.s32 $0x189C8;
	[sflag:s31] =	ssyncadd.s32 $0xFFFFEC00  }
0xa9: {  	[spmem:s2] =	stream.indirect.scatter.add.f32 [tilespmem:s21], [sflag:$0x9], $0x80, s26, s20, $0xb8;
	[tilespmem:$0x1EF00] =	vst v63  }
0xaa: {  	_ =	swait.ge [sflag:s1], $0x1400  }
0xab: {  	[sflag:s1] =	ssyncset.done $0x0  }
0xac: {  	[sflag:s1] =	ssyncadd.s32 $0xFFFFEC00  }
0xad: {  	_ =	swait.ge [sflag:s0], $0x1400  }
0xae: {  	[sflag:s0] =	ssyncset.done $0x0  }
0xaf: {  	s29 =	simm.s32 $0x189F0;
	[sflag:s0] =	ssyncadd.s32 $0xFFFFEC00  }
0xb0: {  	[spmem:s2] =	stream.indirect.scatter.add.f32 [tilespmem:s23], [sflag:$0x9], $0x80, s29, s20, $0xb8;
	[tilespmem:$0x1EF00] =	vst v63  }
0xb1: {  	_ =	swait.ge [sflag:s1], $0x1400  }
0xb2: {  	[sflag:s1] =	ssyncset.done $0x0  }
0xb3: {  	[sflag:s1] =	ssyncadd.s32 $0xFFFFEC00  }
0xb4: {  	_ =	swait.ge [sflag:s16], $0x1400  }
0xb5: {  	[sflag:s16] =	ssyncset.done $0x0  }
0xb6: {  	s26 =	simm.s32 $0x18A18;
	[sflag:s16] =	ssyncadd.s32 $0xFFFFEC00  }
0xb7: {  	[spmem:s2] =	stream.indirect.scatter.add.f32 [tilespmem:s25], [sflag:$0x9], $0x80, s26, s20, $0xb8;
	[tilespmem:$0x1EF00] =	vst v63  }
0xb8: {  	_ =	swait.ge [sflag:s1], $0x1400  }
0xb9: {  	[sflag:s1] =	ssyncset.done $0x0  }
0xba: {  	[sflag:s1] =	ssyncadd.s32 $0xFFFFEC00  }
0xbb: {  	_ =	swait.ge [sflag:s22], $0x1400  }
0xbc: {  	[sflag:s22] =	ssyncset.done $0x0  }
0xbd: {  	s29 =	simm.s32 $0x18A40;
	[sflag:s22] =	ssyncadd.s32 $0xFFFFEC00  }
0xbe: {  	[spmem:s2] =	stream.indirect.scatter.add.f32 [tilespmem:s28], [sflag:$0x9], $0x80, s29, s20, $0xb8;
	[tilespmem:$0x1EF00] =	vst v63  }
0xbf: {  	_ =	swait.ge [sflag:s1], $0x1400  }
0xc0: {  	[sflag:s1] =	ssyncset.done $0x0  }
0xc1: {  	[sflag:s1] =	ssyncadd.s32 $0xFFFFEC00  }
0xc2: {  	_ =	swait.ge [sflag:s24], $0x1400  }
0xc3: {  	[sflag:s24] =	ssyncset.done $0x0  }
0xc4: {  	s26 =	simm.s32 $0x18A68;
	[sflag:s24] =	ssyncadd.s32 $0xFFFFEC00  }
0xc5: {  	[spmem:s2] =	stream.indirect.scatter.add.f32 [tilespmem:s30], [sflag:$0x9], $0x80, s26, s20, $0xb8;
	[tilespmem:$0x1EF00] =	vst v63  }
0xc6: {  	_ =	swait.ge [sflag:s1], $0x1400  }
0xc7: {  	s3 =	sadd.s32 $0x1, s3;
	[sflag:s1] =	ssyncset.done $0x0  }
0xc8: {  	p0 =	sne.s32 s3, s11;
	[sflag:s1] =	ssyncadd.s32 $0xFFFFEC00  }
.Ltmp1:
0xc9: {  	s29 =	sor.u32 $0x1C09, s5;
	[bflag:$0x0] =	sbarrier.arrive $0xFFFF;
	(pc) =	sbr.rel @p0 .LBB2_1-.Ltmp1, $4  }
0xca: {  	[hbm:s10], [sflag:s29] =	dma.local [spmem:s12], $0x2780  }
0xcb: {  	_ =	swait.ge [sflag:s1], $0x2780  }
0xcc: {  	[sflag:s1] =	ssyncset.done $0x0  }
0xcd: {  	[sflag:s1] =	ssyncadd.s32 $0xFFFFD880  }
0xce: {  	_ =	sfence.sel $0x180000  }
0xcf: {  	[bflag:$0x0] =	sbarrier.arrive $0xFFFF  }
0xd0: {  	_ =	strace $0x9000004D  }
0xd1: {  	s0 =	stileid.u32;
	[bflag:$0x2] =	sbarrier.arrive $0xFFFF  }
0xd2: {  	p0 =	sne.s32 s0, $0x0;
	s0 =	rddreg [dreg:$0x3]  }
0xd3: {  	s0 =	sadd.s32 @!p0 $0x100000, s0  }
0xd4: {  	[sflag:s0] =	ssyncadd.tile.s32 @!p0 $0x1;
	_ =	shalt  }
.Lfunc_end2:
_tile_overlayer_lowered:
.L_overlay_start_2:
0xd5: {  	(tag) =	ssettag $0x2  }
0xd6: {  	s0 =	rddreg [dreg:$0x0];
	s2 =	stileid.u32  }
0xd7: {  	s1 =	rddreg [dreg:$0x1];
	p0 =	sne.s32 s2, $0x0  }
0xd8: {  	s3 =	rddreg [dreg:$0x2];
	[bflag:$0x3] =	sbarrier.arrive $0xFFFF;
	s2 =	simm.s32 @!p0 $0x1C09  }
0xd9: {  	[timem:s3], [sflag:s2] =	dma.local @!p0 [hbm:s0], s1  }
0xda: {  	s0 =	simm.s32 @!p0 $0x9  }
0xdb: {  	_ =	swait.ge @!p0 [sflag:s0], s1  }
0xdc: {  	s1 =	ssub.s32 @!p0 $0x0, s1;
	[sflag:s0] =	ssyncset.done @!p0 $0x0  }
0xdd: {  	[sflag:s0] =	ssyncadd.s32 @!p0 s1  }
0xde: {  	[bflag:$0x3] =	sbarrier.arrive $0xFFFF  }
0xdf: {  	_ =	shalt  }

// kernel: kernel.8.cloned.1.call-start
scs
__scs_entry_jumppad:
0x0: {  	(pc) =	sbr.rel $0x88, $3  }
0x1: {  	(tag) =	ssettag $0x0;
	lr =	simm.s32 $0x1  }
0x2: {  	[smem:$0x3F9B] =	sst lr;
	_ =	strace $0xD0000000  }
0x3: {  	_ = 	snop  }
0x4: {  	_ = 	snop  }
0x5: {  	_ = 	snop  }
0x6: {  	_ = 	snop  }
0x7: {  	_ = 	snop  }
__scs_overlays_trampoline_lowered:
0x8: {  	[smem:$0x3FAA] =	sst s0  }
0x9: {  	[smem:$0x3FAB] =	sst s1  }
0xa: {  	[smem:$0x3FAC] =	sst s2  }
0xb: {  	[smem:$0x3FAD] =	sst s3  }
0xc: {  	[smem:$0x3FAE] =	sst s4  }
0xd: {  	[smem:$0x3FAF] =	sst s5  }
0xe: {  	[smem:$0x3FB0] =	sst s6  }
0xf: {  	[smem:$0x3FB1] =	sst s7  }
0x10: {  	[smem:$0x3FB2] =	sst s8  }
0x11: {  	[smem:$0x3FB3] =	sst s9;
	s0 =	simm.s32 @!p0 $0x0  }
0x12: {  	s1 =	sld [smem:$0x3F99];
	s0 =	simm.s32 @p0 $0x1  }
0x13: {  	[smem:$0x3FB4] =	sst s0;
	s0 =	simm.s32 @!p1 $0x0  }
0x14: {  	s2 =	sld [smem:$0x3F98];
	s0 =	simm.s32 @p1 $0x1  }
0x15: {  	[smem:$0x3FB5] =	sst s0;
	s0 =	simm.s32 @!p2 $0x0  }
0x16: {  	s3 =	sld [smem:$0x3FDB];
	s0 =	simm.s32 @p2 $0x1  }
0x17: {  	s4 =	simm.s32 $0x1BF5;
	[smem:$0x3FB7] =	sst s0  }
0x18: {  	s0 =	sld [smem:$0x3F9A];
	_ =	swait.ge [sflag:s4], $0x0  }
0x19: {  	s7 =	sld [smem:$0x3F9B]  }
0x1a: {  	s8 =	sadd.s32 $0xFFFFE003, lr  }
0x1b: {  	s9 =	sadd.s32 $0xFFFFFEF7, lr;
	s5 =	simm.s32 $0xFFFFFFFF;
	p2 =	slt.u32 s8, $0xFFFFF086  }
0x1c: {  	p1 =	slt.u32 s9, $0xF7A;
	s5 =	simm.s32 @!p2 $0x0  }
0x1d: {  	s5 =	simm.s32 @p1 $0x1;
	p0 =	seq.s32 s7, s2  }
0x1e: {  	s7 =	smul.u32 @!p0 $0xF7A, s2;
	p2 =	seq.s32 @!p0 s5, $0x0  }
0x1f: {  	s9 =	smul.u32 $0xF7A, s1;
	s8 =	simm.s32 @!p0 $0x1BF5;
	p2 =	por !p2, p0  }
0x20: {  	[sflag:s8] =	ssyncset.s32 @!p0 $0xFFFFF086;
	s6 =	sadd.s32 @!p0 s3, s7;
	s7 =	simm.s32 @!p0 $0x108  }
0x21: {  	s3 =	sadd.s32 s3, s9;
	s6 =	sadd.s32 @!p0 $0x88, s6;
	s7 =	simm.s32 @p2 $0x1082  }
0x22: {  	[simem:s7], [sflag:s8] =	dma.local @!p0 [hbm:s6], $0xF7A  }
0x23: {  	s9 =	sor.u32 $0xD0000000, s2;
	s6 =	simm.s32 $0x108;
	_ =	swait.ge @!p0 [sflag:s8], $0x0  }
0x24: {  	s3 =	sadd.s32 $0x88, s3;
	s6 =	simm.s32 @!p1 $0x1082;
	[sflag:s4] =	ssyncset.s32 $0xFFFFF086  }
0x25: {  	[simem:s6], [sflag:s4] =	dma.local [hbm:s3], $0xF7A  }
0x26: {  	[smem:$0x3F9B] =	sst s1;
	(tag) =	ssettag s2;
	_ =	strace s9  }
0x27: {  	s1 =	sld [smem:$0x3FAB]  }
0x28: {  	s2 =	sld [smem:$0x3FAC]  }
0x29: {  	s4 =	sld [smem:$0x3FAE]  }
0x2a: {  	p0 =	seq.s32 s5, $0x0;
	s5 =	sld [smem:$0x3FAF]  }
0x2b: {  	s6 =	sld [smem:$0x3FB0]  }
0x2c: {  	s7 =	sld [smem:$0x3FB1]  }
0x2d: {  	s3 =	simm.s32 $0x108;
	s8 =	sld [smem:$0x3FB2]  }
0x2e: {  	s3 =	simm.s32 @!p0 $0x1082;
	s9 =	sld [smem:$0x3FB3]  }
0x2f: {  	lr =	sadd.s32 s0, s3;
	s0 =	sld [smem:$0x3FAA]  }
0x30: {  	s3 =	sld [smem:$0x3FAD]  }
0x31: {  	[smem:$0x3FB6] =	sst s10  }
0x32: {  	s10 =	sld [smem:$0x3FB4];
	_ =	sdelay $0x3  }
0x33: {  	p0 =	seq.s32 s10, $0x1;
	s10 =	sld [smem:$0x3FB6];
	_ =	sdelay $0x3  }
0x34: {  	[smem:$0x3FB6] =	sst s10  }
0x35: {  	s10 =	sld [smem:$0x3FB5];
	_ =	sdelay $0x3  }
0x36: {  	p1 =	seq.s32 s10, $0x1;
	s10 =	sld [smem:$0x3FB6];
	_ =	sdelay $0x3  }
0x37: {  	[smem:$0x3FB6] =	sst s10  }
0x38: {  	s10 =	sld [smem:$0x3FB7]  }
0x39: {  	_ = 	snop;
	(pc) =	sbr.ind lr, $3  }
0x3a: {  	_ = 	snop  }
0x3b: {  	_ = 	snop  }
0x3c: {  	p2 =	seq.s32 s10, $0x1;
	s10 =	sld [smem:$0x3FB6]  }
0x3d: {  	_ =	shalt  }
0x3e: {  	_ =	shalt  }
0x3f: {  	_ =	shalt  }
0x40: {  	_ =	shalt  }
0x41: {  	_ =	shalt  }
0x42: {  	_ =	shalt  }
0x43: {  	_ =	shalt  }
0x44: {  	_ =	shalt  }
0x45: {  	_ =	shalt  }
0x46: {  	_ =	shalt  }
0x47: {  	_ =	shalt  }
0x48: {  	_ =	shalt  }
0x49: {  	_ =	shalt  }
0x4a: {  	_ =	shalt  }
0x4b: {  	_ =	shalt  }
0x4c: {  	_ =	shalt  }
0x4d: {  	_ =	shalt  }
0x4e: {  	_ =	shalt  }
0x4f: {  	_ =	shalt  }
0x50: {  	_ =	shalt  }
0x51: {  	_ =	shalt  }
0x52: {  	_ =	shalt  }
0x53: {  	_ =	shalt  }
0x54: {  	_ =	shalt  }
0x55: {  	_ =	shalt  }
0x56: {  	_ =	shalt  }
0x57: {  	_ =	shalt  }
0x58: {  	_ =	shalt  }
0x59: {  	_ =	shalt  }
0x5a: {  	_ =	shalt  }
0x5b: {  	_ =	shalt  }
0x5c: {  	_ =	shalt  }
0x5d: {  	_ =	shalt  }
0x5e: {  	_ =	shalt  }
0x5f: {  	_ =	shalt  }
0x60: {  	_ =	shalt  }
0x61: {  	_ =	shalt  }
0x62: {  	_ =	shalt  }
0x63: {  	_ =	shalt  }
0x64: {  	_ =	shalt  }
0x65: {  	_ =	shalt  }
0x66: {  	_ =	shalt  }
0x67: {  	_ =	shalt  }
0x68: {  	_ =	shalt  }
0x69: {  	_ =	shalt  }
0x6a: {  	_ =	shalt  }
0x6b: {  	_ =	shalt  }
0x6c: {  	_ =	shalt  }
0x6d: {  	_ =	shalt  }
0x6e: {  	_ =	shalt  }
0x6f: {  	_ =	shalt  }
0x70: {  	_ =	shalt  }
0x71: {  	_ =	shalt  }
0x72: {  	_ =	shalt  }
0x73: {  	_ =	shalt  }
0x74: {  	_ =	shalt  }
0x75: {  	_ =	shalt  }
0x76: {  	_ =	shalt  }
0x77: {  	_ =	shalt  }
0x78: {  	_ =	shalt  }
0x79: {  	_ =	shalt  }
0x7a: {  	_ =	shalt  }
0x7b: {  	_ =	shalt  }
0x7c: {  	_ =	shalt  }
0x7d: {  	_ =	shalt  }
0x7e: {  	_ =	shalt  }
0x7f: {  	_ =	shalt  }
0x80: {  	_ =	shalt  }
0x81: {  	_ =	shalt  }
0x82: {  	_ =	shalt  }
0x83: {  	_ =	shalt  }
0x84: {  	_ =	shalt  }
0x85: {  	_ =	shalt  }
0x86: {  	_ =	shalt  }
0x87: {  	_ =	shalt  }
.Lfunc_end0:
.L_simem_size_0:
called_computation_lowered:
.L_overlay_start_0:
0x88: {  	s2 =	sld [smem:$0x3FD9]  }
0x89: {  	s3 =	sld [smem:$0x3FFE];
	_ =	sdelay $0x1  }
0x8a: {  	s1 =	srdreg.scid  }
0x8b: {  	s0 =	sand.u32 $0x1, s1  }
0x8c: {  	s17 =	sshll.u32 s0, $0xA;
	s2 =	sadd.s32 s3, s2  }
0x8d: {  	s2 =	sadd.s32 s2, s17  }
0x8e: {  	[smem:$0x3FC2] =	sst s2  }
0x8f: {  	_ = 	snop  }
0x90: {  	s2 =	sld [smem:$0x3FD0];
	(tm) =	ssettm $0x1  }
0x91: {  	s18 =	sld [smem:$0x3FFB];
	_ =	sdelay $0x3  }
0x92: {  	_ =	strace s18  }
0x93: {  	s3 =	sld [smem:$0x3FFC];
	_ =	sdelay $0x3  }
0x94: {  	_ =	strace s3  }
0x95: {  	s3 =	sld [smem:$0x3FFD];
	_ =	sdelay $0x3  }
0x96: {  	_ =	strace s3  }
0x97: {  	_ =	strace $0x8FFFFFFF  }
0x98: {  	s19 =	sld [smem:$0x3FDB];
	_ =	sdelay $0x1  }
0x99: {  	s4 =	simm.s32 $_scs_section_size  }
0x9a: {  	s5 =	simm.s32 $_size__tile_overlayer_lowered;
	s6 =	simm.s32 $_tile_overlayer_lowered  }
0x9b: {  	s22 =	simm.s32 $0x1BFF;
	s21 =	sshll.u32 s6, $0x1;
	s3 =	sadd.s32 s4, s19  }
0x9c: {  	s7 =	simm.s32 $0x0;
	s20 =	sshll.u32 s5, $0x1;
	s5 =	sadd.s32 s21, s3  }
0x9d: {  	[timem:s7], [sflag:s22] =	dma.local [hbm:s5], s20  }
0x9e: {  	_ =	swait.ge [sflag:s22], s20  }
0x9f: {  	s4 =	ssub.s32 $0x0, s20;
	[sflag:s22] =	ssyncset.done $0x0  }
0xa0: {  	[sflag:s22] =	ssyncadd.s32 s4;
	_ =	sdelay $0x1  }
0xa1: {  	s23 =	simm.s32 $0x1B8B  }
0xa2: {  	_ =	swait.ge [sflag:s23], $0x1  }
0xa3: {  	[sflag:s23] =	ssyncset.done $0x0  }
0xa4: {  	s25 =	simm.s32 $0x1B8E;
	s24 =	sld [smem:$0x3FFE];
	[sflag:s23] =	ssyncadd.s32 $0xFFFFFFFF  }
0xa5: {  	s26 =	simm.s32 $execute0_lowered;
	[smem:$0x3FD2] =	sst s25  }
0xa6: {  	s5 =	sshll.u32 s26, $0x1;
	_ =	strace $0x80000046;
	[dreg:$0x1] =	wrdreg $0xFFFFFFFF  }
0xa7: {  	s28 =	simm.s32 $_size_execute0_lowered;
	s3 =	sadd.s32 s3, s5;
	[dreg:$0x0] =	wrdreg $0x0  }
0xa8: {  	s5 =	sshll.u32 s28, $0x1;
	[dreg:$0x2] =	wrdreg s3  }
0xa9: {  	[dreg:$0x3] =	wrdreg s5  }
0xaa: {  	[dreg:$0x4] =	wrdreg $0xC0  }
0xab: {  	_ =	task [dreg:s7], $0x5FFFF  }
0xac: {  	[dreg:$0x1] =	wrdreg $0xFFFFFFFF  }
0xad: {  	[dreg:$0x0] =	wrdreg $0x60  }
0xae: {  	[dreg:$0x2] =	wrdreg s2  }
0xaf: {  	[dreg:$0x3] =	wrdreg s24  }
0xb0: {  	[dreg:$0x4] =	wrdreg $0x0  }
0xb1: {  	[dreg:$0x5] =	wrdreg $0x9  }
0xb2: {  	_ =	task.clear_ibuf [dreg:s7], $0x6FFFF;
	_ =	strace $0x90000046  }
0xb3: {  	s29 =	simm.s32 $0x9;
	_ =	strace $0x80000048  }
0xb4: {  	_ =	swait.ge [sflag:s29], $0x1  }
0xb5: {  	[sflag:s29] =	ssyncadd.s32 $0xFFFFFFFF  }
0xb6: {  	_ =	strace $0x90000048  }
0xb7: {  	_ =	sfence  }
0xb8: {  	s30 =	sld [smem:$0x0];
	_ =	sdelay $0x2  }
0xb9: {  	s31 =	sshll.u32 s1, $0xD;
	s1 =	sshrl.u32 s1, $0x2  }
0xba: {  	s3 =	sand.u32 $0x4000, s31;
	s1 =	sadd.s32 s1, s30  }
0xbb: {  	s0 =	sor.u32 s3, s0;
	s1 =	sshll.u32 s1, $0x11  }
0xbc: {  	s0 =	sor.u32 s1, s0  }
0xbd: {  	s0 =	sadd.s32 $0x8F2B, s0  }
0xbe: {  	[sflag:s0] =	ssyncadd.remote.s32 $0x1  }
0xbf: {  	_ =	sfence.sel $0xFFFF  }
0xc0: {  	[dreg:$0x0] =	wrdreg $0xFFFFFFFF;
	(pc) =	sbr.abs _section_cstart, $3  }
0xc1: {  	[dreg:$0x1] =	wrdreg $0xFFFFFFFF  }
0xc2: {  	_ =	task.clear_ibuf [dreg:s7], $0x2FFFF;
	_ =	strace $0x9FFFFFFF  }
0xc3: {  	(tm) =	ssettm $0x7FFFFFFF  }
tec
execute0_lowered:
.L_overlay_start_1:
0x0: {  	(tag) =	ssettag $0x1  }
0x1: {  	s7 =	rddreg [dreg:$0x0]  }
0x2: {  	s6 =	rddreg [dreg:$0x1]  }
0x3: {  	s1 =	rddreg [dreg:$0x2]  }
0x4: {  	s2 =	srdreg.scid;
	s0 =	rddreg [dreg:$0x3];
	s3 =	simm.s32 $0x0  }
0x5: {  	s15 =	simm.s32 $0x1;
	s16 =	simm.s32 $0x2;
	s17 =	simm.s32 $0x3  }
0x6: {  	s18 =	simm.s32 $0x28;
	s20 =	simm.s32 $0x4;
	s8 =	sand.u32 $0x1, s2  }
0x7: {  	s21 =	simm.s32 $0x0;
	s2 =	stileid.u32;
	s5 =	smul.u32 $0x13C000, s8  }
0x8: {  	[smem:$0x7FF] =	sst s3;
	s4 =	sadd.s32 $0x1800, s6;
	s9 =	smul.u32 $0x13C00, s2  }
0x9: {  	_ =	strace $0x80000047;
	s10 =	ssub.s32 $0x2, s8;
	s12 =	smul.u32 $0x4F000, s2  }
0xa: {  	s13 =	sshrl.u32 s2, $0x2;
	s14 =	sshll.u32 s2, $0x8;
	s8 =	sshll.u32 s8, $0x7  }
0xb: {  	s19 =	sshll.u32 s2, $0x6;
	s11 =	sshrl.u32 s10, $0x1;
	s13 =	smul.u32 $0xA000, s13  }
0xc: {  	s14 =	sand.u32 $0x300, s14;
	s9 =	sadd.s32 s9, s5;
	s5 =	sadd.s32 $0x1400, s6  }
0xd: {  	s10 =	ssub.s32 s10, s11;
	s28 =	sor.u32 s8, s14;
	s29 =	sshrl.u32 s12, $0x2  }
0xe: {  	s11 =	simm.s32 $0x15000;
	s14 =	simm.s32 $0x13C00;
	s9 =	sshrl.u32 s9, $0x3  }
0xf: {  	s30 =	sor.u32 s13, s28;
	s12 =	sadd.s32 s29, s1;
	s13 =	simm.s32 $0x400  }
0x10: {  	s9 =	sadd.s32 s9, s6;
	s6 =	sor.u32 $0x1C01, s19;
	s31 =	sshrl.u32 s30, $0x3  }
0x11: {  	s19 =	sor.u32 $0x1C04, s19;
	s7 =	sadd.s32 s7, s31;
	s8 =	sadd.s32 $0x4000, s9  }
0x12: {  	s9 =	smax.u32 s10, $0x1;
	s10 =	sshrl.u32 s12, $0x3;
	s12 =	simm.s32 $0x80  }
.LBB2_1:
0x13: {  	[spmem:s10], [sflag:s6] =	dma.local [hbm:s4], $0x2780  }
0x14: {  	[tilespmem:s11], [sflag:$0x2] =	stream.linear.gather [hbm4b:s5+s3], $0x1400, $0x38;
	[tilespmem:$0x16400] =	vst v63  }
0x15: {  	_ = 	snop  }
0x16: {  	[tilespmem:s14], [sflag:$0x3] =	stream.strided.gather [hbm4b:s7+s12], $0x1400, s13, s12, $0x38;
	[tilespmem:$0x16400] =	vst v63  }
0x17: {  	_ =	swait.ge [sflag:s15], $0x2780  }
0x18: {  	[sflag:s15] =	ssyncset.done $0x0  }
0x19: {  	[sflag:s15] =	ssyncadd.s32 $0xFFFFD880  }
0x1a: {  	_ =	swait.ge [sflag:s16], $0x1400  }
0x1b: {  	[sflag:s16] =	ssyncset.done $0x0  }
0x1c: {  	[sflag:s16] =	ssyncadd.s32 $0xFFFFEC00  }
0x1d: {  	_ =	swait.ge [sflag:s17], $0x1400  }
0x1e: {  	[sflag:s17] =	ssyncset.done $0x0  }
0x1f: {  	[sflag:s17] =	ssyncadd.s32 $0xFFFFEC00  }
0x20: {  	s22 =	simm.s32 $0x13C00;
	[bflag:$0x0] =	sbarrier.arrive $0xFFFF  }
0x21: {  	[spmem:s1] =	stream.indirect.scatter.add.f32 [tilespmem:s11], [sflag:$0x1], $0x80, s22, s18, $0xb8;
	[tilespmem:$0x16400] =	vst v63  }
0x22: {  	s28 =	simm.s32 $0x13C28  }
0x23: {  	[spmem:s1] =	stream.indirect.scatter.add.f32 [tilespmem:s11], [sflag:$0x1], $0x80, s28, s18, $0xb8;
	[tilespmem:$0x16400] =	vst v63  }
0x24: {  	s29 =	simm.s32 $0x13C50  }
0x25: {  	[spmem:s1] =	stream.indirect.scatter.add.f32 [tilespmem:s11], [sflag:$0x1], $0x80, s29, s18, $0xb8;
	[tilespmem:$0x16400] =	vst v63  }
0x26: {  	s30 =	simm.s32 $0x13C78  }
0x27: {  	[spmem:s1] =	stream.indirect.scatter.add.f32 [tilespmem:s11], [sflag:$0x1], $0x80, s30, s18, $0xb8;
	[tilespmem:$0x16400] =	vst v63  }
0x28: {  	s31 =	simm.s32 $0x13CA0  }
0x29: {  	[spmem:s1] =	stream.indirect.scatter.add.f32 [tilespmem:s11], [sflag:$0x1], $0x80, s31, s18, $0xb8;
	[tilespmem:$0x16400] =	vst v63  }
0x2a: {  	_ =	swait.ge [sflag:s15], $0x1400  }
0x2b: {  	[sflag:s15] =	ssyncset.done $0x0  }
0x2c: {  	[sflag:s15] =	ssyncadd.s32 $0xFFFFEC00  }
0x2d: {  	_ =	swait.ge [sflag:s15], $0x1400  }
0x2e: {  	[sflag:s15] =	ssyncset.done $0x0  }
0x2f: {  	[sflag:s15] =	ssyncadd.s32 $0xFFFFEC00  }
0x30: {  	_ =	swait.ge [sflag:s15], $0x1400  }
0x31: {  	[sflag:s15] =	ssyncset.done $0x0  }
0x32: {  	[sflag:s15] =	ssyncadd.s32 $0xFFFFEC00  }
0x33: {  	_ =	swait.ge [sflag:s15], $0x1400  }
0x34: {  	[sflag:s15] =	ssyncset.done $0x0  }
0x35: {  	[sflag:s15] =	ssyncadd.s32 $0xFFFFEC00  }
0x36: {  	_ =	swait.ge [sflag:s15], $0x1400  }
0x37: {  	s23 =	simm.s32 $0x640;
	s22 =	simm.s32 $0xC8;
	[sflag:s15] =	ssyncset.done $0x0  }
.LBB2_2:
0x38: {  	s24 =	sadd.s32 $0x13C00, s22  }
0x39: {  	[sflag:s15] =	ssyncadd.s32 $0xFFFFEC00;
	s25 =	smov.u32 s23;
	s26 =	sadd.s32 $0x320, s23  }
0x3a: {  	[spmem:s1] =	stream.indirect.scatter.add.f32 [tilespmem:s11], [sflag:$0x1], $0x80, s24, s18, $0xb8;
	[tilespmem:$0x16400] =	vst v63  }
0x3b: {  	p0 =	sne.s32 s23, $0x4B00;
	s23 =	sadd.s32 $0x13C28, s22  }
0x3c: {  	[spmem:s1] =	stream.indirect.scatter.add.f32 [tilespmem:s11], [sflag:$0x1], $0x80, s23, s18, $0xb8;
	[tilespmem:$0x16400] =	vst v63  }
0x3d: {  	s23 =	sadd.s32 $0x13C50, s22  }
0x3e: {  	[spmem:s1] =	stream.indirect.scatter.add.f32 [tilespmem:s11], [sflag:$0x1], $0x80, s23, s18, $0xb8;
	[tilespmem:$0x16400] =	vst v63  }
0x3f: {  	s23 =	sadd.s32 $0x13C78, s22  }
0x40: {  	[spmem:s1] =	stream.indirect.scatter.add.f32 [tilespmem:s11], [sflag:$0x1], $0x80, s23, s18, $0xb8;
	[tilespmem:$0x16400] =	vst v63  }
0x41: {  	s22 =	sadd.s32 $0x13CA0, s22  }
0x42: {  	[spmem:s1] =	stream.indirect.scatter.add.f32 [tilespmem:s11], [sflag:$0x1], $0x80, s22, s18, $0xb8;
	[tilespmem:$0x16400] =	vst v63  }
0x43: {  	_ =	swait.ge [sflag:s15], $0x1400  }
0x44: {  	[sflag:s15] =	ssyncset.done $0x0  }
0x45: {  	[sflag:s15] =	ssyncadd.s32 $0xFFFFEC00  }
0x46: {  	_ =	swait.ge [sflag:s15], $0x1400  }
0x47: {  	[sflag:s15] =	ssyncset.done $0x0  }
0x48: {  	[sflag:s15] =	ssyncadd.s32 $0xFFFFEC00  }
0x49: {  	_ =	swait.ge [sflag:s15], $0x1400  }
0x4a: {  	[sflag:s15] =	ssyncset.done $0x0  }
0x4b: {  	[sflag:s15] =	ssyncadd.s32 $0xFFFFEC00  }
.Ltmp0:
0x4c: {  	_ =	swait.ge [sflag:s15], $0x1400;
	(pc) =	sbr.rel @p0 .LBB2_2-.Ltmp0, $4  }
0x4d: {  	[sflag:s15] =	ssyncset.done $0x0  }
0x4e: {  	[sflag:s15] =	ssyncadd.s32 $0xFFFFEC00  }
0x4f: {  	_ =	swait.ge [sflag:s15], $0x1400  }
0x50: {  	s23 =	smov.u32 s26;
	s22 =	sshra.s32 s25, $0x2;
	[sflag:s15] =	ssyncset.done $0x0  }
0x51: {  	s23 =	sadd.s32 $0x13C00, s22;
	[sflag:s15] =	ssyncadd.s32 $0xFFFFEC00  }
0x52: {  	[spmem:s1] =	stream.indirect.scatter.add.f32 [tilespmem:s11], [sflag:$0x1], $0x80, s23, s18, $0xb8;
	[tilespmem:$0x16400] =	vst v63  }
0x53: {  	s28 =	sadd.s32 $0x13C28, s22  }
0x54: {  	[spmem:s1] =	stream.indirect.scatter.add.f32 [tilespmem:s11], [sflag:$0x1], $0x80, s28, s18, $0xb8;
	[tilespmem:$0x16400] =	vst v63  }
0x55: {  	s29 =	sadd.s32 $0x13C50, s22  }
0x56: {  	[spmem:s1] =	stream.indirect.scatter.add.f32 [tilespmem:s11], [sflag:$0x1], $0x80, s29, s18, $0xb8;
	[tilespmem:$0x16400] =	vst v63  }
0x57: {  	s30 =	sadd.s32 $0x13C78, s22  }
0x58: {  	[spmem:s1] =	stream.indirect.scatter.add.f32 [tilespmem:s11], [sflag:$0x1], $0x80, s30, s18, $0xb8;
	[tilespmem:$0x16400] =	vst v63  }
0x59: {  	s31 =	sadd.s32 $0x13CA0, s22  }
0x5a: {  	[spmem:s1] =	stream.indirect.scatter.add.f32 [tilespmem:s11], [sflag:$0x1], $0x80, s31, s18, $0xb8;
	[tilespmem:$0x16400] =	vst v63  }
0x5b: {  	_ =	swait.ge [sflag:s15], $0x1400  }
0x5c: {  	[sflag:s15] =	ssyncset.done $0x0  }
0x5d: {  	[sflag:s15] =	ssyncadd.s32 $0xFFFFEC00  }
0x5e: {  	_ =	swait.ge [sflag:s15], $0x1400  }
0x5f: {  	[sflag:s15] =	ssyncset.done $0x0  }
0x60: {  	[sflag:s15] =	ssyncadd.s32 $0xFFFFEC00  }
0x61: {  	_ =	swait.ge [sflag:s15], $0x1400  }
0x62: {  	[sflag:s15] =	ssyncset.done $0x0  }
0x63: {  	[sflag:s15] =	ssyncadd.s32 $0xFFFFEC00  }
0x64: {  	_ =	swait.ge [sflag:s15], $0x1400  }
0x65: {  	[sflag:s15] =	ssyncset.done $0x0  }
0x66: {  	[sflag:s15] =	ssyncadd.s32 $0xFFFFEC00  }
0x67: {  	_ =	swait.ge [sflag:s15], $0x1400  }
0x68: {  	s21 =	sadd.s32 $0x1, s21;
	[sflag:s15] =	ssyncset.done $0x0  }
0x69: {  	p0 =	sne.s32 s21, s9;
	[sflag:s15] =	ssyncadd.s32 $0xFFFFEC00  }
.Ltmp1:
0x6a: {  	[bflag:$0x0] =	sbarrier.arrive $0xFFFF;
	(pc) =	sbr.rel @p0 .LBB2_1-.Ltmp1, $4  }
0x6b: {  	[hbm:s8], [sflag:s19] =	dma.local [spmem:s10], $0x2780  }
0x6c: {  	_ =	swait.ge [sflag:s20], $0x2780  }
0x6d: {  	[sflag:s20] =	ssyncset.done $0x0  }
0x6e: {  	[sflag:s20] =	ssyncadd.s32 $0xFFFFD880  }
0x6f: {  	_ =	sfence.sel $0x180000  }
0x70: {  	[bflag:$0x0] =	sbarrier.arrive $0xFFFF  }
0x71: {  	p0 =	sne.s32 s2, $0x0;
	_ =	strace $0x90000047  }
0x72: {  	s0 =	sadd.s32 @!p0 $0x100000, s0;
	[bflag:$0x2] =	sbarrier.arrive $0xFFFF  }
0x73: {  	[sflag:s0] =	ssyncadd.tile.s32 @!p0 $0x1;
	_ =	shalt  }
.Lfunc_end2:
_tile_overlayer_lowered:
.L_overlay_start_2:
0x74: {  	(tag) =	ssettag $0x2  }
0x75: {  	s0 =	rddreg [dreg:$0x0];
	s2 =	stileid.u32  }
0x76: {  	s1 =	rddreg [dreg:$0x1];
	p0 =	sne.s32 s2, $0x0  }
0x77: {  	s3 =	rddreg [dreg:$0x2];
	[bflag:$0x3] =	sbarrier.arrive $0xFFFF;
	s2 =	simm.s32 @!p0 $0x1C04  }
0x78: {  	[timem:s3], [sflag:s2] =	dma.local @!p0 [hbm:s0], s1  }
0x79: {  	s0 =	simm.s32 @!p0 $0x4  }
0x7a: {  	_ =	swait.ge @!p0 [sflag:s0], s1  }
0x7b: {  	s1 =	ssub.s32 @!p0 $0x0, s1;
	[sflag:s0] =	ssyncset.done @!p0 $0x0  }
0x7c: {  	[sflag:s0] =	ssyncadd.s32 @!p0 s1  }
0x7d: {  	[bflag:$0x3] =	sbarrier.arrive $0xFFFF  }
0x7e: {  	_ =	shalt  }

</sc_bundles>
